<compile_context>
chip_gen: v7x
topology: tpu7x:2x2x1
jax: 0.10.2.dev20260603
libtpu: 0.0.44.dev20260713+nightly
codegen_flags: <defaults>
</compile_context>

<pallas_src>
import functools

import jax
import jax.numpy as jnp
from jax import lax
from jax.experimental import pallas as pl
from jax.experimental.pallas import tpu as pltpu
from jax.experimental.pallas import tpu_sc as plsc

N_REAL = 10000
D = 128
DH = D // 2
E_REAL = 320000

NC = 2
NS = 16
NW = NC * NS
CHUNK = 128
N_CHUNKS = E_REAL // CHUNK
DEG_BASE = N_CHUNKS // NW
DEG_EXTRA = N_CHUNKS - DEG_BASE * NW
SCAT_BASE = N_CHUNKS // NS
SCAT_EXTRA = N_CHUNKS - SCAT_BASE * NS
N_P = 10240
ROWS_PER_TILE = N_P // NS
BLK = 5120
NBUF = 6

_mesh = plsc.VectorSubcoreMesh(core_axis_name="c", subcore_axis_name="s")


def _mm_nt(a, b):
    return lax.dot_general(a, b, (((1,), (1,)), ((), ())),
                           preferred_element_type=jnp.float32)


@functools.partial(
    pl.kernel,
    out_type=jax.ShapeDtypeStruct((NC, N_P), jnp.float32),
    mesh=_mesh,
    scratch_types=[
        pltpu.VMEM((DEG_BASE + 1, CHUNK), jnp.int32),
        pltpu.VMEM((CHUNK,), jnp.float32),
        pltpu.VMEM((ROWS_PER_TILE,), jnp.float32),
        pltpu.VMEM_SHARED((N_P,), jnp.float32),
        pltpu.SemaphoreType.DMA,
    ],
    compiler_params=pltpu.CompilerParams(use_tc_tiling_on_sc=False),
)
def _sc_degree(ei_hbm, out_hbm, idx_v, ones_v, buf_v, acc_sh, dsem):
    c = lax.axis_index("c")
    s = lax.axis_index("s")
    wid = s * NC + c
    start = wid * DEG_BASE + jnp.minimum(wid, DEG_EXTRA)

    def fill16(i, _):
        ones_v[pl.ds(i * 16, 16)] = jnp.ones((16,), jnp.float32)
        return 0
    lax.fori_loop(0, CHUNK // 16, fill16, 0)

    def zero16(i, _):
        buf_v[pl.ds(i * 16, 16)] = jnp.zeros((16,), jnp.float32)
        return 0
    lax.fori_loop(0, ROWS_PER_TILE // 16, zero16, 0)

    pltpu.sync_copy(buf_v, acc_sh.at[pl.ds(s * ROWS_PER_TILE, ROWS_PER_TILE)])
    plsc.subcore_barrier()

    pltpu.sync_copy(ei_hbm.at[1, pl.ds(start, DEG_BASE)],
                    idx_v.at[pl.ds(0, DEG_BASE)])

    @pl.when(wid < DEG_EXTRA)
    def _():
        pltpu.sync_copy(ei_hbm.at[1, start + DEG_BASE], idx_v.at[DEG_BASE])

    def body(j, _):
        pltpu.async_copy(ones_v, acc_sh.at[idx_v.at[j]], dsem, add=True)
        return 0
    lax.fori_loop(0, DEG_BASE, body, 0)

    @pl.when(wid < DEG_EXTRA)
    def _():
        pltpu.async_copy(ones_v, acc_sh.at[idx_v.at[DEG_BASE]], dsem, add=True)

    def drain(j, _):
        pltpu.make_async_copy(ones_v, acc_sh.at[idx_v.at[0]], dsem).wait()
        return 0
    lax.fori_loop(0, DEG_BASE, drain, 0)

    @pl.when(wid < DEG_EXTRA)
    def _():
        pltpu.make_async_copy(ones_v, acc_sh.at[idx_v.at[0]], dsem).wait()

    plsc.subcore_barrier()
    rows = pl.ds(s * ROWS_PER_TILE, ROWS_PER_TILE)
    pltpu.sync_copy(acc_sh.at[rows], buf_v)
    pltpu.sync_copy(buf_v, out_hbm.at[c, rows])


def _fused_body(x_ref, w1_ref, b1_ref, wg_ref, dt_ref,
                glo_ref, ghi_ref, dinv_ref):
    h = jnp.maximum(_mm_nt(x_ref[...], w1_ref[...]) + b1_ref[...], 0.0)
    hw = _mm_nt(h, wg_ref[...])
    deg = dt_ref[:, 0:1] + dt_ref[:, 1:2] + 1.0
    dinv = lax.rsqrt(deg)
    dinv_ref[...] = dinv
    g = hw * dinv
    gb = g.astype(jnp.bfloat16)
    glo_ref[...] = gb[:, :DH]
    ghi_ref[...] = gb[:, DH:]


def _tc_fused(xp, W1, b1_2d, Wg, degt):
    return pl.pallas_call(
        _fused_body,
        grid=(N_P // BLK,),
        in_specs=[
            pl.BlockSpec((BLK, D), lambda i: (i, 0)),
            pl.BlockSpec((D, D), lambda i: (0, 0)),
            pl.BlockSpec((1, D), lambda i: (0, 0)),
            pl.BlockSpec((D, D), lambda i: (0, 0)),
            pl.BlockSpec((BLK, 2), lambda i: (i, 0)),
        ],
        out_specs=[
            pl.BlockSpec((BLK, DH), lambda i: (i, 0)),
            pl.BlockSpec((BLK, DH), lambda i: (i, 0)),
            pl.BlockSpec((BLK, 1), lambda i: (i, 0)),
        ],
        out_shape=[
            jax.ShapeDtypeStruct((N_P, DH), jnp.bfloat16),
            jax.ShapeDtypeStruct((N_P, DH), jnp.bfloat16),
            jax.ShapeDtypeStruct((N_P, 1), jnp.float32),
        ],
    )(xp, W1, b1_2d, Wg, degt)


@functools.partial(
    pl.kernel,
    out_type=[
        jax.ShapeDtypeStruct((N_P, DH), jnp.bfloat16),
        jax.ShapeDtypeStruct((N_P, DH), jnp.bfloat16),
    ],
    mesh=_mesh,
    scratch_types=[
        pltpu.VMEM((SCAT_BASE + 1, CHUNK), jnp.int32),
        pltpu.VMEM((SCAT_BASE + 1, CHUNK), jnp.int32),
        pltpu.VMEM((NBUF, CHUNK, DH), jnp.bfloat16),
        pltpu.VMEM_SHARED((N_P, DH), jnp.bfloat16),
        [pltpu.SemaphoreType.DMA] * NBUF,
        [pltpu.SemaphoreType.DMA] * NBUF,
    ],
    compiler_params=pltpu.CompilerParams(use_tc_tiling_on_sc=False),
)
def _sc_scatter(ei_hbm, glo_hbm, ghi_hbm, outlo_hbm, outhi_hbm,
                src_v, dst_v, ring, acc_sh, gsems, ssems):
    c = lax.axis_index("c")
    s = lax.axis_index("s")
    start = s * SCAT_BASE + jnp.minimum(s, SCAT_EXTRA)
    cnt = SCAT_BASE + jnp.where(s < SCAT_EXTRA, 1, 0)

    def zero_row(i, _):
        ring[0, i // (DH // 32), pl.ds((i % (DH // 32)) * 32, 32)] = (
            jnp.zeros((32,), jnp.bfloat16))
        return 0
    lax.fori_loop(0, CHUNK * (DH // 32), zero_row, 0)

    def zero_acc(k, _):
        pltpu.sync_copy(ring.at[0],
                        acc_sh.at[pl.ds(s * ROWS_PER_TILE + k * CHUNK, CHUNK)])
        return 0
    lax.fori_loop(0, ROWS_PER_TILE // CHUNK, zero_acc, 0)
    plsc.subcore_barrier()

    pltpu.sync_copy(ei_hbm.at[0, pl.ds(start, SCAT_BASE)],
                    src_v.at[pl.ds(0, SCAT_BASE)])
    pltpu.sync_copy(ei_hbm.at[1, pl.ds(start, SCAT_BASE)],
                    dst_v.at[pl.ds(0, SCAT_BASE)])

    @pl.when(s < SCAT_EXTRA)
    def _():
        pltpu.sync_copy(ei_hbm.at[0, start + SCAT_BASE], src_v.at[SCAT_BASE])
        pltpu.sync_copy(ei_hbm.at[1, start + SCAT_BASE], dst_v.at[SCAT_BASE])

    def gather(g_hbm):
        for k in range(NBUF - 1):
            pltpu.async_copy(g_hbm.at[src_v.at[k]], ring.at[k], gsems[k])

        def body(jj, _):
            for k in range(NBUF):
                j = jj * NBUF + k
                m = (k + NBUF - 1) % NBUF
                pltpu.make_async_copy(g_hbm.at[src_v.at[j]], ring.at[k],
                                      gsems[k]).wait()

                @pl.when(jnp.logical_and(j >= 1, j + NBUF - 1 < cnt))
                def _():
                    pltpu.make_async_copy(ring.at[m],
                                          acc_sh.at[dst_v.at[j]],
                                          ssems[m]).wait()

                @pl.when(j + NBUF - 1 < cnt)
                def _():
                    pltpu.async_copy(g_hbm.at[src_v.at[j + NBUF - 1]],
                                     ring.at[m], gsems[m])

                pltpu.async_copy(ring.at[k], acc_sh.at[dst_v.at[j]],
                                 ssems[k], add=True)
            return 0
        lax.fori_loop(0, SCAT_BASE // NBUF, body, 0)

        @pl.when(cnt > SCAT_BASE)
        def _():
            pltpu.make_async_copy(g_hbm.at[src_v.at[SCAT_BASE]], ring.at[0],
                                  gsems[0]).wait()
            pltpu.async_copy(ring.at[0], acc_sh.at[dst_v.at[SCAT_BASE]],
                             ssems[0], add=True)

        for k in range(NBUF):
            pltpu.make_async_copy(ring.at[k], acc_sh.at[dst_v.at[0]],
                                  ssems[k]).wait()

    @pl.when(c == 0)
    def _():
        gather(glo_hbm)

    @pl.when(c == 1)
    def _():
        gather(ghi_hbm)

    plsc.subcore_barrier()

    def writeout(out_hbm):
        def wo(k, _):
            off = s * ROWS_PER_TILE + k * CHUNK
            pltpu.sync_copy(acc_sh.at[pl.ds(off, CHUNK)], ring.at[0])
            pltpu.sync_copy(ring.at[0], out_hbm.at[pl.ds(off, CHUNK)])
            return 0
        lax.fori_loop(0, ROWS_PER_TILE // CHUNK, wo, 0)

    @pl.when(c == 0)
    def _():
        writeout(outlo_hbm)

    @pl.when(c == 1)
    def _():
        writeout(outhi_hbm)


def _out_body(alo_ref, ahi_ref, glo_ref, ghi_ref, dinv_ref, bg_ref,
              w2_ref, b2_ref, o_ref):
    dinv = dinv_ref[...]
    alo = alo_ref[...].astype(jnp.float32)
    ahi = ahi_ref[...].astype(jnp.float32)
    glo = glo_ref[...].astype(jnp.float32)
    ghi = ghi_ref[...].astype(jnp.float32)
    conv = jnp.concatenate(
        [(alo + glo) * dinv,
         (ahi + ghi) * dinv], axis=1) + bg_ref[...]
    h2 = jnp.maximum(conv, 0.0)
    o_ref[...] = _mm_nt(h2, w2_ref[...]) + b2_ref[...]


OBLK = 5000


def _tc_out(alo, ahi, glo, ghi, dinv, bg_2d, W2, b2_2d):
    return pl.pallas_call(
        _out_body,
        grid=(N_REAL // OBLK,),
        in_specs=[
            pl.BlockSpec((OBLK, DH), lambda i: (i, 0)),
            pl.BlockSpec((OBLK, DH), lambda i: (i, 0)),
            pl.BlockSpec((OBLK, DH), lambda i: (i, 0)),
            pl.BlockSpec((OBLK, DH), lambda i: (i, 0)),
            pl.BlockSpec((OBLK, 1), lambda i: (i, 0)),
            pl.BlockSpec((1, D), lambda i: (0, 0)),
            pl.BlockSpec((D, D), lambda i: (0, 0)),
            pl.BlockSpec((1, D), lambda i: (0, 0)),
        ],
        out_specs=pl.BlockSpec((OBLK, D), lambda i: (i, 0)),
        out_shape=jax.ShapeDtypeStruct((N_REAL, D), jnp.float32),
    )(alo, ahi, glo, ghi, dinv, bg_2d, W2, b2_2d)


def kernel(x, edge_index, W1, b1, Wg, bg, W2, b2):
    ei3 = edge_index.astype(jnp.int32).reshape(2, N_CHUNKS, CHUNK)

    b1_2d = b1.reshape(1, D)
    bg_2d = bg.reshape(1, D)
    b2_2d = b2.reshape(1, D)

    degt = _sc_degree(ei3).T

    glo, ghi, dinv = _tc_fused(x, W1, b1_2d, Wg, degt)

    alo, ahi = _sc_scatter(ei3, glo, ghi)

    return _tc_out(alo, ahi, glo, ghi, dinv, bg_2d, W2, b2_2d)

# --- scband reference (transcript-rebuilt; emitter-appended) ---
"""Pipeline reference for scband-gnnlayer-71854802862196 (READ-ONLY COPY).

The authoritative reference and input builder live on the scoring server;
editing this copy changes nothing except your own understanding.
"""

import jax, jax.numpy as jnp
import numpy as np

N_NODES = 10000
N_EDGES = 320000
D_IN = 128
D_HID = 128
D_OUT = 128


def setup_inputs(seed: int = 0) -> dict:
    key = jax.random.key(seed)
    ks = jax.random.split(key, 8)
    x = jax.random.normal(ks[0], (N_NODES, D_IN), dtype=jnp.float32)
    edge_index = jax.random.randint(ks[1], (2, N_EDGES), 0, N_NODES, dtype=jnp.int64)
    # Linear conv1: [hidden, in]
    W1 = jax.random.normal(ks[2], (D_HID, D_IN), dtype=jnp.float32) * (1.0 / np.sqrt(D_IN))
    b1 = jnp.zeros((D_HID,), dtype=jnp.float32)
    # GCNConv weight: [hidden, hidden]
    Wg = jax.random.normal(ks[3], (D_HID, D_HID), dtype=jnp.float32) * (1.0 / np.sqrt(D_HID))
    bg = jnp.zeros((D_HID,), dtype=jnp.float32)
    # Linear conv2: [out, hidden]
    W2 = jax.random.normal(ks[4], (D_OUT, D_HID), dtype=jnp.float32) * (1.0 / np.sqrt(D_HID))
    b2 = jnp.zeros((D_OUT,), dtype=jnp.float32)
    return {"x": x, "edge_index": edge_index, "W1": W1, "b1": b1, "Wg": Wg, "bg": bg, "W2": W2, "b2": b2}


def _gcn_conv(h, edge_index, Wg, bg):
    # PyG GCNConv: linear transform, add self-loops, symmetric normalization, scatter-add, bias
    n = h.shape[0]
    hw = h @ Wg.T
    loop = jnp.arange(n, dtype=edge_index.dtype)
    src = jnp.concatenate([edge_index[0], loop])
    dst = jnp.concatenate([edge_index[1], loop])
    ones = jnp.ones(src.shape[0], dtype=hw.dtype)
    deg = jax.ops.segment_sum(ones, dst, num_segments=n)
    deg_inv_sqrt = jnp.where(deg > 0, 1.0 / jnp.sqrt(deg), 0.0)
    norm = deg_inv_sqrt[src] * deg_inv_sqrt[dst]
    msg = hw[src] * norm[:, None]
    out = jnp.zeros_like(hw).at[dst].add(msg)
    return out + bg


def reference(x, edge_index, W1, b1, Wg, bg, W2, b2):
    h = jax.nn.relu(x @ W1.T + b1)
    h = _gcn_conv(h, edge_index, Wg, bg)
    h = jax.nn.relu(h)
    out = h @ W2.T + b2
    return out

if __name__ == "__main__":
    import jax
    _d = setup_inputs()
    print(jax.jit(kernel)(*tuple(_d.values())))

</pallas_src>

<mosaic_0001>
#map = affine_map<(d0, d1) -> (0, 0, 0)>
#map1 = affine_map<(d0, d1) -> (0, 0)>
module attributes {stable_mosaic.version = 14 : i64} {
  func.func @_sc_degree(%arg0: i32, %arg1: i32, %arg2: memref<2x2500x128xi32, #tpu.memory_space<hbm>>, %arg3: memref<2x10240xf32, #tpu.memory_space<hbm>>, %arg4: memref<79x128xi32, #tpu.memory_space<vmem>>, %arg5: memref<128xf32, #tpu.memory_space<vmem>>, %arg6: memref<640xf32, #tpu.memory_space<vmem>>, %arg7: memref<10240xf32, #tpu.memory_space<vmem_shared>>, %arg8: memref<!tpu.dma_semaphore, #tpu.memory_space<semaphore_mem>>) attributes {dimension_semantics = [#tpu.dimension_semantics<core_parallel>, #tpu.dimension_semantics<subcore_parallel>], iteration_bounds = array<i64: 2, 16>, scalar_prefetch = 0 : i64, scratch_operands = 5 : i64, tpu.core_type = #tpu.core_type<sc_vector_subcore>, window_params = [{transform_indices = #map}, {transform_indices = #map1}]} {
    %mul3A = arith.constant 2 : i32
    %mul3A_0 = arith.muli %arg1, %mul3A : i32
    %add3A = arith.addi %mul3A_0, %arg0 : i32
    %mul3A_1 = arith.constant 78 : i32
    %mul3A_2 = arith.muli %add3A, %mul3A_1 : i32
    %min3A = arith.constant 4 : i32
    %min3A_3 = arith.minsi %add3A, %min3A : i32
    %add3A_4 = arith.addi %mul3A_2, %min3A_3 : i32
    %scan3A = arith.constant 0 : i32
    %scan3A_5 = arith.constant 0 : i32
    %scan3A_6 = arith.constant 8 : i32
    %scan3A_7 = arith.addi %scan3A_5, %scan3A_6 : i32
    %scan3A_8 = arith.constant 1 : i32
    %scan3A_9 = scf.for %scan3A_49 = %scan3A_5 to %scan3A_7 step %scan3A_8 iter_args(%scan3A_50 = %scan3A) -> (i32)  : i32 {
      %broadcast_in_dim3A = arith.constant 1.000000e+00 : f32
      %broadcast_in_dim3A_51 = vector.broadcast %broadcast_in_dim3A : f32 to vector<16xf32>
      %mul3A_52 = arith.constant 16 : i32
      %mul3A_53 = arith.muli %scan3A_49, %mul3A_52 : i32
      %swap3A = arith.index_cast %mul3A_53 : i32 to index
      %swap3A_54 = tpu.vector_load %arg5[%swap3A] {strides = array<i32>} : memref<128xf32, #tpu.memory_space<vmem>>, vector<16xf32>,
      %swap3A_55 = vector.shape_cast %swap3A_54 : vector<16xf32> to vector<16xf32>
      %swap3A_56 = vector.shape_cast %broadcast_in_dim3A_51 : vector<16xf32> to vector<16xf32>
      tpu.vector_store %arg5[%swap3A], %swap3A_56 {strides = array<i32>} : memref<128xf32, #tpu.memory_space<vmem>>, vector<16xf32>,
      %scan3A_57 = arith.constant 0 : i32
      scf.yield %scan3A_57 : i32
    }
    %scan3A_10 = arith.constant 8 : i32
    %scan3A_11 = arith.constant 0 : i32
    %scan3A_12 = arith.constant 0 : i32
    %scan3A_13 = arith.constant 40 : i32
    %scan3A_14 = arith.addi %scan3A_12, %scan3A_13 : i32
    %scan3A_15 = arith.constant 1 : i32
    %scan3A_16 = scf.for %scan3A_49 = %scan3A_12 to %scan3A_14 step %scan3A_15 iter_args(%scan3A_50 = %scan3A_11) -> (i32)  : i32 {
      %broadcast_in_dim3A = arith.constant 0.000000e+00 : f32
      %broadcast_in_dim3A_51 = vector.broadcast %broadcast_in_dim3A : f32 to vector<16xf32>
      %mul3A_52 = arith.constant 16 : i32
      %mul3A_53 = arith.muli %scan3A_49, %mul3A_52 : i32
      %swap3A = arith.index_cast %mul3A_53 : i32 to index
      %swap3A_54 = tpu.vector_load %arg6[%swap3A] {strides = array<i32>} : memref<640xf32, #tpu.memory_space<vmem>>, vector<16xf32>,
      %swap3A_55 = vector.shape_cast %swap3A_54 : vector<16xf32> to vector<16xf32>
      %swap3A_56 = vector.shape_cast %broadcast_in_dim3A_51 : vector<16xf32> to vector<16xf32>
      tpu.vector_store %arg6[%swap3A], %swap3A_56 {strides = array<i32>} : memref<640xf32, #tpu.memory_space<vmem>>, vector<16xf32>,
      %scan3A_57 = arith.constant 0 : i32
      scf.yield %scan3A_57 : i32
    }
    %scan3A_17 = arith.constant 40 : i32
    %mul3A_18 = arith.constant 640 : i32
    %mul3A_19 = arith.muli %arg1, %mul3A_18 : i32
    "tpu.region"() ({
      %run_scoped3A_49 = tpu.sem_alloc : memref<!tpu.dma_semaphore, #tpu.memory_space<semaphore_mem>>
      %dma_start3A = tpu.memref_slice %arg7[%mul3A_19] : memref<10240xf32, #tpu.memory_space<vmem_shared>> -> memref<640xf32, #tpu.memory_space<vmem_shared>>
      %dma_start3A_50 = tpu.memref_slice %arg7[%mul3A_19] : memref<10240xf32, #tpu.memory_space<vmem_shared>> -> memref<640xf32, #tpu.memory_space<vmem_shared>>
      tpu.enqueue_dma source(%arg6 : memref<640xf32, #tpu.memory_space<vmem>>) target(%dma_start3A_50 : memref<640xf32, #tpu.memory_space<vmem_shared>>) target_semaphore(%run_scoped3A_49 : memref<!tpu.dma_semaphore, #tpu.memory_space<semaphore_mem>>)
      %dma_wait3A = tpu.memref_slice %arg7[%mul3A_19] : memref<10240xf32, #tpu.memory_space<vmem_shared>> -> memref<640xf32, #tpu.memory_space<vmem_shared>>
      %dma_wait3A_51 = tpu.memref_slice %arg7[%mul3A_19] : memref<10240xf32, #tpu.memory_space<vmem_shared>> -> memref<640xf32, #tpu.memory_space<vmem_shared>>
      tpu.wait_dma2 semaphore(%run_scoped3A_49 : memref<!tpu.dma_semaphore, #tpu.memory_space<semaphore_mem>>) src(%arg6 : memref<640xf32, #tpu.memory_space<vmem>>) dst(%dma_wait3A_51 : memref<640xf32, #tpu.memory_space<vmem_shared>>)
      tpu.yield
    }) : () -> ()
    %barrier3A = arith.constant 0 : index
    tpu.barrier barrier_id(%barrier3A)
    %run_scoped3A = arith.constant 1 : i32
    "tpu.region"() ({
      %run_scoped3A_49 = tpu.sem_alloc : memref<!tpu.dma_semaphore, #tpu.memory_space<semaphore_mem>>
      %dma_start3A = arith.constant 0 : i32
      %dma_start3A_50 = arith.constant 0 : i32
      %dma_start3A_51 = tpu.memref_slice %arg4[%dma_start3A, %dma_start3A_50] : memref<79x128xi32, #tpu.memory_space<vmem>> -> memref<78x128xi32, #tpu.memory_space<vmem>>
      %dma_start3A_52 = arith.constant 0 : i32
      %dma_start3A_53 = tpu.memref_slice %arg2[%run_scoped3A, %add3A_4, %dma_start3A_52] : memref<2x2500x128xi32, #tpu.memory_space<hbm>> -> memref<1x78x128xi32, #tpu.memory_space<hbm>>
      %dma_start3A_54 = tpu.memref_squeeze %dma_start3A_53 : memref<1x78x128xi32, #tpu.memory_space<hbm>> -> memref<78x128xi32, #tpu.memory_space<hbm>>
      %dma_start3A_55 = arith.constant 0 : i32
      %dma_start3A_56 = arith.constant 0 : i32
      %dma_start3A_57 = tpu.memref_slice %arg4[%dma_start3A_55, %dma_start3A_56] : memref<79x128xi32, #tpu.memory_space<vmem>> -> memref<78x128xi32, #tpu.memory_space<vmem>>
      %dma_start3A_58 = arith.constant 0 : i32
      %dma_start3A_59 = tpu.memref_slice %arg2[%run_scoped3A, %add3A_4, %dma_start3A_58] : memref<2x2500x128xi32, #tpu.memory_space<hbm>> -> memref<1x78x128xi32, #tpu.memory_space<hbm>>
      %dma_start3A_60 = tpu.memref_squeeze %dma_start3A_59 : memref<1x78x128xi32, #tpu.memory_space<hbm>> -> memref<78x128xi32, #tpu.memory_space<hbm>>
      tpu.enqueue_dma source(%dma_start3A_60 : memref<78x128xi32, #tpu.memory_space<hbm>>) target(%dma_start3A_57 : memref<78x128xi32, #tpu.memory_space<vmem>>) target_semaphore(%run_scoped3A_49 : memref<!tpu.dma_semaphore, #tpu.memory_space<semaphore_mem>>)
      %dma_wait3A = arith.constant 0 : i32
      %dma_wait3A_61 = arith.constant 0 : i32
      %dma_wait3A_62 = tpu.memref_slice %arg4[%dma_wait3A, %dma_wait3A_61] : memref<79x128xi32, #tpu.memory_space<vmem>> -> memref<78x128xi32, #tpu.memory_space<vmem>>
      %dma_wait3A_63 = arith.constant 0 : i32
      %dma_wait3A_64 = tpu.memref_slice %arg2[%run_scoped3A, %add3A_4, %dma_wait3A_63] : memref<2x2500x128xi32, #tpu.memory_space<hbm>> -> memref<1x78x128xi32, #tpu.memory_space<hbm>>
      %dma_wait3A_65 = tpu.memref_squeeze %dma_wait3A_64 : memref<1x78x128xi32, #tpu.memory_space<hbm>> -> memref<78x128xi32, #tpu.memory_space<hbm>>
      %dma_wait3A_66 = arith.constant 0 : i32
      %dma_wait3A_67 = arith.constant 0 : i32
      %dma_wait3A_68 = tpu.memref_slice %arg4[%dma_wait3A_66, %dma_wait3A_67] : memref<79x128xi32, #tpu.memory_space<vmem>> -> memref<78x128xi32, #tpu.memory_space<vmem>>
      %dma_wait3A_69 = arith.constant 0 : i32
      %dma_wait3A_70 = tpu.memref_slice %arg2[%run_scoped3A, %add3A_4, %dma_wait3A_69] : memref<2x2500x128xi32, #tpu.memory_space<hbm>> -> memref<1x78x128xi32, #tpu.memory_space<hbm>>
      %dma_wait3A_71 = tpu.memref_squeeze %dma_wait3A_70 : memref<1x78x128xi32, #tpu.memory_space<hbm>> -> memref<78x128xi32, #tpu.memory_space<hbm>>
      tpu.wait_dma2 semaphore(%run_scoped3A_49 : memref<!tpu.dma_semaphore, #tpu.memory_space<semaphore_mem>>) src(%dma_wait3A_71 : memref<78x128xi32, #tpu.memory_space<hbm>>) dst(%dma_wait3A_68 : memref<78x128xi32, #tpu.memory_space<vmem>>)
      tpu.yield
    }) : () -> ()
    %lt3A = arith.constant 4 : i32
    %lt3A_20 = arith.cmpi slt, %add3A, %lt3A : i32
    %convert_element_type3A = arith.extui %lt3A_20 : i1 to i32
    %cond3A = arith.constant 0 : i32
    %cond3A_21 = arith.cmpi ne, %convert_element_type3A, %cond3A : i32
    scf.if %cond3A_21 {
      %add3A_49 = arith.constant 78 : i32
      %add3A_50 = arith.addi %add3A_4, %add3A_49 : i32
      %run_scoped3A_51 = arith.constant 1 : i32
      %run_scoped3A_52 = arith.constant 78 : i32
      "tpu.region"() ({
        %run_scoped3A_53 = tpu.sem_alloc : memref<!tpu.dma_semaphore, #tpu.memory_space<semaphore_mem>>
        %dma_start3A = arith.constant 0 : i32
        %dma_start3A_54 = tpu.memref_slice %arg4[%run_scoped3A_52, %dma_start3A] : memref<79x128xi32, #tpu.memory_space<vmem>> -> memref<1x128xi32, #tpu.memory_space<vmem>>
        %dma_start3A_55 = tpu.memref_squeeze %dma_start3A_54 : memref<1x128xi32, #tpu.memory_space<vmem>> -> memref<128xi32, #tpu.memory_space<vmem>>
        %dma_start3A_56 = arith.constant 0 : i32
        %dma_start3A_57 = tpu.memref_slice %arg2[%run_scoped3A_51, %add3A_50, %dma_start3A_56] : memref<2x2500x128xi32, #tpu.memory_space<hbm>> -> memref<1x1x128xi32, #tpu.memory_space<hbm>>
        %dma_start3A_58 = tpu.memref_squeeze %dma_start3A_57 : memref<1x1x128xi32, #tpu.memory_space<hbm>> -> memref<128xi32, #tpu.memory_space<hbm>>
        %dma_start3A_59 = arith.constant 0 : i32
        %dma_start3A_60 = tpu.memref_slice %arg4[%run_scoped3A_52, %dma_start3A_59] : memref<79x128xi32, #tpu.memory_space<vmem>> -> memref<1x128xi32, #tpu.memory_space<vmem>>
        %dma_start3A_61 = tpu.memref_squeeze %dma_start3A_60 : memref<1x128xi32, #tpu.memory_space<vmem>> -> memref<128xi32, #tpu.memory_space<vmem>>
        %dma_start3A_62 = arith.constant 0 : i32
        %dma_start3A_63 = tpu.memref_slice %arg2[%run_scoped3A_51, %add3A_50, %dma_start3A_62] : memref<2x2500x128xi32, #tpu.memory_space<hbm>> -> memref<1x1x128xi32, #tpu.memory_space<hbm>>
        %dma_start3A_64 = tpu.memref_squeeze %dma_start3A_63 : memref<1x1x128xi32, #tpu.memory_space<hbm>> -> memref<128xi32, #tpu.memory_space<hbm>>
        tpu.enqueue_dma source(%dma_start3A_64 : memref<128xi32, #tpu.memory_space<hbm>>) target(%dma_start3A_61 : memref<128xi32, #tpu.memory_space<vmem>>) target_semaphore(%run_scoped3A_53 : memref<!tpu.dma_semaphore, #tpu.memory_space<semaphore_mem>>)
        %dma_wait3A = arith.constant 0 : i32
        %dma_wait3A_65 = tpu.memref_slice %arg4[%run_scoped3A_52, %dma_wait3A] : memref<79x128xi32, #tpu.memory_space<vmem>> -> memref<1x128xi32, #tpu.memory_space<vmem>>
        %dma_wait3A_66 = tpu.memref_squeeze %dma_wait3A_65 : memref<1x128xi32, #tpu.memory_space<vmem>> -> memref<128xi32, #tpu.memory_space<vmem>>
        %dma_wait3A_67 = arith.constant 0 : i32
        %dma_wait3A_68 = tpu.memref_slice %arg2[%run_scoped3A_51, %add3A_50, %dma_wait3A_67] : memref<2x2500x128xi32, #tpu.memory_space<hbm>> -> memref<1x1x128xi32, #tpu.memory_space<hbm>>
        %dma_wait3A_69 = tpu.memref_squeeze %dma_wait3A_68 : memref<1x1x128xi32, #tpu.memory_space<hbm>> -> memref<128xi32, #tpu.memory_space<hbm>>
        %dma_wait3A_70 = arith.constant 0 : i32
        %dma_wait3A_71 = tpu.memref_slice %arg4[%run_scoped3A_52, %dma_wait3A_70] : memref<79x128xi32, #tpu.memory_space<vmem>> -> memref<1x128xi32, #tpu.memory_space<vmem>>
        %dma_wait3A_72 = tpu.memref_squeeze %dma_wait3A_71 : memref<1x128xi32, #tpu.memory_space<vmem>> -> memref<128xi32, #tpu.memory_space<vmem>>
        %dma_wait3A_73 = arith.constant 0 : i32
        %dma_wait3A_74 = tpu.memref_slice %arg2[%run_scoped3A_51, %add3A_50, %dma_wait3A_73] : memref<2x2500x128xi32, #tpu.memory_space<hbm>> -> memref<1x1x128xi32, #tpu.memory_space<hbm>>
        %dma_wait3A_75 = tpu.memref_squeeze %dma_wait3A_74 : memref<1x1x128xi32, #tpu.memory_space<hbm>> -> memref<128xi32, #tpu.memory_space<hbm>>
        tpu.wait_dma2 semaphore(%run_scoped3A_53 : memref<!tpu.dma_semaphore, #tpu.memory_space<semaphore_mem>>) src(%dma_wait3A_75 : memref<128xi32, #tpu.memory_space<hbm>>) dst(%dma_wait3A_72 : memref<128xi32, #tpu.memory_space<vmem>>)
        tpu.yield
      }) : () -> ()
    } else {
    }
    %scan3A_22 = arith.constant 0 : i32
    %scan3A_23 = arith.constant 0 : i32
    %scan3A_24 = arith.constant 78 : i32
    %scan3A_25 = arith.addi %scan3A_23, %scan3A_24 : i32
    %scan3A_26 = arith.constant 1 : i32
    %scan3A_27 = scf.for %scan3A_49 = %scan3A_23 to %scan3A_25 step %scan3A_26 iter_args(%scan3A_50 = %scan3A_22) -> (i32)  : i32 {
      %dma_start3A = arith.constant 0 : i32
      %dma_start3A_51 = tpu.memref_slice %arg4[%scan3A_49, %dma_start3A] : memref<79x128xi32, #tpu.memory_space<vmem>> -> memref<1x128xi32, #tpu.memory_space<vmem>>
      %dma_start3A_52 = tpu.memref_squeeze %dma_start3A_51 : memref<1x128xi32, #tpu.memory_space<vmem>> -> memref<128xi32, #tpu.memory_space<vmem>>
      %dma_start3A_53 = arith.constant 0 : i32
      %dma_start3A_54 = tpu.memref_slice %arg7[%dma_start3A_53] : memref<10240xf32, #tpu.memory_space<vmem_shared>> -> memref<10240xf32, #tpu.memory_space<vmem_shared>>
      tpu.enqueue_indirect_dma source(%arg5 : memref<128xf32, #tpu.memory_space<vmem>>) target(%dma_start3A_54 : memref<10240xf32, #tpu.memory_space<vmem_shared>>) offsets(%dma_start3A_52 : memref<128xi32, #tpu.memory_space<vmem>>) semaphore(%arg8 : memref<!tpu.dma_semaphore, #tpu.memory_space<semaphore_mem>>) {add = true}
      %scan3A_55 = arith.constant 0 : i32
      scf.yield %scan3A_55 : i32
    }
    %scan3A_28 = arith.constant 78 : i32
    %lt3A_29 = arith.constant 4 : i32
    %lt3A_30 = arith.cmpi slt, %add3A, %lt3A_29 : i32
    %convert_element_type3A_31 = arith.extui %lt3A_30 : i1 to i32
    %cond3A_32 = arith.constant 0 : i32
    %cond3A_33 = arith.cmpi ne, %convert_element_type3A_31, %cond3A_32 : i32
    scf.if %cond3A_33 {
      %dma_start3A = arith.constant 78 : i32
      %dma_start3A_49 = arith.constant 0 : i32
      %dma_start3A_50 = tpu.memref_slice %arg4[%dma_start3A, %dma_start3A_49] : memref<79x128xi32, #tpu.memory_space<vmem>> -> memref<1x128xi32, #tpu.memory_space<vmem>>
      %dma_start3A_51 = tpu.memref_squeeze %dma_start3A_50 : memref<1x128xi32, #tpu.memory_space<vmem>> -> memref<128xi32, #tpu.memory_space<vmem>>
      %dma_start3A_52 = arith.constant 0 : i32
      %dma_start3A_53 = tpu.memref_slice %arg7[%dma_start3A_52] : memref<10240xf32, #tpu.memory_space<vmem_shared>> -> memref<10240xf32, #tpu.memory_space<vmem_shared>>
      tpu.enqueue_indirect_dma source(%arg5 : memref<128xf32, #tpu.memory_space<vmem>>) target(%dma_start3A_53 : memref<10240xf32, #tpu.memory_space<vmem_shared>>) offsets(%dma_start3A_51 : memref<128xi32, #tpu.memory_space<vmem>>) semaphore(%arg8 : memref<!tpu.dma_semaphore, #tpu.memory_space<semaphore_mem>>) {add = true}
    } else {
    }
    %scan3A_34 = arith.constant 0 : i32
    %scan3A_35 = arith.constant 0 : i32
    %scan3A_36 = arith.constant 78 : i32
    %scan3A_37 = arith.addi %scan3A_35, %scan3A_36 : i32
    %scan3A_38 = arith.constant 1 : i32
    %scan3A_39 = scf.for %scan3A_49 = %scan3A_35 to %scan3A_37 step %scan3A_38 iter_args(%scan3A_50 = %scan3A_34) -> (i32)  : i32 {
      %dma_wait3A = arith.constant 0 : i32
      %dma_wait3A_51 = arith.constant 0 : i32
      %dma_wait3A_52 = tpu.memref_slice %arg4[%dma_wait3A, %dma_wait3A_51] : memref<79x128xi32, #tpu.memory_space<vmem>> -> memref<1x128xi32, #tpu.memory_space<vmem>>
      %dma_wait3A_53 = tpu.memref_squeeze %dma_wait3A_52 : memref<1x128xi32, #tpu.memory_space<vmem>> -> memref<128xi32, #tpu.memory_space<vmem>>
      %dma_wait3A_54 = arith.constant 0 : i32
      %dma_wait3A_55 = tpu.memref_slice %arg7[%dma_wait3A_54] : memref<10240xf32, #tpu.memory_space<vmem_shared>> -> memref<10240xf32, #tpu.memory_space<vmem_shared>>
      tpu.wait_indirect_dma semaphore(%arg8 : memref<!tpu.dma_semaphore, #tpu.memory_space<semaphore_mem>>) src(%arg5 : memref<128xf32, #tpu.memory_space<vmem>>) dst(%dma_wait3A_55 : memref<10240xf32, #tpu.memory_space<vmem_shared>>)
      %scan3A_56 = arith.constant 0 : i32
      scf.yield %scan3A_56 : i32
    }
    %scan3A_40 = arith.constant 78 : i32
    %lt3A_41 = arith.constant 4 : i32
    %lt3A_42 = arith.cmpi slt, %add3A, %lt3A_41 : i32
    %convert_element_type3A_43 = arith.extui %lt3A_42 : i1 to i32
    %cond3A_44 = arith.constant 0 : i32
    %cond3A_45 = arith.cmpi ne, %convert_element_type3A_43, %cond3A_44 : i32
    scf.if %cond3A_45 {
      %dma_wait3A = arith.constant 0 : i32
      %dma_wait3A_49 = arith.constant 0 : i32
      %dma_wait3A_50 = tpu.memref_slice %arg4[%dma_wait3A, %dma_wait3A_49] : memref<79x128xi32, #tpu.memory_space<vmem>> -> memref<1x128xi32, #tpu.memory_space<vmem>>
      %dma_wait3A_51 = tpu.memref_squeeze %dma_wait3A_50 : memref<1x128xi32, #tpu.memory_space<vmem>> -> memref<128xi32, #tpu.memory_space<vmem>>
      %dma_wait3A_52 = arith.constant 0 : i32
      %dma_wait3A_53 = tpu.memref_slice %arg7[%dma_wait3A_52] : memref<10240xf32, #tpu.memory_space<vmem_shared>> -> memref<10240xf32, #tpu.memory_space<vmem_shared>>
      tpu.wait_indirect_dma semaphore(%arg8 : memref<!tpu.dma_semaphore, #tpu.memory_space<semaphore_mem>>) src(%arg5 : memref<128xf32, #tpu.memory_space<vmem>>) dst(%dma_wait3A_53 : memref<10240xf32, #tpu.memory_space<vmem_shared>>)
    } else {
    }
    %barrier3A_46 = arith.constant 0 : index
    tpu.barrier barrier_id(%barrier3A_46)
    %mul3A_47 = arith.constant 640 : i32
    %mul3A_48 = arith.muli %arg1, %mul3A_47 : i32
    "tpu.region"() ({
      %run_scoped3A_49 = tpu.sem_alloc : memref<!tpu.dma_semaphore, #tpu.memory_space<semaphore_mem>>
      %dma_start3A = tpu.memref_slice %arg7[%mul3A_48] : memref<10240xf32, #tpu.memory_space<vmem_shared>> -> memref<640xf32, #tpu.memory_space<vmem_shared>>
      %dma_start3A_50 = tpu.memref_slice %arg7[%mul3A_48] : memref<10240xf32, #tpu.memory_space<vmem_shared>> -> memref<640xf32, #tpu.memory_space<vmem_shared>>
      tpu.enqueue_dma source(%dma_start3A_50 : memref<640xf32, #tpu.memory_space<vmem_shared>>) target(%arg6 : memref<640xf32, #tpu.memory_space<vmem>>) target_semaphore(%run_scoped3A_49 : memref<!tpu.dma_semaphore, #tpu.memory_space<semaphore_mem>>)
      %dma_wait3A = tpu.memref_slice %arg7[%mul3A_48] : memref<10240xf32, #tpu.memory_space<vmem_shared>> -> memref<640xf32, #tpu.memory_space<vmem_shared>>
      %dma_wait3A_51 = tpu.memref_slice %arg7[%mul3A_48] : memref<10240xf32, #tpu.memory_space<vmem_shared>> -> memref<640xf32, #tpu.memory_space<vmem_shared>>
      tpu.wait_dma2 semaphore(%run_scoped3A_49 : memref<!tpu.dma_semaphore, #tpu.memory_space<semaphore_mem>>) src(%dma_wait3A_51 : memref<640xf32, #tpu.memory_space<vmem_shared>>) dst(%arg6 : memref<640xf32, #tpu.memory_space<vmem>>)
      tpu.yield
    }) : () -> ()
    "tpu.region"() ({
      %run_scoped3A_49 = tpu.sem_alloc : memref<!tpu.dma_semaphore, #tpu.memory_space<semaphore_mem>>
      %dma_start3A = tpu.memref_slice %arg3[%arg0, %mul3A_48] : memref<2x10240xf32, #tpu.memory_space<hbm>> -> memref<1x640xf32, #tpu.memory_space<hbm>>
      %dma_start3A_50 = tpu.memref_squeeze %dma_start3A : memref<1x640xf32, #tpu.memory_space<hbm>> -> memref<640xf32, #tpu.memory_space<hbm>>
      %dma_start3A_51 = tpu.memref_slice %arg3[%arg0, %mul3A_48] : memref<2x10240xf32, #tpu.memory_space<hbm>> -> memref<1x640xf32, #tpu.memory_space<hbm>>
      %dma_start3A_52 = tpu.memref_squeeze %dma_start3A_51 : memref<1x640xf32, #tpu.memory_space<hbm>> -> memref<640xf32, #tpu.memory_space<hbm>>
      tpu.enqueue_dma source(%arg6 : memref<640xf32, #tpu.memory_space<vmem>>) target(%dma_start3A_52 : memref<640xf32, #tpu.memory_space<hbm>>) target_semaphore(%run_scoped3A_49 : memref<!tpu.dma_semaphore, #tpu.memory_space<semaphore_mem>>)
      %dma_wait3A = tpu.memref_slice %arg3[%arg0, %mul3A_48] : memref<2x10240xf32, #tpu.memory_space<hbm>> -> memref<1x640xf32, #tpu.memory_space<hbm>>
      %dma_wait3A_53 = tpu.memref_squeeze %dma_wait3A : memref<1x640xf32, #tpu.memory_space<hbm>> -> memref<640xf32, #tpu.memory_space<hbm>>
      %dma_wait3A_54 = tpu.memref_slice %arg3[%arg0, %mul3A_48] : memref<2x10240xf32, #tpu.memory_space<hbm>> -> memref<1x640xf32, #tpu.memory_space<hbm>>
      %dma_wait3A_55 = tpu.memref_squeeze %dma_wait3A_54 : memref<1x640xf32, #tpu.memory_space<hbm>> -> memref<640xf32, #tpu.memory_space<hbm>>
      tpu.wait_dma2 semaphore(%run_scoped3A_49 : memref<!tpu.dma_semaphore, #tpu.memory_space<semaphore_mem>>) src(%arg6 : memref<640xf32, #tpu.memory_space<vmem>>) dst(%dma_wait3A_55 : memref<640xf32, #tpu.memory_space<hbm>>)
      tpu.yield
    }) : () -> ()
    return
  }
}

#map = affine_map<(d0, d1) -> (0, 0, 0)>
#map1 = affine_map<(d0, d1) -> (0, 0)>
module attributes {stable_mosaic.version = 14 : i64} {
  func.func @_sc_scatter(%arg0: i32, %arg1: i32, %arg2: memref<2x2500x128xi32, #tpu.memory_space<hbm>>, %arg3: memref<10240x64xbf16, #tpu.memory_space<hbm>>, %arg4: memref<10240x64xbf16, #tpu.memory_space<hbm>>, %arg5: memref<10240x64xbf16, #tpu.memory_space<hbm>>, %arg6: memref<10240x64xbf16, #tpu.memory_space<hbm>>, %arg7: memref<157x128xi32, #tpu.memory_space<vmem>>, %arg8: memref<157x128xi32, #tpu.memory_space<vmem>>, %arg9: memref<6x128x64xbf16, #tpu.memory_space<vmem>>, %arg10: memref<10240x64xbf16, #tpu.memory_space<vmem_shared>>, %arg11: memref<!tpu.dma_semaphore, #tpu.memory_space<semaphore_mem>>, %arg12: memref<!tpu.dma_semaphore, #tpu.memory_space<semaphore_mem>>, %arg13: memref<!tpu.dma_semaphore, #tpu.memory_space<semaphore_mem>>, %arg14: memref<!tpu.dma_semaphore, #tpu.memory_space<semaphore_mem>>, %arg15: memref<!tpu.dma_semaphore, #tpu.memory_space<semaphore_mem>>, %arg16: memref<!tpu.dma_semaphore, #tpu.memory_space<semaphore_mem>>, %arg17: memref<!tpu.dma_semaphore, #tpu.memory_space<semaphore_mem>>, %arg18: memref<!tpu.dma_semaphore, #tpu.memory_space<semaphore_mem>>, %arg19: memref<!tpu.dma_semaphore, #tpu.memory_space<semaphore_mem>>, %arg20: memref<!tpu.dma_semaphore, #tpu.memory_space<semaphore_mem>>, %arg21: memref<!tpu.dma_semaphore, #tpu.memory_space<semaphore_mem>>, %arg22: memref<!tpu.dma_semaphore, #tpu.memory_space<semaphore_mem>>) attributes {dimension_semantics = [#tpu.dimension_semantics<core_parallel>, #tpu.dimension_semantics<subcore_parallel>], iteration_bounds = array<i64: 2, 16>, scalar_prefetch = 0 : i64, scratch_operands = 16 : i64, tpu.core_type = #tpu.core_type<sc_vector_subcore>, window_params = [{transform_indices = #map}, {transform_indices = #map1}, {transform_indices = #map1}, {transform_indices = #map1}, {transform_indices = #map1}]} {
    %mul3A = arith.constant 156 : i32
    %mul3A_0 = arith.muli %arg1, %mul3A : i32
    %min3A = arith.constant 4 : i32
    %min3A_1 = arith.minsi %arg1, %min3A : i32
    %add3A = arith.addi %mul3A_0, %min3A_1 : i32
    %lt3A = arith.constant 4 : i32
    %lt3A_2 = arith.cmpi slt, %arg1, %lt3A : i32
    %jit3A = arith.constant 1 : i32
    %jit3A_3 = arith.constant 0 : i32
    %select_n3A = arith.select %lt3A_2, %jit3A, %jit3A_3 : i32
    %add3A_4 = arith.constant 156 : i32
    %add3A_5 = arith.addi %add3A_4, %select_n3A : i32
    %scan3A = arith.constant 0 : i32
    %scan3A_6 = arith.constant 0 : i32
    %scan3A_7 = arith.constant 256 : i32
    %scan3A_8 = arith.addi %scan3A_6, %scan3A_7 : i32
    %scan3A_9 = arith.constant 1 : i32
    %scan3A_10 = scf.for %scan3A_43 = %scan3A_6 to %scan3A_8 step %scan3A_9 iter_args(%scan3A_44 = %scan3A) -> (i32)  : i32 {
      %broadcast_in_dim3A = arith.constant 0.000000e+00 : bf16
      %broadcast_in_dim3A_45 = vector.broadcast %broadcast_in_dim3A : bf16 to vector<32xbf16>
      %jit3A_46 = arith.constant 2 : i32
      %div3A = arith.divsi %scan3A_43, %jit3A_46 : i32
      %sign3A = arith.constant 0 : i32
      %sign3A_47 = arith.cmpi sgt, %scan3A_43, %sign3A : i32
      %sign3A_48 = arith.extui %sign3A_47 : i1 to i32
      %sign3A_49 = arith.constant 0 : i32
      %sign3A_50 = arith.cmpi slt, %scan3A_43, %sign3A_49 : i32
      %sign3A_51 = arith.extui %sign3A_50 : i1 to i32
      %sign3A_52 = arith.subi %sign3A_48, %sign3A_51 : i32
      %sign3A_53 = arith.constant 0 : i32
      %sign3A_54 = arith.cmpi sgt, %jit3A_46, %sign3A_53 : i32
      %sign3A_55 = arith.extui %sign3A_54 : i1 to i32
      %sign3A_56 = arith.constant 0 : i32
      %sign3A_57 = arith.cmpi slt, %jit3A_46, %sign3A_56 : i32
      %sign3A_58 = arith.extui %sign3A_57 : i1 to i32
      %sign3A_59 = arith.subi %sign3A_55, %sign3A_58 : i32
      %ne3A = arith.cmpi ne, %sign3A_52, %sign3A_59 : i32
      %rem3A = arith.remsi %scan3A_43, %jit3A_46 : i32
      %ne3A_60 = arith.constant 0 : i32
      %ne3A_61 = arith.cmpi ne, %rem3A, %ne3A_60 : i32
      %and3A = arith.andi %ne3A, %ne3A_61 : i1
      %sub3A = arith.constant 1 : i32
      %sub3A_62 = arith.subi %div3A, %sub3A : i32
      %select_n3A_63 = arith.select %and3A, %sub3A_62, %div3A : i32
      %jit3A_64 = arith.constant 2 : i32
      %eq3A_65 = arith.constant 0 : i32
      %eq3A_66 = arith.cmpi eq, %jit3A_64, %eq3A_65 : i32
      %jit3A_67 = arith.constant 1 : i32
      %select_n3A_68 = arith.select %eq3A_66, %jit3A_67, %jit3A_64 : i32
      %rem3A_69 = arith.remsi %scan3A_43, %select_n3A_68 : i32
      %ne3A_70 = arith.constant 0 : i32
      %ne3A_71 = arith.cmpi ne, %rem3A_69, %ne3A_70 : i32
      %lt3A_72 = arith.constant 0 : i32
      %lt3A_73 = arith.cmpi slt, %rem3A_69, %lt3A_72 : i32
      %lt3A_74 = arith.constant 0 : i32
      %lt3A_75 = arith.cmpi slt, %select_n3A_68, %lt3A_74 : i32
      %ne3A_76 = arith.xori %lt3A_73, %lt3A_75 : i1
      %and3A_77 = arith.andi %ne3A_76, %ne3A_71 : i1
      %add3A_78 = arith.addi %rem3A_69, %select_n3A_68 : i32
      %select_n3A_79 = arith.select %and3A_77, %add3A_78, %rem3A_69 : i32
      %mul3A_80 = arith.constant 32 : i32
      %mul3A_81 = arith.muli %select_n3A_79, %mul3A_80 : i32
      %swap3A = arith.constant 0 : i32
      %swap3A_82 = arith.index_cast %swap3A : i32 to index
      %swap3A_83 = arith.index_cast %select_n3A_63 : i32 to index
      %swap3A_84 = arith.index_cast %mul3A_81 : i32 to index
      %swap3A_85 = tpu.vector_load %arg9[%swap3A_82, %swap3A_83, %swap3A_84] {strides = array<i32>} : memref<6x128x64xbf16, #tpu.memory_space<vmem>>, vector<1x1x32xbf16>,
      %swap3A_86 = vector.shape_cast %swap3A_85 : vector<1x1x32xbf16> to vector<32xbf16>
      %swap3A_87 = vector.shape_cast %broadcast_in_dim3A_45 : vector<32xbf16> to vector<1x1x32xbf16>
      tpu.vector_store %arg9[%swap3A_82, %swap3A_83, %swap3A_84], %swap3A_87 {strides = array<i32>} : memref<6x128x64xbf16, #tpu.memory_space<vmem>>, vector<1x1x32xbf16>,
      %scan3A_88 = arith.constant 0 : i32
      scf.yield %scan3A_88 : i32
    }
    %scan3A_11 = arith.constant 256 : i32
    %scan3A_12 = arith.constant 0 : i32
    %scan3A_13 = arith.constant 0 : i32
    %scan3A_14 = arith.constant 5 : i32
    %scan3A_15 = arith.addi %scan3A_13, %scan3A_14 : i32
    %scan3A_16 = arith.constant 1 : i32
    %scan3A_17 = scf.for %scan3A_43 = %scan3A_13 to %scan3A_15 step %scan3A_16 iter_args(%scan3A_44 = %scan3A_12) -> (i32)  : i32 {
      %mul3A_45 = arith.constant 640 : i32
      %mul3A_46 = arith.muli %arg1, %mul3A_45 : i32
      %mul3A_47 = arith.constant 128 : i32
      %mul3A_48 = arith.muli %scan3A_43, %mul3A_47 : i32
      %add3A_49 = arith.addi %mul3A_46, %mul3A_48 : i32
      %run_scoped3A_50 = arith.constant 0 : i32
      "tpu.region"() ({
        %run_scoped3A_52 = tpu.sem_alloc : memref<!tpu.dma_semaphore, #tpu.memory_space<semaphore_mem>>
        %dma_start3A = arith.constant 0 : i32
        %dma_start3A_53 = arith.constant 0 : i32
        %dma_start3A_54 = tpu.memref_slice %arg9[%run_scoped3A_50, %dma_start3A, %dma_start3A_53] : memref<6x128x64xbf16, #tpu.memory_space<vmem>> -> memref<1x128x64xbf16, #tpu.memory_space<vmem>>
        %dma_start3A_55 = tpu.memref_squeeze %dma_start3A_54 : memref<1x128x64xbf16, #tpu.memory_space<vmem>> -> memref<128x64xbf16, #tpu.memory_space<vmem>>
        %dma_start3A_56 = arith.constant 0 : i32
        %dma_start3A_57 = tpu.memref_slice %arg10[%add3A_49, %dma_start3A_56] : memref<10240x64xbf16, #tpu.memory_space<vmem_shared>> -> memref<128x64xbf16, #tpu.memory_space<vmem_shared>>
        %dma_start3A_58 = arith.constant 0 : i32
        %dma_start3A_59 = tpu.memref_slice %arg10[%add3A_49, %dma_start3A_58] : memref<10240x64xbf16, #tpu.memory_space<vmem_shared>> -> memref<128x64xbf16, #tpu.memory_space<vmem_shared>>
        %dma_start3A_60 = arith.constant 0 : i32
        %dma_start3A_61 = arith.constant 0 : i32
        %dma_start3A_62 = tpu.memref_slice %arg9[%run_scoped3A_50, %dma_start3A_60, %dma_start3A_61] : memref<6x128x64xbf16, #tpu.memory_space<vmem>> -> memref<1x128x64xbf16, #tpu.memory_space<vmem>>
        %dma_start3A_63 = tpu.memref_squeeze %dma_start3A_62 : memref<1x128x64xbf16, #tpu.memory_space<vmem>> -> memref<128x64xbf16, #tpu.memory_space<vmem>>
        tpu.enqueue_dma source(%dma_start3A_63 : memref<128x64xbf16, #tpu.memory_space<vmem>>) target(%dma_start3A_59 : memref<128x64xbf16, #tpu.memory_space<vmem_shared>>) target_semaphore(%run_scoped3A_52 : memref<!tpu.dma_semaphore, #tpu.memory_space<semaphore_mem>>)
        %dma_wait3A = arith.constant 0 : i32
        %dma_wait3A_64 = arith.constant 0 : i32
        %dma_wait3A_65 = tpu.memref_slice %arg9[%run_scoped3A_50, %dma_wait3A, %dma_wait3A_64] : memref<6x128x64xbf16, #tpu.memory_space<vmem>> -> memref<1x128x64xbf16, #tpu.memory_space<vmem>>
        %dma_wait3A_66 = tpu.memref_squeeze %dma_wait3A_65 : memref<1x128x64xbf16, #tpu.memory_space<vmem>> -> memref<128x64xbf16, #tpu.memory_space<vmem>>
        %dma_wait3A_67 = arith.constant 0 : i32
        %dma_wait3A_68 = tpu.memref_slice %arg10[%add3A_49, %dma_wait3A_67] : memref<10240x64xbf16, #tpu.memory_space<vmem_shared>> -> memref<128x64xbf16, #tpu.memory_space<vmem_shared>>
        %dma_wait3A_69 = arith.constant 0 : i32
        %dma_wait3A_70 = tpu.memref_slice %arg10[%add3A_49, %dma_wait3A_69] : memref<10240x64xbf16, #tpu.memory_space<vmem_shared>> -> memref<128x64xbf16, #tpu.memory_space<vmem_shared>>
        %dma_wait3A_71 = arith.constant 0 : i32
        %dma_wait3A_72 = arith.constant 0 : i32
        %dma_wait3A_73 = tpu.memref_slice %arg9[%run_scoped3A_50, %dma_wait3A_71, %dma_wait3A_72] : memref<6x128x64xbf16, #tpu.memory_space<vmem>> -> memref<1x128x64xbf16, #tpu.memory_space<vmem>>
        %dma_wait3A_74 = tpu.memref_squeeze %dma_wait3A_73 : memref<1x128x64xbf16, #tpu.memory_space<vmem>> -> memref<128x64xbf16, #tpu.memory_space<vmem>>
        tpu.wait_dma2 semaphore(%run_scoped3A_52 : memref<!tpu.dma_semaphore, #tpu.memory_space<semaphore_mem>>) src(%dma_wait3A_74 : memref<128x64xbf16, #tpu.memory_space<vmem>>) dst(%dma_wait3A_70 : memref<128x64xbf16, #tpu.memory_space<vmem_shared>>)
        tpu.yield
      }) : () -> ()
      %scan3A_51 = arith.constant 0 : i32
      scf.yield %scan3A_51 : i32
    }
    %scan3A_18 = arith.constant 5 : i32
    %barrier3A = arith.constant 0 : index
    tpu.barrier barrier_id(%barrier3A)
    %run_scoped3A = arith.constant 0 : i32
    "tpu.region"() ({
      %run_scoped3A_43 = tpu.sem_alloc : memref<!tpu.dma_semaphore, #tpu.memory_space<semaphore_mem>>
      %dma_start3A = arith.constant 0 : i32
      %dma_start3A_44 = arith.constant 0 : i32
      %dma_start3A_45 = tpu.memref_slice %arg7[%dma_start3A, %dma_start3A_44] : memref<157x128xi32, #tpu.memory_space<vmem>> -> memref<156x128xi32, #tpu.memory_space<vmem>>
      %dma_start3A_46 = arith.constant 0 : i32
      %dma_start3A_47 = tpu.memref_slice %arg2[%run_scoped3A, %add3A, %dma_start3A_46] : memref<2x2500x128xi32, #tpu.memory_space<hbm>> -> memref<1x156x128xi32, #tpu.memory_space<hbm>>
      %dma_start3A_48 = tpu.memref_squeeze %dma_start3A_47 : memref<1x156x128xi32, #tpu.memory_space<hbm>> -> memref<156x128xi32, #tpu.memory_space<hbm>>
      %dma_start3A_49 = arith.constant 0 : i32
      %dma_start3A_50 = arith.constant 0 : i32
      %dma_start3A_51 = tpu.memref_slice %arg7[%dma_start3A_49, %dma_start3A_50] : memref<157x128xi32, #tpu.memory_space<vmem>> -> memref<156x128xi32, #tpu.memory_space<vmem>>
      %dma_start3A_52 = arith.constant 0 : i32
      %dma_start3A_53 = tpu.memref_slice %arg2[%run_scoped3A, %add3A, %dma_start3A_52] : memref<2x2500x128xi32, #tpu.memory_space<hbm>> -> memref<1x156x128xi32, #tpu.memory_space<hbm>>
      %dma_start3A_54 = tpu.memref_squeeze %dma_start3A_53 : memref<1x156x128xi32, #tpu.memory_space<hbm>> -> memref<156x128xi32, #tpu.memory_space<hbm>>
      tpu.enqueue_dma source(%dma_start3A_54 : memref<156x128xi32, #tpu.memory_space<hbm>>) target(%dma_start3A_51 : memref<156x128xi32, #tpu.memory_space<vmem>>) target_semaphore(%run_scoped3A_43 : memref<!tpu.dma_semaphore, #tpu.memory_space<semaphore_mem>>)
      %dma_wait3A = arith.constant 0 : i32
      %dma_wait3A_55 = arith.constant 0 : i32
      %dma_wait3A_56 = tpu.memref_slice %arg7[%dma_wait3A, %dma_wait3A_55] : memref<157x128xi32, #tpu.memory_space<vmem>> -> memref<156x128xi32, #tpu.memory_space<vmem>>
      %dma_wait3A_57 = arith.constant 0 : i32
      %dma_wait3A_58 = tpu.memref_slice %arg2[%run_scoped3A, %add3A, %dma_wait3A_57] : memref<2x2500x128xi32, #tpu.memory_space<hbm>> -> memref<1x156x128xi32, #tpu.memory_space<hbm>>
      %dma_wait3A_59 = tpu.memref_squeeze %dma_wait3A_58 : memref<1x156x128xi32, #tpu.memory_space<hbm>> -> memref<156x128xi32, #tpu.memory_space<hbm>>
      %dma_wait3A_60 = arith.constant 0 : i32
      %dma_wait3A_61 = arith.constant 0 : i32
      %dma_wait3A_62 = tpu.memref_slice %arg7[%dma_wait3A_60, %dma_wait3A_61] : memref<157x128xi32, #tpu.memory_space<vmem>> -> memref<156x128xi32, #tpu.memory_space<vmem>>
      %dma_wait3A_63 = arith.constant 0 : i32
      %dma_wait3A_64 = tpu.memref_slice %arg2[%run_scoped3A, %add3A, %dma_wait3A_63] : memref<2x2500x128xi32, #tpu.memory_space<hbm>> -> memref<1x156x128xi32, #tpu.memory_space<hbm>>
      %dma_wait3A_65 = tpu.memref_squeeze %dma_wait3A_64 : memref<1x156x128xi32, #tpu.memory_space<hbm>> -> memref<156x128xi32, #tpu.memory_space<hbm>>
      tpu.wait_dma2 semaphore(%run_scoped3A_43 : memref<!tpu.dma_semaphore, #tpu.memory_space<semaphore_mem>>) src(%dma_wait3A_65 : memref<156x128xi32, #tpu.memory_space<hbm>>) dst(%dma_wait3A_62 : memref<156x128xi32, #tpu.memory_space<vmem>>)
      tpu.yield
    }) : () -> ()
    %run_scoped3A_19 = arith.constant 1 : i32
    "tpu.region"() ({
      %run_scoped3A_43 = tpu.sem_alloc : memref<!tpu.dma_semaphore, #tpu.memory_space<semaphore_mem>>
      %dma_start3A = arith.constant 0 : i32
      %dma_start3A_44 = arith.constant 0 : i32
      %dma_start3A_45 = tpu.memref_slice %arg8[%dma_start3A, %dma_start3A_44] : memref<157x128xi32, #tpu.memory_space<vmem>> -> memref<156x128xi32, #tpu.memory_space<vmem>>
      %dma_start3A_46 = arith.constant 0 : i32
      %dma_start3A_47 = tpu.memref_slice %arg2[%run_scoped3A_19, %add3A, %dma_start3A_46] : memref<2x2500x128xi32, #tpu.memory_space<hbm>> -> memref<1x156x128xi32, #tpu.memory_space<hbm>>
      %dma_start3A_48 = tpu.memref_squeeze %dma_start3A_47 : memref<1x156x128xi32, #tpu.memory_space<hbm>> -> memref<156x128xi32, #tpu.memory_space<hbm>>
      %dma_start3A_49 = arith.constant 0 : i32
      %dma_start3A_50 = arith.constant 0 : i32
      %dma_start3A_51 = tpu.memref_slice %arg8[%dma_start3A_49, %dma_start3A_50] : memref<157x128xi32, #tpu.memory_space<vmem>> -> memref<156x128xi32, #tpu.memory_space<vmem>>
      %dma_start3A_52 = arith.constant 0 : i32
      %dma_start3A_53 = tpu.memref_slice %arg2[%run_scoped3A_19, %add3A, %dma_start3A_52] : memref<2x2500x128xi32, #tpu.memory_space<hbm>> -> memref<1x156x128xi32, #tpu.memory_space<hbm>>
      %dma_start3A_54 = tpu.memref_squeeze %dma_start3A_53 : memref<1x156x128xi32, #tpu.memory_space<hbm>> -> memref<156x128xi32, #tpu.memory_space<hbm>>
      tpu.enqueue_dma source(%dma_start3A_54 : memref<156x128xi32, #tpu.memory_space<hbm>>) target(%dma_start3A_51 : memref<156x128xi32, #tpu.memory_space<vmem>>) target_semaphore(%run_scoped3A_43 : memref<!tpu.dma_semaphore, #tpu.memory_space<semaphore_mem>>)
      %dma_wait3A = arith.constant 0 : i32
      %dma_wait3A_55 = arith.constant 0 : i32
      %dma_wait3A_56 = tpu.memref_slice %arg8[%dma_wait3A, %dma_wait3A_55] : memref<157x128xi32, #tpu.memory_space<vmem>> -> memref<156x128xi32, #tpu.memory_space<vmem>>
      %dma_wait3A_57 = arith.constant 0 : i32
      %dma_wait3A_58 = tpu.memref_slice %arg2[%run_scoped3A_19, %add3A, %dma_wait3A_57] : memref<2x2500x128xi32, #tpu.memory_space<hbm>> -> memref<1x156x128xi32, #tpu.memory_space<hbm>>
      %dma_wait3A_59 = tpu.memref_squeeze %dma_wait3A_58 : memref<1x156x128xi32, #tpu.memory_space<hbm>> -> memref<156x128xi32, #tpu.memory_space<hbm>>
      %dma_wait3A_60 = arith.constant 0 : i32
      %dma_wait3A_61 = arith.constant 0 : i32
      %dma_wait3A_62 = tpu.memref_slice %arg8[%dma_wait3A_60, %dma_wait3A_61] : memref<157x128xi32, #tpu.memory_space<vmem>> -> memref<156x128xi32, #tpu.memory_space<vmem>>
      %dma_wait3A_63 = arith.constant 0 : i32
      %dma_wait3A_64 = tpu.memref_slice %arg2[%run_scoped3A_19, %add3A, %dma_wait3A_63] : memref<2x2500x128xi32, #tpu.memory_space<hbm>> -> memref<1x156x128xi32, #tpu.memory_space<hbm>>
      %dma_wait3A_65 = tpu.memref_squeeze %dma_wait3A_64 : memref<1x156x128xi32, #tpu.memory_space<hbm>> -> memref<156x128xi32, #tpu.memory_space<hbm>>
      tpu.wait_dma2 semaphore(%run_scoped3A_43 : memref<!tpu.dma_semaphore, #tpu.memory_space<semaphore_mem>>) src(%dma_wait3A_65 : memref<156x128xi32, #tpu.memory_space<hbm>>) dst(%dma_wait3A_62 : memref<156x128xi32, #tpu.memory_space<vmem>>)
      tpu.yield
    }) : () -> ()
    %lt3A_20 = arith.constant 4 : i32
    %lt3A_21 = arith.cmpi slt, %arg1, %lt3A_20 : i32
    %convert_element_type3A = arith.extui %lt3A_21 : i1 to i32
    %cond3A = arith.constant 0 : i32
    %cond3A_22 = arith.cmpi ne, %convert_element_type3A, %cond3A : i32
    scf.if %cond3A_22 {
      %add3A_43 = arith.constant 156 : i32
      %add3A_44 = arith.addi %add3A, %add3A_43 : i32
      %run_scoped3A_45 = arith.constant 0 : i32
      %run_scoped3A_46 = arith.constant 156 : i32
      "tpu.region"() ({
        %run_scoped3A_51 = tpu.sem_alloc : memref<!tpu.dma_semaphore, #tpu.memory_space<semaphore_mem>>
        %dma_start3A = arith.constant 0 : i32
        %dma_start3A_52 = tpu.memref_slice %arg7[%run_scoped3A_46, %dma_start3A] : memref<157x128xi32, #tpu.memory_space<vmem>> -> memref<1x128xi32, #tpu.memory_space<vmem>>
        %dma_start3A_53 = tpu.memref_squeeze %dma_start3A_52 : memref<1x128xi32, #tpu.memory_space<vmem>> -> memref<128xi32, #tpu.memory_space<vmem>>
        %dma_start3A_54 = arith.constant 0 : i32
        %dma_start3A_55 = tpu.memref_slice %arg2[%run_scoped3A_45, %add3A_44, %dma_start3A_54] : memref<2x2500x128xi32, #tpu.memory_space<hbm>> -> memref<1x1x128xi32, #tpu.memory_space<hbm>>
        %dma_start3A_56 = tpu.memref_squeeze %dma_start3A_55 : memref<1x1x128xi32, #tpu.memory_space<hbm>> -> memref<128xi32, #tpu.memory_space<hbm>>
        %dma_start3A_57 = arith.constant 0 : i32
        %dma_start3A_58 = tpu.memref_slice %arg7[%run_scoped3A_46, %dma_start3A_57] : memref<157x128xi32, #tpu.memory_space<vmem>> -> memref<1x128xi32, #tpu.memory_space<vmem>>
        %dma_start3A_59 = tpu.memref_squeeze %dma_start3A_58 : memref<1x128xi32, #tpu.memory_space<vmem>> -> memref<128xi32, #tpu.memory_space<vmem>>
        %dma_start3A_60 = arith.constant 0 : i32
        %dma_start3A_61 = tpu.memref_slice %arg2[%run_scoped3A_45, %add3A_44, %dma_start3A_60] : memref<2x2500x128xi32, #tpu.memory_space<hbm>> -> memref<1x1x128xi32, #tpu.memory_space<hbm>>
        %dma_start3A_62 = tpu.memref_squeeze %dma_start3A_61 : memref<1x1x128xi32, #tpu.memory_space<hbm>> -> memref<128xi32, #tpu.memory_space<hbm>>
        tpu.enqueue_dma source(%dma_start3A_62 : memref<128xi32, #tpu.memory_space<hbm>>) target(%dma_start3A_59 : memref<128xi32, #tpu.memory_space<vmem>>) target_semaphore(%run_scoped3A_51 : memref<!tpu.dma_semaphore, #tpu.memory_space<semaphore_mem>>)
        %dma_wait3A = arith.constant 0 : i32
        %dma_wait3A_63 = tpu.memref_slice %arg7[%run_scoped3A_46, %dma_wait3A] : memref<157x128xi32, #tpu.memory_space<vmem>> -> memref<1x128xi32, #tpu.memory_space<vmem>>
        %dma_wait3A_64 = tpu.memref_squeeze %dma_wait3A_63 : memref<1x128xi32, #tpu.memory_space<vmem>> -> memref<128xi32, #tpu.memory_space<vmem>>
        %dma_wait3A_65 = arith.constant 0 : i32
        %dma_wait3A_66 = tpu.memref_slice %arg2[%run_scoped3A_45, %add3A_44, %dma_wait3A_65] : memref<2x2500x128xi32, #tpu.memory_space<hbm>> -> memref<1x1x128xi32, #tpu.memory_space<hbm>>
        %dma_wait3A_67 = tpu.memref_squeeze %dma_wait3A_66 : memref<1x1x128xi32, #tpu.memory_space<hbm>> -> memref<128xi32, #tpu.memory_space<hbm>>
        %dma_wait3A_68 = arith.constant 0 : i32
        %dma_wait3A_69 = tpu.memref_slice %arg7[%run_scoped3A_46, %dma_wait3A_68] : memref<157x128xi32, #tpu.memory_space<vmem>> -> memref<1x128xi32, #tpu.memory_space<vmem>>
        %dma_wait3A_70 = tpu.memref_squeeze %dma_wait3A_69 : memref<1x128xi32, #tpu.memory_space<vmem>> -> memref<128xi32, #tpu.memory_space<vmem>>
        %dma_wait3A_71 = arith.constant 0 : i32
        %dma_wait3A_72 = tpu.memref_slice %arg2[%run_scoped3A_45, %add3A_44, %dma_wait3A_71] : memref<2x2500x128xi32, #tpu.memory_space<hbm>> -> memref<1x1x128xi32, #tpu.memory_space<hbm>>
        %dma_wait3A_73 = tpu.memref_squeeze %dma_wait3A_72 : memref<1x1x128xi32, #tpu.memory_space<hbm>> -> memref<128xi32, #tpu.memory_space<hbm>>
        tpu.wait_dma2 semaphore(%run_scoped3A_51 : memref<!tpu.dma_semaphore, #tpu.memory_space<semaphore_mem>>) src(%dma_wait3A_73 : memref<128xi32, #tpu.memory_space<hbm>>) dst(%dma_wait3A_70 : memref<128xi32, #tpu.memory_space<vmem>>)
        tpu.yield
      }) : () -> ()
      %add3A_47 = arith.constant 156 : i32
      %add3A_48 = arith.addi %add3A, %add3A_47 : i32
      %run_scoped3A_49 = arith.constant 1 : i32
      %run_scoped3A_50 = arith.constant 156 : i32
      "tpu.region"() ({
        %run_scoped3A_51 = tpu.sem_alloc : memref<!tpu.dma_semaphore, #tpu.memory_space<semaphore_mem>>
        %dma_start3A = arith.constant 0 : i32
        %dma_start3A_52 = tpu.memref_slice %arg8[%run_scoped3A_50, %dma_start3A] : memref<157x128xi32, #tpu.memory_space<vmem>> -> memref<1x128xi32, #tpu.memory_space<vmem>>
        %dma_start3A_53 = tpu.memref_squeeze %dma_start3A_52 : memref<1x128xi32, #tpu.memory_space<vmem>> -> memref<128xi32, #tpu.memory_space<vmem>>
        %dma_start3A_54 = arith.constant 0 : i32
        %dma_start3A_55 = tpu.memref_slice %arg2[%run_scoped3A_49, %add3A_48, %dma_start3A_54] : memref<2x2500x128xi32, #tpu.memory_space<hbm>> -> memref<1x1x128xi32, #tpu.memory_space<hbm>>
        %dma_start3A_56 = tpu.memref_squeeze %dma_start3A_55 : memref<1x1x128xi32, #tpu.memory_space<hbm>> -> memref<128xi32, #tpu.memory_space<hbm>>
        %dma_start3A_57 = arith.constant 0 : i32
        %dma_start3A_58 = tpu.memref_slice %arg8[%run_scoped3A_50, %dma_start3A_57] : memref<157x128xi32, #tpu.memory_space<vmem>> -> memref<1x128xi32, #tpu.memory_space<vmem>>
        %dma_start3A_59 = tpu.memref_squeeze %dma_start3A_58 : memref<1x128xi32, #tpu.memory_space<vmem>> -> memref<128xi32, #tpu.memory_space<vmem>>
        %dma_start3A_60 = arith.constant 0 : i32
        %dma_start3A_61 = tpu.memref_slice %arg2[%run_scoped3A_49, %add3A_48, %dma_start3A_60] : memref<2x2500x128xi32, #tpu.memory_space<hbm>> -> memref<1x1x128xi32, #tpu.memory_space<hbm>>
        %dma_start3A_62 = tpu.memref_squeeze %dma_start3A_61 : memref<1x1x128xi32, #tpu.memory_space<hbm>> -> memref<128xi32, #tpu.memory_space<hbm>>
        tpu.enqueue_dma source(%dma_start3A_62 : memref<128xi32, #tpu.memory_space<hbm>>) target(%dma_start3A_59 : memref<128xi32, #tpu.memory_space<vmem>>) target_semaphore(%run_scoped3A_51 : memref<!tpu.dma_semaphore, #tpu.memory_space<semaphore_mem>>)
        %dma_wait3A = arith.constant 0 : i32
        %dma_wait3A_63 = tpu.memref_slice %arg8[%run_scoped3A_50, %dma_wait3A] : memref<157x128xi32, #tpu.memory_space<vmem>> -> memref<1x128xi32, #tpu.memory_space<vmem>>
        %dma_wait3A_64 = tpu.memref_squeeze %dma_wait3A_63 : memref<1x128xi32, #tpu.memory_space<vmem>> -> memref<128xi32, #tpu.memory_space<vmem>>
        %dma_wait3A_65 = arith.constant 0 : i32
        %dma_wait3A_66 = tpu.memref_slice %arg2[%run_scoped3A_49, %add3A_48, %dma_wait3A_65] : memref<2x2500x128xi32, #tpu.memory_space<hbm>> -> memref<1x1x128xi32, #tpu.memory_space<hbm>>
        %dma_wait3A_67 = tpu.memref_squeeze %dma_wait3A_66 : memref<1x1x128xi32, #tpu.memory_space<hbm>> -> memref<128xi32, #tpu.memory_space<hbm>>
        %dma_wait3A_68 = arith.constant 0 : i32
        %dma_wait3A_69 = tpu.memref_slice %arg8[%run_scoped3A_50, %dma_wait3A_68] : memref<157x128xi32, #tpu.memory_space<vmem>> -> memref<1x128xi32, #tpu.memory_space<vmem>>
        %dma_wait3A_70 = tpu.memref_squeeze %dma_wait3A_69 : memref<1x128xi32, #tpu.memory_space<vmem>> -> memref<128xi32, #tpu.memory_space<vmem>>
        %dma_wait3A_71 = arith.constant 0 : i32
        %dma_wait3A_72 = tpu.memref_slice %arg2[%run_scoped3A_49, %add3A_48, %dma_wait3A_71] : memref<2x2500x128xi32, #tpu.memory_space<hbm>> -> memref<1x1x128xi32, #tpu.memory_space<hbm>>
        %dma_wait3A_73 = tpu.memref_squeeze %dma_wait3A_72 : memref<1x1x128xi32, #tpu.memory_space<hbm>> -> memref<128xi32, #tpu.memory_space<hbm>>
        tpu.wait_dma2 semaphore(%run_scoped3A_51 : memref<!tpu.dma_semaphore, #tpu.memory_space<semaphore_mem>>) src(%dma_wait3A_73 : memref<128xi32, #tpu.memory_space<hbm>>) dst(%dma_wait3A_70 : memref<128xi32, #tpu.memory_space<vmem>>)
        tpu.yield
      }) : () -> ()
    } else {
    }
    %eq3A = arith.constant 0 : i32
    %eq3A_23 = arith.cmpi eq, %arg0, %eq3A : i32
    %convert_element_type3A_24 = arith.extui %eq3A_23 : i1 to i32
    %cond3A_25 = arith.constant 0 : i32
    %cond3A_26 = arith.cmpi ne, %convert_element_type3A_24, %cond3A_25 : i32
    scf.if %cond3A_26 {
      %dma_start3A = arith.constant 0 : i32
      %dma_start3A_43 = arith.constant 0 : i32
      %dma_start3A_44 = arith.constant 0 : i32
      %dma_start3A_45 = arith.constant 0 : i32
      %dma_start3A_46 = tpu.memref_slice %arg9[%dma_start3A_43, %dma_start3A_44, %dma_start3A_45] : memref<6x128x64xbf16, #tpu.memory_space<vmem>> -> memref<1x128x64xbf16, #tpu.memory_space<vmem>>
      %dma_start3A_47 = tpu.memref_squeeze %dma_start3A_46 : memref<1x128x64xbf16, #tpu.memory_space<vmem>> -> memref<128x64xbf16, #tpu.memory_space<vmem>>
      %dma_start3A_48 = arith.constant 0 : i32
      %dma_start3A_49 = tpu.memref_slice %arg7[%dma_start3A, %dma_start3A_48] : memref<157x128xi32, #tpu.memory_space<vmem>> -> memref<1x128xi32, #tpu.memory_space<vmem>>
      %dma_start3A_50 = tpu.memref_squeeze %dma_start3A_49 : memref<1x128xi32, #tpu.memory_space<vmem>> -> memref<128xi32, #tpu.memory_space<vmem>>
      %dma_start3A_51 = arith.constant 0 : i32
      %dma_start3A_52 = arith.constant 0 : i32
      %dma_start3A_53 = tpu.memref_slice %arg3[%dma_start3A_51, %dma_start3A_52] : memref<10240x64xbf16, #tpu.memory_space<hbm>> -> memref<10240x64xbf16, #tpu.memory_space<hbm>>
      tpu.enqueue_indirect_dma source(%dma_start3A_53 : memref<10240x64xbf16, #tpu.memory_space<hbm>>) target(%dma_start3A_47 : memref<128x64xbf16, #tpu.memory_space<vmem>>) offsets(%dma_start3A_50 : memref<128xi32, #tpu.memory_space<vmem>>) semaphore(%arg11 : memref<!tpu.dma_semaphore, #tpu.memory_space<semaphore_mem>>)
      %dma_start3A_54 = arith.constant 1 : i32
      %dma_start3A_55 = arith.constant 1 : i32
      %dma_start3A_56 = arith.constant 0 : i32
      %dma_start3A_57 = arith.constant 0 : i32
      %dma_start3A_58 = tpu.memref_slice %arg9[%dma_start3A_55, %dma_start3A_56, %dma_start3A_57] : memref<6x128x64xbf16, #tpu.memory_space<vmem>> -> memref<1x128x64xbf16, #tpu.memory_space<vmem>>
      %dma_start3A_59 = tpu.memref_squeeze %dma_start3A_58 : memref<1x128x64xbf16, #tpu.memory_space<vmem>> -> memref<128x64xbf16, #tpu.memory_space<vmem>>
      %dma_start3A_60 = arith.constant 0 : i32
      %dma_start3A_61 = tpu.memref_slice %arg7[%dma_start3A_54, %dma_start3A_60] : memref<157x128xi32, #tpu.memory_space<vmem>> -> memref<1x128xi32, #tpu.memory_space<vmem>>
      %dma_start3A_62 = tpu.memref_squeeze %dma_start3A_61 : memref<1x128xi32, #tpu.memory_space<vmem>> -> memref<128xi32, #tpu.memory_space<vmem>>
      %dma_start3A_63 = arith.constant 0 : i32
      %dma_start3A_64 = arith.constant 0 : i32
      %dma_start3A_65 = tpu.memref_slice %arg3[%dma_start3A_63, %dma_start3A_64] : memref<10240x64xbf16, #tpu.memory_space<hbm>> -> memref<10240x64xbf16, #tpu.memory_space<hbm>>
      tpu.enqueue_indirect_dma source(%dma_start3A_65 : memref<10240x64xbf16, #tpu.memory_space<hbm>>) target(%dma_start3A_59 : memref<128x64xbf16, #tpu.memory_space<vmem>>) offsets(%dma_start3A_62 : memref<128xi32, #tpu.memory_space<vmem>>) semaphore(%arg12 : memref<!tpu.dma_semaphore, #tpu.memory_space<semaphore_mem>>)
      %dma_start3A_66 = arith.constant 2 : i32
      %dma_start3A_67 = arith.constant 2 : i32
      %dma_start3A_68 = arith.constant 0 : i32
      %dma_start3A_69 = arith.constant 0 : i32
      %dma_start3A_70 = tpu.memref_slice %arg9[%dma_start3A_67, %dma_start3A_68, %dma_start3A_69] : memref<6x128x64xbf16, #tpu.memory_space<vmem>> -> memref<1x128x64xbf16, #tpu.memory_space<vmem>>
      %dma_start3A_71 = tpu.memref_squeeze %dma_start3A_70 : memref<1x128x64xbf16, #tpu.memory_space<vmem>> -> memref<128x64xbf16, #tpu.memory_space<vmem>>
      %dma_start3A_72 = arith.constant 0 : i32
      %dma_start3A_73 = tpu.memref_slice %arg7[%dma_start3A_66, %dma_start3A_72] : memref<157x128xi32, #tpu.memory_space<vmem>> -> memref<1x128xi32, #tpu.memory_space<vmem>>
      %dma_start3A_74 = tpu.memref_squeeze %dma_start3A_73 : memref<1x128xi32, #tpu.memory_space<vmem>> -> memref<128xi32, #tpu.memory_space<vmem>>
      %dma_start3A_75 = arith.constant 0 : i32
      %dma_start3A_76 = arith.constant 0 : i32
      %dma_start3A_77 = tpu.memref_slice %arg3[%dma_start3A_75, %dma_start3A_76] : memref<10240x64xbf16, #tpu.memory_space<hbm>> -> memref<10240x64xbf16, #tpu.memory_space<hbm>>
      tpu.enqueue_indirect_dma source(%dma_start3A_77 : memref<10240x64xbf16, #tpu.memory_space<hbm>>) target(%dma_start3A_71 : memref<128x64xbf16, #tpu.memory_space<vmem>>) offsets(%dma_start3A_74 : memref<128xi32, #tpu.memory_space<vmem>>) semaphore(%arg13 : memref<!tpu.dma_semaphore, #tpu.memory_space<semaphore_mem>>)
      %dma_start3A_78 = arith.constant 3 : i32
      %dma_start3A_79 = arith.constant 3 : i32
      %dma_start3A_80 = arith.constant 0 : i32
      %dma_start3A_81 = arith.constant 0 : i32
      %dma_start3A_82 = tpu.memref_slice %arg9[%dma_start3A_79, %dma_start3A_80, %dma_start3A_81] : memref<6x128x64xbf16, #tpu.memory_space<vmem>> -> memref<1x128x64xbf16, #tpu.memory_space<vmem>>
      %dma_start3A_83 = tpu.memref_squeeze %dma_start3A_82 : memref<1x128x64xbf16, #tpu.memory_space<vmem>> -> memref<128x64xbf16, #tpu.memory_space<vmem>>
      %dma_start3A_84 = arith.constant 0 : i32
      %dma_start3A_85 = tpu.memref_slice %arg7[%dma_start3A_78, %dma_start3A_84] : memref<157x128xi32, #tpu.memory_space<vmem>> -> memref<1x128xi32, #tpu.memory_space<vmem>>
      %dma_start3A_86 = tpu.memref_squeeze %dma_start3A_85 : memref<1x128xi32, #tpu.memory_space<vmem>> -> memref<128xi32, #tpu.memory_space<vmem>>
      %dma_start3A_87 = arith.constant 0 : i32
      %dma_start3A_88 = arith.constant 0 : i32
      %dma_start3A_89 = tpu.memref_slice %arg3[%dma_start3A_87, %dma_start3A_88] : memref<10240x64xbf16, #tpu.memory_space<hbm>> -> memref<10240x64xbf16, #tpu.memory_space<hbm>>
      tpu.enqueue_indirect_dma source(%dma_start3A_89 : memref<10240x64xbf16, #tpu.memory_space<hbm>>) target(%dma_start3A_83 : memref<128x64xbf16, #tpu.memory_space<vmem>>) offsets(%dma_start3A_86 : memref<128xi32, #tpu.memory_space<vmem>>) semaphore(%arg14 : memref<!tpu.dma_semaphore, #tpu.memory_space<semaphore_mem>>)
      %dma_start3A_90 = arith.constant 4 : i32
      %dma_start3A_91 = arith.constant 4 : i32
      %dma_start3A_92 = arith.constant 0 : i32
      %dma_start3A_93 = arith.constant 0 : i32
      %dma_start3A_94 = tpu.memref_slice %arg9[%dma_start3A_91, %dma_start3A_92, %dma_start3A_93] : memref<6x128x64xbf16, #tpu.memory_space<vmem>> -> memref<1x128x64xbf16, #tpu.memory_space<vmem>>
      %dma_start3A_95 = tpu.memref_squeeze %dma_start3A_94 : memref<1x128x64xbf16, #tpu.memory_space<vmem>> -> memref<128x64xbf16, #tpu.memory_space<vmem>>
      %dma_start3A_96 = arith.constant 0 : i32
      %dma_start3A_97 = tpu.memref_slice %arg7[%dma_start3A_90, %dma_start3A_96] : memref<157x128xi32, #tpu.memory_space<vmem>> -> memref<1x128xi32, #tpu.memory_space<vmem>>
      %dma_start3A_98 = tpu.memref_squeeze %dma_start3A_97 : memref<1x128xi32, #tpu.memory_space<vmem>> -> memref<128xi32, #tpu.memory_space<vmem>>
      %dma_start3A_99 = arith.constant 0 : i32
      %dma_start3A_100 = arith.constant 0 : i32
      %dma_start3A_101 = tpu.memref_slice %arg3[%dma_start3A_99, %dma_start3A_100] : memref<10240x64xbf16, #tpu.memory_space<hbm>> -> memref<10240x64xbf16, #tpu.memory_space<hbm>>
      tpu.enqueue_indirect_dma source(%dma_start3A_101 : memref<10240x64xbf16, #tpu.memory_space<hbm>>) target(%dma_start3A_95 : memref<128x64xbf16, #tpu.memory_space<vmem>>) offsets(%dma_start3A_98 : memref<128xi32, #tpu.memory_space<vmem>>) semaphore(%arg15 : memref<!tpu.dma_semaphore, #tpu.memory_space<semaphore_mem>>)
      %scan3A_102 = arith.constant 0 : i32
      %scan3A_103 = arith.constant 0 : i32
      %scan3A_104 = arith.constant 26 : i32
      %scan3A_105 = arith.addi %scan3A_103, %scan3A_104 : i32
      %scan3A_106 = arith.constant 1 : i32
      %scan3A_107 = scf.for %scan3A_184 = %scan3A_103 to %scan3A_105 step %scan3A_106 iter_args(%scan3A_185 = %scan3A_102) -> (i32)  : i32 {
        %mul3A_186 = arith.constant 6 : i32
        %mul3A_187 = arith.muli %scan3A_184, %mul3A_186 : i32
        %add3A_188 = arith.constant 0 : i32
        %add3A_189 = arith.addi %mul3A_187, %add3A_188 : i32
        %dma_wait3A_190 = arith.constant 0 : i32
        %dma_wait3A_191 = arith.constant 0 : i32
        %dma_wait3A_192 = arith.constant 0 : i32
        %dma_wait3A_193 = tpu.memref_slice %arg9[%dma_wait3A_190, %dma_wait3A_191, %dma_wait3A_192] : memref<6x128x64xbf16, #tpu.memory_space<vmem>> -> memref<1x128x64xbf16, #tpu.memory_space<vmem>>
        %dma_wait3A_194 = tpu.memref_squeeze %dma_wait3A_193 : memref<1x128x64xbf16, #tpu.memory_space<vmem>> -> memref<128x64xbf16, #tpu.memory_space<vmem>>
        %dma_wait3A_195 = arith.constant 0 : i32
        %dma_wait3A_196 = tpu.memref_slice %arg7[%add3A_189, %dma_wait3A_195] : memref<157x128xi32, #tpu.memory_space<vmem>> -> memref<1x128xi32, #tpu.memory_space<vmem>>
        %dma_wait3A_197 = tpu.memref_squeeze %dma_wait3A_196 : memref<1x128xi32, #tpu.memory_space<vmem>> -> memref<128xi32, #tpu.memory_space<vmem>>
        %dma_wait3A_198 = arith.constant 0 : i32
        %dma_wait3A_199 = arith.constant 0 : i32
        %dma_wait3A_200 = tpu.memref_slice %arg3[%dma_wait3A_198, %dma_wait3A_199] : memref<10240x64xbf16, #tpu.memory_space<hbm>> -> memref<10240x64xbf16, #tpu.memory_space<hbm>>
        tpu.wait_indirect_dma semaphore(%arg11 : memref<!tpu.dma_semaphore, #tpu.memory_space<semaphore_mem>>) src(%dma_wait3A_200 : memref<10240x64xbf16, #tpu.memory_space<hbm>>) dst(%dma_wait3A_194 : memref<128x64xbf16, #tpu.memory_space<vmem>>)
        %ge3A = arith.constant 1 : i32
        %ge3A_201 = arith.cmpi sge, %add3A_189, %ge3A : i32
        %add3A_202 = arith.constant 6 : i32
        %add3A_203 = arith.addi %add3A_189, %add3A_202 : i32
        %sub3A = arith.constant 1 : i32
        %sub3A_204 = arith.subi %add3A_203, %sub3A : i32
        %lt3A_205 = arith.cmpi slt, %sub3A_204, %add3A_5 : i32
        %and3A = arith.andi %ge3A_201, %lt3A_205 : i1
        %convert_element_type3A_206 = arith.extui %and3A : i1 to i32
        %cond3A_207 = arith.constant 0 : i32
        %cond3A_208 = arith.cmpi ne, %convert_element_type3A_206, %cond3A_207 : i32
        scf.if %cond3A_208 {
          %dma_wait3A_454 = arith.constant 5 : i32
          %dma_wait3A_455 = arith.constant 0 : i32
          %dma_wait3A_456 = arith.constant 0 : i32
          %dma_wait3A_457 = tpu.memref_slice %arg9[%dma_wait3A_454, %dma_wait3A_455, %dma_wait3A_456] : memref<6x128x64xbf16, #tpu.memory_space<vmem>> -> memref<1x128x64xbf16, #tpu.memory_space<vmem>>
          %dma_wait3A_458 = tpu.memref_squeeze %dma_wait3A_457 : memref<1x128x64xbf16, #tpu.memory_space<vmem>> -> memref<128x64xbf16, #tpu.memory_space<vmem>>
          %dma_wait3A_459 = arith.constant 0 : i32
          %dma_wait3A_460 = tpu.memref_slice %arg8[%add3A_189, %dma_wait3A_459] : memref<157x128xi32, #tpu.memory_space<vmem>> -> memref<1x128xi32, #tpu.memory_space<vmem>>
          %dma_wait3A_461 = tpu.memref_squeeze %dma_wait3A_460 : memref<1x128xi32, #tpu.memory_space<vmem>> -> memref<128xi32, #tpu.memory_space<vmem>>
          %dma_wait3A_462 = arith.constant 0 : i32
          %dma_wait3A_463 = arith.constant 0 : i32
          %dma_wait3A_464 = tpu.memref_slice %arg10[%dma_wait3A_462, %dma_wait3A_463] : memref<10240x64xbf16, #tpu.memory_space<vmem_shared>> -> memref<10240x64xbf16, #tpu.memory_space<vmem_shared>>
          tpu.wait_indirect_dma semaphore(%arg22 : memref<!tpu.dma_semaphore, #tpu.memory_space<semaphore_mem>>) src(%dma_wait3A_458 : memref<128x64xbf16, #tpu.memory_space<vmem>>) dst(%dma_wait3A_464 : memref<10240x64xbf16, #tpu.memory_space<vmem_shared>>)
        } else {
        }
        %add3A_209 = arith.constant 6 : i32
        %add3A_210 = arith.addi %add3A_189, %add3A_209 : i32
        %sub3A_211 = arith.constant 1 : i32
        %sub3A_212 = arith.subi %add3A_210, %sub3A_211 : i32
        %lt3A_213 = arith.cmpi slt, %sub3A_212, %add3A_5 : i32
        %convert_element_type3A_214 = arith.extui %lt3A_213 : i1 to i32
        %cond3A_215 = arith.constant 0 : i32
        %cond3A_216 = arith.cmpi ne, %convert_element_type3A_214, %cond3A_215 : i32
        scf.if %cond3A_216 {
          %add3A_454 = arith.constant 6 : i32
          %add3A_455 = arith.addi %add3A_189, %add3A_454 : i32
          %sub3A_456 = arith.constant 1 : i32
          %sub3A_457 = arith.subi %add3A_455, %sub3A_456 : i32
          %dma_start3A_458 = arith.constant 5 : i32
          %dma_start3A_459 = arith.constant 0 : i32
          %dma_start3A_460 = arith.constant 0 : i32
          %dma_start3A_461 = tpu.memref_slice %arg9[%dma_start3A_458, %dma_start3A_459, %dma_start3A_460] : memref<6x128x64xbf16, #tpu.memory_space<vmem>> -> memref<1x128x64xbf16, #tpu.memory_space<vmem>>
          %dma_start3A_462 = tpu.memref_squeeze %dma_start3A_461 : memref<1x128x64xbf16, #tpu.memory_space<vmem>> -> memref<128x64xbf16, #tpu.memory_space<vmem>>
          %dma_start3A_463 = arith.constant 0 : i32
          %dma_start3A_464 = tpu.memref_slice %arg7[%sub3A_457, %dma_start3A_463] : memref<157x128xi32, #tpu.memory_space<vmem>> -> memref<1x128xi32, #tpu.memory_space<vmem>>
          %dma_start3A_465 = tpu.memref_squeeze %dma_start3A_464 : memref<1x128xi32, #tpu.memory_space<vmem>> -> memref<128xi32, #tpu.memory_space<vmem>>
          %dma_start3A_466 = arith.constant 0 : i32
          %dma_start3A_467 = arith.constant 0 : i32
          %dma_start3A_468 = tpu.memref_slice %arg3[%dma_start3A_466, %dma_start3A_467] : memref<10240x64xbf16, #tpu.memory_space<hbm>> -> memref<10240x64xbf16, #tpu.memory_space<hbm>>
          tpu.enqueue_indirect_dma source(%dma_start3A_468 : memref<10240x64xbf16, #tpu.memory_space<hbm>>) target(%dma_start3A_462 : memref<128x64xbf16, #tpu.memory_space<vmem>>) offsets(%dma_start3A_465 : memref<128xi32, #tpu.memory_space<vmem>>) semaphore(%arg16 : memref<!tpu.dma_semaphore, #tpu.memory_space<semaphore_mem>>)
        } else {
        }
        %dma_start3A_217 = arith.constant 0 : i32
        %dma_start3A_218 = arith.constant 0 : i32
        %dma_start3A_219 = arith.constant 0 : i32
        %dma_start3A_220 = tpu.memref_slice %arg9[%dma_start3A_217, %dma_start3A_218, %dma_start3A_219] : memref<6x128x64xbf16, #tpu.memory_space<vmem>> -> memref<1x128x64xbf16, #tpu.memory_space<vmem>>
        %dma_start3A_221 = tpu.memref_squeeze %dma_start3A_220 : memref<1x128x64xbf16, #tpu.memory_space<vmem>> -> memref<128x64xbf16, #tpu.memory_space<vmem>>
        %dma_start3A_222 = arith.constant 0 : i32
        %dma_start3A_223 = tpu.memref_slice %arg8[%add3A_189, %dma_start3A_222] : memref<157x128xi32, #tpu.memory_space<vmem>> -> memref<1x128xi32, #tpu.memory_space<vmem>>
        %dma_start3A_224 = tpu.memref_squeeze %dma_start3A_223 : memref<1x128xi32, #tpu.memory_space<vmem>> -> memref<128xi32, #tpu.memory_space<vmem>>
        %dma_start3A_225 = arith.constant 0 : i32
        %dma_start3A_226 = arith.constant 0 : i32
        %dma_start3A_227 = tpu.memref_slice %arg10[%dma_start3A_225, %dma_start3A_226] : memref<10240x64xbf16, #tpu.memory_space<vmem_shared>> -> memref<10240x64xbf16, #tpu.memory_space<vmem_shared>>
        tpu.enqueue_indirect_dma source(%dma_start3A_221 : memref<128x64xbf16, #tpu.memory_space<vmem>>) target(%dma_start3A_227 : memref<10240x64xbf16, #tpu.memory_space<vmem_shared>>) offsets(%dma_start3A_224 : memref<128xi32, #tpu.memory_space<vmem>>) semaphore(%arg17 : memref<!tpu.dma_semaphore, #tpu.memory_space<semaphore_mem>>) {add = true}
        %mul3A_228 = arith.constant 6 : i32
        %mul3A_229 = arith.muli %scan3A_184, %mul3A_228 : i32
        %add3A_230 = arith.constant 1 : i32
        %add3A_231 = arith.addi %mul3A_229, %add3A_230 : i32
        %dma_wait3A_232 = arith.constant 1 : i32
        %dma_wait3A_233 = arith.constant 0 : i32
        %dma_wait3A_234 = arith.constant 0 : i32
        %dma_wait3A_235 = tpu.memref_slice %arg9[%dma_wait3A_232, %dma_wait3A_233, %dma_wait3A_234] : memref<6x128x64xbf16, #tpu.memory_space<vmem>> -> memref<1x128x64xbf16, #tpu.memory_space<vmem>>
        %dma_wait3A_236 = tpu.memref_squeeze %dma_wait3A_235 : memref<1x128x64xbf16, #tpu.memory_space<vmem>> -> memref<128x64xbf16, #tpu.memory_space<vmem>>
        %dma_wait3A_237 = arith.constant 0 : i32
        %dma_wait3A_238 = tpu.memref_slice %arg7[%add3A_231, %dma_wait3A_237] : memref<157x128xi32, #tpu.memory_space<vmem>> -> memref<1x128xi32, #tpu.memory_space<vmem>>
        %dma_wait3A_239 = tpu.memref_squeeze %dma_wait3A_238 : memref<1x128xi32, #tpu.memory_space<vmem>> -> memref<128xi32, #tpu.memory_space<vmem>>
        %dma_wait3A_240 = arith.constant 0 : i32
        %dma_wait3A_241 = arith.constant 0 : i32
        %dma_wait3A_242 = tpu.memref_slice %arg3[%dma_wait3A_240, %dma_wait3A_241] : memref<10240x64xbf16, #tpu.memory_space<hbm>> -> memref<10240x64xbf16, #tpu.memory_space<hbm>>
        tpu.wait_indirect_dma semaphore(%arg12 : memref<!tpu.dma_semaphore, #tpu.memory_space<semaphore_mem>>) src(%dma_wait3A_242 : memref<10240x64xbf16, #tpu.memory_space<hbm>>) dst(%dma_wait3A_236 : memref<128x64xbf16, #tpu.memory_space<vmem>>)
        %ge3A_243 = arith.constant 1 : i32
        %ge3A_244 = arith.cmpi sge, %add3A_231, %ge3A_243 : i32
        %add3A_245 = arith.constant 6 : i32
        %add3A_246 = arith.addi %add3A_231, %add3A_245 : i32
        %sub3A_247 = arith.constant 1 : i32
        %sub3A_248 = arith.subi %add3A_246, %sub3A_247 : i32
        %lt3A_249 = arith.cmpi slt, %sub3A_248, %add3A_5 : i32
        %and3A_250 = arith.andi %ge3A_244, %lt3A_249 : i1
        %convert_element_type3A_251 = arith.extui %and3A_250 : i1 to i32
        %cond3A_252 = arith.constant 0 : i32
        %cond3A_253 = arith.cmpi ne, %convert_element_type3A_251, %cond3A_252 : i32
        scf.if %cond3A_253 {
          %dma_wait3A_454 = arith.constant 0 : i32
          %dma_wait3A_455 = arith.constant 0 : i32
          %dma_wait3A_456 = arith.constant 0 : i32
          %dma_wait3A_457 = tpu.memref_slice %arg9[%dma_wait3A_454, %dma_wait3A_455, %dma_wait3A_456] : memref<6x128x64xbf16, #tpu.memory_space<vmem>> -> memref<1x128x64xbf16, #tpu.memory_space<vmem>>
          %dma_wait3A_458 = tpu.memref_squeeze %dma_wait3A_457 : memref<1x128x64xbf16, #tpu.memory_space<vmem>> -> memref<128x64xbf16, #tpu.memory_space<vmem>>
          %dma_wait3A_459 = arith.constant 0 : i32
          %dma_wait3A_460 = tpu.memref_slice %arg8[%add3A_231, %dma_wait3A_459] : memref<157x128xi32, #tpu.memory_space<vmem>> -> memref<1x128xi32, #tpu.memory_space<vmem>>
          %dma_wait3A_461 = tpu.memref_squeeze %dma_wait3A_460 : memref<1x128xi32, #tpu.memory_space<vmem>> -> memref<128xi32, #tpu.memory_space<vmem>>
          %dma_wait3A_462 = arith.constant 0 : i32
          %dma_wait3A_463 = arith.constant 0 : i32
          %dma_wait3A_464 = tpu.memref_slice %arg10[%dma_wait3A_462, %dma_wait3A_463] : memref<10240x64xbf16, #tpu.memory_space<vmem_shared>> -> memref<10240x64xbf16, #tpu.memory_space<vmem_shared>>
          tpu.wait_indirect_dma semaphore(%arg17 : memref<!tpu.dma_semaphore, #tpu.memory_space<semaphore_mem>>) src(%dma_wait3A_458 : memref<128x64xbf16, #tpu.memory_space<vmem>>) dst(%dma_wait3A_464 : memref<10240x64xbf16, #tpu.memory_space<vmem_shared>>)
        } else {
        }
        %add3A_254 = arith.constant 6 : i32
        %add3A_255 = arith.addi %add3A_231, %add3A_254 : i32
        %sub3A_256 = arith.constant 1 : i32
        %sub3A_257 = arith.subi %add3A_255, %sub3A_256 : i32
        %lt3A_258 = arith.cmpi slt, %sub3A_257, %add3A_5 : i32
        %convert_element_type3A_259 = arith.extui %lt3A_258 : i1 to i32
        %cond3A_260 = arith.constant 0 : i32
        %cond3A_261 = arith.cmpi ne, %convert_element_type3A_259, %cond3A_260 : i32
        scf.if %cond3A_261 {
          %add3A_454 = arith.constant 6 : i32
          %add3A_455 = arith.addi %add3A_231, %add3A_454 : i32
          %sub3A_456 = arith.constant 1 : i32
          %sub3A_457 = arith.subi %add3A_455, %sub3A_456 : i32
          %dma_start3A_458 = arith.constant 0 : i32
          %dma_start3A_459 = arith.constant 0 : i32
          %dma_start3A_460 = arith.constant 0 : i32
          %dma_start3A_461 = tpu.memref_slice %arg9[%dma_start3A_458, %dma_start3A_459, %dma_start3A_460] : memref<6x128x64xbf16, #tpu.memory_space<vmem>> -> memref<1x128x64xbf16, #tpu.memory_space<vmem>>
          %dma_start3A_462 = tpu.memref_squeeze %dma_start3A_461 : memref<1x128x64xbf16, #tpu.memory_space<vmem>> -> memref<128x64xbf16, #tpu.memory_space<vmem>>
          %dma_start3A_463 = arith.constant 0 : i32
          %dma_start3A_464 = tpu.memref_slice %arg7[%sub3A_457, %dma_start3A_463] : memref<157x128xi32, #tpu.memory_space<vmem>> -> memref<1x128xi32, #tpu.memory_space<vmem>>
          %dma_start3A_465 = tpu.memref_squeeze %dma_start3A_464 : memref<1x128xi32, #tpu.memory_space<vmem>> -> memref<128xi32, #tpu.memory_space<vmem>>
          %dma_start3A_466 = arith.constant 0 : i32
          %dma_start3A_467 = arith.constant 0 : i32
          %dma_start3A_468 = tpu.memref_slice %arg3[%dma_start3A_466, %dma_start3A_467] : memref<10240x64xbf16, #tpu.memory_space<hbm>> -> memref<10240x64xbf16, #tpu.memory_space<hbm>>
          tpu.enqueue_indirect_dma source(%dma_start3A_468 : memref<10240x64xbf16, #tpu.memory_space<hbm>>) target(%dma_start3A_462 : memref<128x64xbf16, #tpu.memory_space<vmem>>) offsets(%dma_start3A_465 : memref<128xi32, #tpu.memory_space<vmem>>) semaphore(%arg11 : memref<!tpu.dma_semaphore, #tpu.memory_space<semaphore_mem>>)
        } else {
        }
        %dma_start3A_262 = arith.constant 1 : i32
        %dma_start3A_263 = arith.constant 0 : i32
        %dma_start3A_264 = arith.constant 0 : i32
        %dma_start3A_265 = tpu.memref_slice %arg9[%dma_start3A_262, %dma_start3A_263, %dma_start3A_264] : memref<6x128x64xbf16, #tpu.memory_space<vmem>> -> memref<1x128x64xbf16, #tpu.memory_space<vmem>>
        %dma_start3A_266 = tpu.memref_squeeze %dma_start3A_265 : memref<1x128x64xbf16, #tpu.memory_space<vmem>> -> memref<128x64xbf16, #tpu.memory_space<vmem>>
        %dma_start3A_267 = arith.constant 0 : i32
        %dma_start3A_268 = tpu.memref_slice %arg8[%add3A_231, %dma_start3A_267] : memref<157x128xi32, #tpu.memory_space<vmem>> -> memref<1x128xi32, #tpu.memory_space<vmem>>
        %dma_start3A_269 = tpu.memref_squeeze %dma_start3A_268 : memref<1x128xi32, #tpu.memory_space<vmem>> -> memref<128xi32, #tpu.memory_space<vmem>>
        %dma_start3A_270 = arith.constant 0 : i32
        %dma_start3A_271 = arith.constant 0 : i32
        %dma_start3A_272 = tpu.memref_slice %arg10[%dma_start3A_270, %dma_start3A_271] : memref<10240x64xbf16, #tpu.memory_space<vmem_shared>> -> memref<10240x64xbf16, #tpu.memory_space<vmem_shared>>
        tpu.enqueue_indirect_dma source(%dma_start3A_266 : memref<128x64xbf16, #tpu.memory_space<vmem>>) target(%dma_start3A_272 : memref<10240x64xbf16, #tpu.memory_space<vmem_shared>>) offsets(%dma_start3A_269 : memref<128xi32, #tpu.memory_space<vmem>>) semaphore(%arg18 : memref<!tpu.dma_semaphore, #tpu.memory_space<semaphore_mem>>) {add = true}
        %mul3A_273 = arith.constant 6 : i32
        %mul3A_274 = arith.muli %scan3A_184, %mul3A_273 : i32
        %add3A_275 = arith.constant 2 : i32
        %add3A_276 = arith.addi %mul3A_274, %add3A_275 : i32
        %dma_wait3A_277 = arith.constant 2 : i32
        %dma_wait3A_278 = arith.constant 0 : i32
        %dma_wait3A_279 = arith.constant 0 : i32
        %dma_wait3A_280 = tpu.memref_slice %arg9[%dma_wait3A_277, %dma_wait3A_278, %dma_wait3A_279] : memref<6x128x64xbf16, #tpu.memory_space<vmem>> -> memref<1x128x64xbf16, #tpu.memory_space<vmem>>
        %dma_wait3A_281 = tpu.memref_squeeze %dma_wait3A_280 : memref<1x128x64xbf16, #tpu.memory_space<vmem>> -> memref<128x64xbf16, #tpu.memory_space<vmem>>
        %dma_wait3A_282 = arith.constant 0 : i32
        %dma_wait3A_283 = tpu.memref_slice %arg7[%add3A_276, %dma_wait3A_282] : memref<157x128xi32, #tpu.memory_space<vmem>> -> memref<1x128xi32, #tpu.memory_space<vmem>>
        %dma_wait3A_284 = tpu.memref_squeeze %dma_wait3A_283 : memref<1x128xi32, #tpu.memory_space<vmem>> -> memref<128xi32, #tpu.memory_space<vmem>>
        %dma_wait3A_285 = arith.constant 0 : i32
        %dma_wait3A_286 = arith.constant 0 : i32
        %dma_wait3A_287 = tpu.memref_slice %arg3[%dma_wait3A_285, %dma_wait3A_286] : memref<10240x64xbf16, #tpu.memory_space<hbm>> -> memref<10240x64xbf16, #tpu.memory_space<hbm>>
        tpu.wait_indirect_dma semaphore(%arg13 : memref<!tpu.dma_semaphore, #tpu.memory_space<semaphore_mem>>) src(%dma_wait3A_287 : memref<10240x64xbf16, #tpu.memory_space<hbm>>) dst(%dma_wait3A_281 : memref<128x64xbf16, #tpu.memory_space<vmem>>)
        %ge3A_288 = arith.constant 1 : i32
        %ge3A_289 = arith.cmpi sge, %add3A_276, %ge3A_288 : i32
        %add3A_290 = arith.constant 6 : i32
        %add3A_291 = arith.addi %add3A_276, %add3A_290 : i32
        %sub3A_292 = arith.constant 1 : i32
        %sub3A_293 = arith.subi %add3A_291, %sub3A_292 : i32
        %lt3A_294 = arith.cmpi slt, %sub3A_293, %add3A_5 : i32
        %and3A_295 = arith.andi %ge3A_289, %lt3A_294 : i1
        %convert_element_type3A_296 = arith.extui %and3A_295 : i1 to i32
        %cond3A_297 = arith.constant 0 : i32
        %cond3A_298 = arith.cmpi ne, %convert_element_type3A_296, %cond3A_297 : i32
        scf.if %cond3A_298 {
          %dma_wait3A_454 = arith.constant 1 : i32
          %dma_wait3A_455 = arith.constant 0 : i32
          %dma_wait3A_456 = arith.constant 0 : i32
          %dma_wait3A_457 = tpu.memref_slice %arg9[%dma_wait3A_454, %dma_wait3A_455, %dma_wait3A_456] : memref<6x128x64xbf16, #tpu.memory_space<vmem>> -> memref<1x128x64xbf16, #tpu.memory_space<vmem>>
          %dma_wait3A_458 = tpu.memref_squeeze %dma_wait3A_457 : memref<1x128x64xbf16, #tpu.memory_space<vmem>> -> memref<128x64xbf16, #tpu.memory_space<vmem>>
          %dma_wait3A_459 = arith.constant 0 : i32
          %dma_wait3A_460 = tpu.memref_slice %arg8[%add3A_276, %dma_wait3A_459] : memref<157x128xi32, #tpu.memory_space<vmem>> -> memref<1x128xi32, #tpu.memory_space<vmem>>
          %dma_wait3A_461 = tpu.memref_squeeze %dma_wait3A_460 : memref<1x128xi32, #tpu.memory_space<vmem>> -> memref<128xi32, #tpu.memory_space<vmem>>
          %dma_wait3A_462 = arith.constant 0 : i32
          %dma_wait3A_463 = arith.constant 0 : i32
          %dma_wait3A_464 = tpu.memref_slice %arg10[%dma_wait3A_462, %dma_wait3A_463] : memref<10240x64xbf16, #tpu.memory_space<vmem_shared>> -> memref<10240x64xbf16, #tpu.memory_space<vmem_shared>>
          tpu.wait_indirect_dma semaphore(%arg18 : memref<!tpu.dma_semaphore, #tpu.memory_space<semaphore_mem>>) src(%dma_wait3A_458 : memref<128x64xbf16, #tpu.memory_space<vmem>>) dst(%dma_wait3A_464 : memref<10240x64xbf16, #tpu.memory_space<vmem_shared>>)
        } else {
        }
        %add3A_299 = arith.constant 6 : i32
        %add3A_300 = arith.addi %add3A_276, %add3A_299 : i32
        %sub3A_301 = arith.constant 1 : i32
        %sub3A_302 = arith.subi %add3A_300, %sub3A_301 : i32
        %lt3A_303 = arith.cmpi slt, %sub3A_302, %add3A_5 : i32
        %convert_element_type3A_304 = arith.extui %lt3A_303 : i1 to i32
        %cond3A_305 = arith.constant 0 : i32
        %cond3A_306 = arith.cmpi ne, %convert_element_type3A_304, %cond3A_305 : i32
        scf.if %cond3A_306 {
          %add3A_454 = arith.constant 6 : i32
          %add3A_455 = arith.addi %add3A_276, %add3A_454 : i32
          %sub3A_456 = arith.constant 1 : i32
          %sub3A_457 = arith.subi %add3A_455, %sub3A_456 : i32
          %dma_start3A_458 = arith.constant 1 : i32
          %dma_start3A_459 = arith.constant 0 : i32
          %dma_start3A_460 = arith.constant 0 : i32
          %dma_start3A_461 = tpu.memref_slice %arg9[%dma_start3A_458, %dma_start3A_459, %dma_start3A_460] : memref<6x128x64xbf16, #tpu.memory_space<vmem>> -> memref<1x128x64xbf16, #tpu.memory_space<vmem>>
          %dma_start3A_462 = tpu.memref_squeeze %dma_start3A_461 : memref<1x128x64xbf16, #tpu.memory_space<vmem>> -> memref<128x64xbf16, #tpu.memory_space<vmem>>
          %dma_start3A_463 = arith.constant 0 : i32
          %dma_start3A_464 = tpu.memref_slice %arg7[%sub3A_457, %dma_start3A_463] : memref<157x128xi32, #tpu.memory_space<vmem>> -> memref<1x128xi32, #tpu.memory_space<vmem>>
          %dma_start3A_465 = tpu.memref_squeeze %dma_start3A_464 : memref<1x128xi32, #tpu.memory_space<vmem>> -> memref<128xi32, #tpu.memory_space<vmem>>
          %dma_start3A_466 = arith.constant 0 : i32
          %dma_start3A_467 = arith.constant 0 : i32
          %dma_start3A_468 = tpu.memref_slice %arg3[%dma_start3A_466, %dma_start3A_467] : memref<10240x64xbf16, #tpu.memory_space<hbm>> -> memref<10240x64xbf16, #tpu.memory_space<hbm>>
          tpu.enqueue_indirect_dma source(%dma_start3A_468 : memref<10240x64xbf16, #tpu.memory_space<hbm>>) target(%dma_start3A_462 : memref<128x64xbf16, #tpu.memory_space<vmem>>) offsets(%dma_start3A_465 : memref<128xi32, #tpu.memory_space<vmem>>) semaphore(%arg12 : memref<!tpu.dma_semaphore, #tpu.memory_space<semaphore_mem>>)
        } else {
        }
        %dma_start3A_307 = arith.constant 2 : i32
        %dma_start3A_308 = arith.constant 0 : i32
        %dma_start3A_309 = arith.constant 0 : i32
        %dma_start3A_310 = tpu.memref_slice %arg9[%dma_start3A_307, %dma_start3A_308, %dma_start3A_309] : memref<6x128x64xbf16, #tpu.memory_space<vmem>> -> memref<1x128x64xbf16, #tpu.memory_space<vmem>>
        %dma_start3A_311 = tpu.memref_squeeze %dma_start3A_310 : memref<1x128x64xbf16, #tpu.memory_space<vmem>> -> memref<128x64xbf16, #tpu.memory_space<vmem>>
        %dma_start3A_312 = arith.constant 0 : i32
        %dma_start3A_313 = tpu.memref_slice %arg8[%add3A_276, %dma_start3A_312] : memref<157x128xi32, #tpu.memory_space<vmem>> -> memref<1x128xi32, #tpu.memory_space<vmem>>
        %dma_start3A_314 = tpu.memref_squeeze %dma_start3A_313 : memref<1x128xi32, #tpu.memory_space<vmem>> -> memref<128xi32, #tpu.memory_space<vmem>>
        %dma_start3A_315 = arith.constant 0 : i32
        %dma_start3A_316 = arith.constant 0 : i32
        %dma_start3A_317 = tpu.memref_slice %arg10[%dma_start3A_315, %dma_start3A_316] : memref<10240x64xbf16, #tpu.memory_space<vmem_shared>> -> memref<10240x64xbf16, #tpu.memory_space<vmem_shared>>
        tpu.enqueue_indirect_dma source(%dma_start3A_311 : memref<128x64xbf16, #tpu.memory_space<vmem>>) target(%dma_start3A_317 : memref<10240x64xbf16, #tpu.memory_space<vmem_shared>>) offsets(%dma_start3A_314 : memref<128xi32, #tpu.memory_space<vmem>>) semaphore(%arg19 : memref<!tpu.dma_semaphore, #tpu.memory_space<semaphore_mem>>) {add = true}
        %mul3A_318 = arith.constant 6 : i32
        %mul3A_319 = arith.muli %scan3A_184, %mul3A_318 : i32
        %add3A_320 = arith.constant 3 : i32
        %add3A_321 = arith.addi %mul3A_319, %add3A_320 : i32
        %dma_wait3A_322 = arith.constant 3 : i32
        %dma_wait3A_323 = arith.constant 0 : i32
        %dma_wait3A_324 = arith.constant 0 : i32
        %dma_wait3A_325 = tpu.memref_slice %arg9[%dma_wait3A_322, %dma_wait3A_323, %dma_wait3A_324] : memref<6x128x64xbf16, #tpu.memory_space<vmem>> -> memref<1x128x64xbf16, #tpu.memory_space<vmem>>
        %dma_wait3A_326 = tpu.memref_squeeze %dma_wait3A_325 : memref<1x128x64xbf16, #tpu.memory_space<vmem>> -> memref<128x64xbf16, #tpu.memory_space<vmem>>
        %dma_wait3A_327 = arith.constant 0 : i32
        %dma_wait3A_328 = tpu.memref_slice %arg7[%add3A_321, %dma_wait3A_327] : memref<157x128xi32, #tpu.memory_space<vmem>> -> memref<1x128xi32, #tpu.memory_space<vmem>>
        %dma_wait3A_329 = tpu.memref_squeeze %dma_wait3A_328 : memref<1x128xi32, #tpu.memory_space<vmem>> -> memref<128xi32, #tpu.memory_space<vmem>>
        %dma_wait3A_330 = arith.constant 0 : i32
        %dma_wait3A_331 = arith.constant 0 : i32
        %dma_wait3A_332 = tpu.memref_slice %arg3[%dma_wait3A_330, %dma_wait3A_331] : memref<10240x64xbf16, #tpu.memory_space<hbm>> -> memref<10240x64xbf16, #tpu.memory_space<hbm>>
        tpu.wait_indirect_dma semaphore(%arg14 : memref<!tpu.dma_semaphore, #tpu.memory_space<semaphore_mem>>) src(%dma_wait3A_332 : memref<10240x64xbf16, #tpu.memory_space<hbm>>) dst(%dma_wait3A_326 : memref<128x64xbf16, #tpu.memory_space<vmem>>)
        %ge3A_333 = arith.constant 1 : i32
        %ge3A_334 = arith.cmpi sge, %add3A_321, %ge3A_333 : i32
        %add3A_335 = arith.constant 6 : i32
        %add3A_336 = arith.addi %add3A_321, %add3A_335 : i32
        %sub3A_337 = arith.constant 1 : i32
        %sub3A_338 = arith.subi %add3A_336, %sub3A_337 : i32
        %lt3A_339 = arith.cmpi slt, %sub3A_338, %add3A_5 : i32
        %and3A_340 = arith.andi %ge3A_334, %lt3A_339 : i1
        %convert_element_type3A_341 = arith.extui %and3A_340 : i1 to i32
        %cond3A_342 = arith.constant 0 : i32
        %cond3A_343 = arith.cmpi ne, %convert_element_type3A_341, %cond3A_342 : i32
        scf.if %cond3A_343 {
          %dma_wait3A_454 = arith.constant 2 : i32
          %dma_wait3A_455 = arith.constant 0 : i32
          %dma_wait3A_456 = arith.constant 0 : i32
          %dma_wait3A_457 = tpu.memref_slice %arg9[%dma_wait3A_454, %dma_wait3A_455, %dma_wait3A_456] : memref<6x128x64xbf16, #tpu.memory_space<vmem>> -> memref<1x128x64xbf16, #tpu.memory_space<vmem>>
          %dma_wait3A_458 = tpu.memref_squeeze %dma_wait3A_457 : memref<1x128x64xbf16, #tpu.memory_space<vmem>> -> memref<128x64xbf16, #tpu.memory_space<vmem>>
          %dma_wait3A_459 = arith.constant 0 : i32
          %dma_wait3A_460 = tpu.memref_slice %arg8[%add3A_321, %dma_wait3A_459] : memref<157x128xi32, #tpu.memory_space<vmem>> -> memref<1x128xi32, #tpu.memory_space<vmem>>
          %dma_wait3A_461 = tpu.memref_squeeze %dma_wait3A_460 : memref<1x128xi32, #tpu.memory_space<vmem>> -> memref<128xi32, #tpu.memory_space<vmem>>
          %dma_wait3A_462 = arith.constant 0 : i32
          %dma_wait3A_463 = arith.constant 0 : i32
          %dma_wait3A_464 = tpu.memref_slice %arg10[%dma_wait3A_462, %dma_wait3A_463] : memref<10240x64xbf16, #tpu.memory_space<vmem_shared>> -> memref<10240x64xbf16, #tpu.memory_space<vmem_shared>>
          tpu.wait_indirect_dma semaphore(%arg19 : memref<!tpu.dma_semaphore, #tpu.memory_space<semaphore_mem>>) src(%dma_wait3A_458 : memref<128x64xbf16, #tpu.memory_space<vmem>>) dst(%dma_wait3A_464 : memref<10240x64xbf16, #tpu.memory_space<vmem_shared>>)
        } else {
        }
        %add3A_344 = arith.constant 6 : i32
        %add3A_345 = arith.addi %add3A_321, %add3A_344 : i32
        %sub3A_346 = arith.constant 1 : i32
        %sub3A_347 = arith.subi %add3A_345, %sub3A_346 : i32
        %lt3A_348 = arith.cmpi slt, %sub3A_347, %add3A_5 : i32
        %convert_element_type3A_349 = arith.extui %lt3A_348 : i1 to i32
        %cond3A_350 = arith.constant 0 : i32
        %cond3A_351 = arith.cmpi ne, %convert_element_type3A_349, %cond3A_350 : i32
        scf.if %cond3A_351 {
          %add3A_454 = arith.constant 6 : i32
          %add3A_455 = arith.addi %add3A_321, %add3A_454 : i32
          %sub3A_456 = arith.constant 1 : i32
          %sub3A_457 = arith.subi %add3A_455, %sub3A_456 : i32
          %dma_start3A_458 = arith.constant 2 : i32
          %dma_start3A_459 = arith.constant 0 : i32
          %dma_start3A_460 = arith.constant 0 : i32
          %dma_start3A_461 = tpu.memref_slice %arg9[%dma_start3A_458, %dma_start3A_459, %dma_start3A_460] : memref<6x128x64xbf16, #tpu.memory_space<vmem>> -> memref<1x128x64xbf16, #tpu.memory_space<vmem>>
          %dma_start3A_462 = tpu.memref_squeeze %dma_start3A_461 : memref<1x128x64xbf16, #tpu.memory_space<vmem>> -> memref<128x64xbf16, #tpu.memory_space<vmem>>
          %dma_start3A_463 = arith.constant 0 : i32
          %dma_start3A_464 = tpu.memref_slice %arg7[%sub3A_457, %dma_start3A_463] : memref<157x128xi32, #tpu.memory_space<vmem>> -> memref<1x128xi32, #tpu.memory_space<vmem>>
          %dma_start3A_465 = tpu.memref_squeeze %dma_start3A_464 : memref<1x128xi32, #tpu.memory_space<vmem>> -> memref<128xi32, #tpu.memory_space<vmem>>
          %dma_start3A_466 = arith.constant 0 : i32
          %dma_start3A_467 = arith.constant 0 : i32
          %dma_start3A_468 = tpu.memref_slice %arg3[%dma_start3A_466, %dma_start3A_467] : memref<10240x64xbf16, #tpu.memory_space<hbm>> -> memref<10240x64xbf16, #tpu.memory_space<hbm>>
          tpu.enqueue_indirect_dma source(%dma_start3A_468 : memref<10240x64xbf16, #tpu.memory_space<hbm>>) target(%dma_start3A_462 : memref<128x64xbf16, #tpu.memory_space<vmem>>) offsets(%dma_start3A_465 : memref<128xi32, #tpu.memory_space<vmem>>) semaphore(%arg13 : memref<!tpu.dma_semaphore, #tpu.memory_space<semaphore_mem>>)
        } else {
        }
        %dma_start3A_352 = arith.constant 3 : i32
        %dma_start3A_353 = arith.constant 0 : i32
        %dma_start3A_354 = arith.constant 0 : i32
        %dma_start3A_355 = tpu.memref_slice %arg9[%dma_start3A_352, %dma_start3A_353, %dma_start3A_354] : memref<6x128x64xbf16, #tpu.memory_space<vmem>> -> memref<1x128x64xbf16, #tpu.memory_space<vmem>>
        %dma_start3A_356 = tpu.memref_squeeze %dma_start3A_355 : memref<1x128x64xbf16, #tpu.memory_space<vmem>> -> memref<128x64xbf16, #tpu.memory_space<vmem>>
        %dma_start3A_357 = arith.constant 0 : i32
        %dma_start3A_358 = tpu.memref_slice %arg8[%add3A_321, %dma_start3A_357] : memref<157x128xi32, #tpu.memory_space<vmem>> -> memref<1x128xi32, #tpu.memory_space<vmem>>
        %dma_start3A_359 = tpu.memref_squeeze %dma_start3A_358 : memref<1x128xi32, #tpu.memory_space<vmem>> -> memref<128xi32, #tpu.memory_space<vmem>>
        %dma_start3A_360 = arith.constant 0 : i32
        %dma_start3A_361 = arith.constant 0 : i32
        %dma_start3A_362 = tpu.memref_slice %arg10[%dma_start3A_360, %dma_start3A_361] : memref<10240x64xbf16, #tpu.memory_space<vmem_shared>> -> memref<10240x64xbf16, #tpu.memory_space<vmem_shared>>
        tpu.enqueue_indirect_dma source(%dma_start3A_356 : memref<128x64xbf16, #tpu.memory_space<vmem>>) target(%dma_start3A_362 : memref<10240x64xbf16, #tpu.memory_space<vmem_shared>>) offsets(%dma_start3A_359 : memref<128xi32, #tpu.memory_space<vmem>>) semaphore(%arg20 : memref<!tpu.dma_semaphore, #tpu.memory_space<semaphore_mem>>) {add = true}
        %mul3A_363 = arith.constant 6 : i32
        %mul3A_364 = arith.muli %scan3A_184, %mul3A_363 : i32
        %add3A_365 = arith.constant 4 : i32
        %add3A_366 = arith.addi %mul3A_364, %add3A_365 : i32
        %dma_wait3A_367 = arith.constant 4 : i32
        %dma_wait3A_368 = arith.constant 0 : i32
        %dma_wait3A_369 = arith.constant 0 : i32
        %dma_wait3A_370 = tpu.memref_slice %arg9[%dma_wait3A_367, %dma_wait3A_368, %dma_wait3A_369] : memref<6x128x64xbf16, #tpu.memory_space<vmem>> -> memref<1x128x64xbf16, #tpu.memory_space<vmem>>
        %dma_wait3A_371 = tpu.memref_squeeze %dma_wait3A_370 : memref<1x128x64xbf16, #tpu.memory_space<vmem>> -> memref<128x64xbf16, #tpu.memory_space<vmem>>
        %dma_wait3A_372 = arith.constant 0 : i32
        %dma_wait3A_373 = tpu.memref_slice %arg7[%add3A_366, %dma_wait3A_372] : memref<157x128xi32, #tpu.memory_space<vmem>> -> memref<1x128xi32, #tpu.memory_space<vmem>>
        %dma_wait3A_374 = tpu.memref_squeeze %dma_wait3A_373 : memref<1x128xi32, #tpu.memory_space<vmem>> -> memref<128xi32, #tpu.memory_space<vmem>>
        %dma_wait3A_375 = arith.constant 0 : i32
        %dma_wait3A_376 = arith.constant 0 : i32
        %dma_wait3A_377 = tpu.memref_slice %arg3[%dma_wait3A_375, %dma_wait3A_376] : memref<10240x64xbf16, #tpu.memory_space<hbm>> -> memref<10240x64xbf16, #tpu.memory_space<hbm>>
        tpu.wait_indirect_dma semaphore(%arg15 : memref<!tpu.dma_semaphore, #tpu.memory_space<semaphore_mem>>) src(%dma_wait3A_377 : memref<10240x64xbf16, #tpu.memory_space<hbm>>) dst(%dma_wait3A_371 : memref<128x64xbf16, #tpu.memory_space<vmem>>)
        %ge3A_378 = arith.constant 1 : i32
        %ge3A_379 = arith.cmpi sge, %add3A_366, %ge3A_378 : i32
        %add3A_380 = arith.constant 6 : i32
        %add3A_381 = arith.addi %add3A_366, %add3A_380 : i32
        %sub3A_382 = arith.constant 1 : i32
        %sub3A_383 = arith.subi %add3A_381, %sub3A_382 : i32
        %lt3A_384 = arith.cmpi slt, %sub3A_383, %add3A_5 : i32
        %and3A_385 = arith.andi %ge3A_379, %lt3A_384 : i1
        %convert_element_type3A_386 = arith.extui %and3A_385 : i1 to i32
        %cond3A_387 = arith.constant 0 : i32
        %cond3A_388 = arith.cmpi ne, %convert_element_type3A_386, %cond3A_387 : i32
        scf.if %cond3A_388 {
          %dma_wait3A_454 = arith.constant 3 : i32
          %dma_wait3A_455 = arith.constant 0 : i32
          %dma_wait3A_456 = arith.constant 0 : i32
          %dma_wait3A_457 = tpu.memref_slice %arg9[%dma_wait3A_454, %dma_wait3A_455, %dma_wait3A_456] : memref<6x128x64xbf16, #tpu.memory_space<vmem>> -> memref<1x128x64xbf16, #tpu.memory_space<vmem>>
          %dma_wait3A_458 = tpu.memref_squeeze %dma_wait3A_457 : memref<1x128x64xbf16, #tpu.memory_space<vmem>> -> memref<128x64xbf16, #tpu.memory_space<vmem>>
          %dma_wait3A_459 = arith.constant 0 : i32
          %dma_wait3A_460 = tpu.memref_slice %arg8[%add3A_366, %dma_wait3A_459] : memref<157x128xi32, #tpu.memory_space<vmem>> -> memref<1x128xi32, #tpu.memory_space<vmem>>
          %dma_wait3A_461 = tpu.memref_squeeze %dma_wait3A_460 : memref<1x128xi32, #tpu.memory_space<vmem>> -> memref<128xi32, #tpu.memory_space<vmem>>
          %dma_wait3A_462 = arith.constant 0 : i32
          %dma_wait3A_463 = arith.constant 0 : i32
          %dma_wait3A_464 = tpu.memref_slice %arg10[%dma_wait3A_462, %dma_wait3A_463] : memref<10240x64xbf16, #tpu.memory_space<vmem_shared>> -> memref<10240x64xbf16, #tpu.memory_space<vmem_shared>>
          tpu.wait_indirect_dma semaphore(%arg20 : memref<!tpu.dma_semaphore, #tpu.memory_space<semaphore_mem>>) src(%dma_wait3A_458 : memref<128x64xbf16, #tpu.memory_space<vmem>>) dst(%dma_wait3A_464 : memref<10240x64xbf16, #tpu.memory_space<vmem_shared>>)
        } else {
        }
        %add3A_389 = arith.constant 6 : i32
        %add3A_390 = arith.addi %add3A_366, %add3A_389 : i32
        %sub3A_391 = arith.constant 1 : i32
        %sub3A_392 = arith.subi %add3A_390, %sub3A_391 : i32
        %lt3A_393 = arith.cmpi slt, %sub3A_392, %add3A_5 : i32
        %convert_element_type3A_394 = arith.extui %lt3A_393 : i1 to i32
        %cond3A_395 = arith.constant 0 : i32
        %cond3A_396 = arith.cmpi ne, %convert_element_type3A_394, %cond3A_395 : i32
        scf.if %cond3A_396 {
          %add3A_454 = arith.constant 6 : i32
          %add3A_455 = arith.addi %add3A_366, %add3A_454 : i32
          %sub3A_456 = arith.constant 1 : i32
          %sub3A_457 = arith.subi %add3A_455, %sub3A_456 : i32
          %dma_start3A_458 = arith.constant 3 : i32
          %dma_start3A_459 = arith.constant 0 : i32
          %dma_start3A_460 = arith.constant 0 : i32
          %dma_start3A_461 = tpu.memref_slice %arg9[%dma_start3A_458, %dma_start3A_459, %dma_start3A_460] : memref<6x128x64xbf16, #tpu.memory_space<vmem>> -> memref<1x128x64xbf16, #tpu.memory_space<vmem>>
          %dma_start3A_462 = tpu.memref_squeeze %dma_start3A_461 : memref<1x128x64xbf16, #tpu.memory_space<vmem>> -> memref<128x64xbf16, #tpu.memory_space<vmem>>
          %dma_start3A_463 = arith.constant 0 : i32
          %dma_start3A_464 = tpu.memref_slice %arg7[%sub3A_457, %dma_start3A_463] : memref<157x128xi32, #tpu.memory_space<vmem>> -> memref<1x128xi32, #tpu.memory_space<vmem>>
          %dma_start3A_465 = tpu.memref_squeeze %dma_start3A_464 : memref<1x128xi32, #tpu.memory_space<vmem>> -> memref<128xi32, #tpu.memory_space<vmem>>
          %dma_start3A_466 = arith.constant 0 : i32
          %dma_start3A_467 = arith.constant 0 : i32
          %dma_start3A_468 = tpu.memref_slice %arg3[%dma_start3A_466, %dma_start3A_467] : memref<10240x64xbf16, #tpu.memory_space<hbm>> -> memref<10240x64xbf16, #tpu.memory_space<hbm>>
          tpu.enqueue_indirect_dma source(%dma_start3A_468 : memref<10240x64xbf16, #tpu.memory_space<hbm>>) target(%dma_start3A_462 : memref<128x64xbf16, #tpu.memory_space<vmem>>) offsets(%dma_start3A_465 : memref<128xi32, #tpu.memory_space<vmem>>) semaphore(%arg14 : memref<!tpu.dma_semaphore, #tpu.memory_space<semaphore_mem>>)
        } else {
        }
        %dma_start3A_397 = arith.constant 4 : i32
        %dma_start3A_398 = arith.constant 0 : i32
        %dma_start3A_399 = arith.constant 0 : i32
        %dma_start3A_400 = tpu.memref_slice %arg9[%dma_start3A_397, %dma_start3A_398, %dma_start3A_399] : memref<6x128x64xbf16, #tpu.memory_space<vmem>> -> memref<1x128x64xbf16, #tpu.memory_space<vmem>>
        %dma_start3A_401 = tpu.memref_squeeze %dma_start3A_400 : memref<1x128x64xbf16, #tpu.memory_space<vmem>> -> memref<128x64xbf16, #tpu.memory_space<vmem>>
        %dma_start3A_402 = arith.constant 0 : i32
        %dma_start3A_403 = tpu.memref_slice %arg8[%add3A_366, %dma_start3A_402] : memref<157x128xi32, #tpu.memory_space<vmem>> -> memref<1x128xi32, #tpu.memory_space<vmem>>
        %dma_start3A_404 = tpu.memref_squeeze %dma_start3A_403 : memref<1x128xi32, #tpu.memory_space<vmem>> -> memref<128xi32, #tpu.memory_space<vmem>>
        %dma_start3A_405 = arith.constant 0 : i32
        %dma_start3A_406 = arith.constant 0 : i32
        %dma_start3A_407 = tpu.memref_slice %arg10[%dma_start3A_405, %dma_start3A_406] : memref<10240x64xbf16, #tpu.memory_space<vmem_shared>> -> memref<10240x64xbf16, #tpu.memory_space<vmem_shared>>
        tpu.enqueue_indirect_dma source(%dma_start3A_401 : memref<128x64xbf16, #tpu.memory_space<vmem>>) target(%dma_start3A_407 : memref<10240x64xbf16, #tpu.memory_space<vmem_shared>>) offsets(%dma_start3A_404 : memref<128xi32, #tpu.memory_space<vmem>>) semaphore(%arg21 : memref<!tpu.dma_semaphore, #tpu.memory_space<semaphore_mem>>) {add = true}
        %mul3A_408 = arith.constant 6 : i32
        %mul3A_409 = arith.muli %scan3A_184, %mul3A_408 : i32
        %add3A_410 = arith.constant 5 : i32
        %add3A_411 = arith.addi %mul3A_409, %add3A_410 : i32
        %dma_wait3A_412 = arith.constant 5 : i32
        %dma_wait3A_413 = arith.constant 0 : i32
        %dma_wait3A_414 = arith.constant 0 : i32
        %dma_wait3A_415 = tpu.memref_slice %arg9[%dma_wait3A_412, %dma_wait3A_413, %dma_wait3A_414] : memref<6x128x64xbf16, #tpu.memory_space<vmem>> -> memref<1x128x64xbf16, #tpu.memory_space<vmem>>
        %dma_wait3A_416 = tpu.memref_squeeze %dma_wait3A_415 : memref<1x128x64xbf16, #tpu.memory_space<vmem>> -> memref<128x64xbf16, #tpu.memory_space<vmem>>
        %dma_wait3A_417 = arith.constant 0 : i32
        %dma_wait3A_418 = tpu.memref_slice %arg7[%add3A_411, %dma_wait3A_417] : memref<157x128xi32, #tpu.memory_space<vmem>> -> memref<1x128xi32, #tpu.memory_space<vmem>>
        %dma_wait3A_419 = tpu.memref_squeeze %dma_wait3A_418 : memref<1x128xi32, #tpu.memory_space<vmem>> -> memref<128xi32, #tpu.memory_space<vmem>>
        %dma_wait3A_420 = arith.constant 0 : i32
        %dma_wait3A_421 = arith.constant 0 : i32
        %dma_wait3A_422 = tpu.memref_slice %arg3[%dma_wait3A_420, %dma_wait3A_421] : memref<10240x64xbf16, #tpu.memory_space<hbm>> -> memref<10240x64xbf16, #tpu.memory_space<hbm>>
        tpu.wait_indirect_dma semaphore(%arg16 : memref<!tpu.dma_semaphore, #tpu.memory_space<semaphore_mem>>) src(%dma_wait3A_422 : memref<10240x64xbf16, #tpu.memory_space<hbm>>) dst(%dma_wait3A_416 : memref<128x64xbf16, #tpu.memory_space<vmem>>)
        %ge3A_423 = arith.constant 1 : i32
        %ge3A_424 = arith.cmpi sge, %add3A_411, %ge3A_423 : i32
        %add3A_425 = arith.constant 6 : i32
        %add3A_426 = arith.addi %add3A_411, %add3A_425 : i32
        %sub3A_427 = arith.constant 1 : i32
        %sub3A_428 = arith.subi %add3A_426, %sub3A_427 : i32
        %lt3A_429 = arith.cmpi slt, %sub3A_428, %add3A_5 : i32
        %and3A_430 = arith.andi %ge3A_424, %lt3A_429 : i1
        %convert_element_type3A_431 = arith.extui %and3A_430 : i1 to i32
        %cond3A_432 = arith.constant 0 : i32
        %cond3A_433 = arith.cmpi ne, %convert_element_type3A_431, %cond3A_432 : i32
        scf.if %cond3A_433 {
          %dma_wait3A_454 = arith.constant 4 : i32
          %dma_wait3A_455 = arith.constant 0 : i32
          %dma_wait3A_456 = arith.constant 0 : i32
          %dma_wait3A_457 = tpu.memref_slice %arg9[%dma_wait3A_454, %dma_wait3A_455, %dma_wait3A_456] : memref<6x128x64xbf16, #tpu.memory_space<vmem>> -> memref<1x128x64xbf16, #tpu.memory_space<vmem>>
          %dma_wait3A_458 = tpu.memref_squeeze %dma_wait3A_457 : memref<1x128x64xbf16, #tpu.memory_space<vmem>> -> memref<128x64xbf16, #tpu.memory_space<vmem>>
          %dma_wait3A_459 = arith.constant 0 : i32
          %dma_wait3A_460 = tpu.memref_slice %arg8[%add3A_411, %dma_wait3A_459] : memref<157x128xi32, #tpu.memory_space<vmem>> -> memref<1x128xi32, #tpu.memory_space<vmem>>
          %dma_wait3A_461 = tpu.memref_squeeze %dma_wait3A_460 : memref<1x128xi32, #tpu.memory_space<vmem>> -> memref<128xi32, #tpu.memory_space<vmem>>
          %dma_wait3A_462 = arith.constant 0 : i32
          %dma_wait3A_463 = arith.constant 0 : i32
          %dma_wait3A_464 = tpu.memref_slice %arg10[%dma_wait3A_462, %dma_wait3A_463] : memref<10240x64xbf16, #tpu.memory_space<vmem_shared>> -> memref<10240x64xbf16, #tpu.memory_space<vmem_shared>>
          tpu.wait_indirect_dma semaphore(%arg21 : memref<!tpu.dma_semaphore, #tpu.memory_space<semaphore_mem>>) src(%dma_wait3A_458 : memref<128x64xbf16, #tpu.memory_space<vmem>>) dst(%dma_wait3A_464 : memref<10240x64xbf16, #tpu.memory_space<vmem_shared>>)
        } else {
        }
        %add3A_434 = arith.constant 6 : i32
        %add3A_435 = arith.addi %add3A_411, %add3A_434 : i32
        %sub3A_436 = arith.constant 1 : i32
        %sub3A_437 = arith.subi %add3A_435, %sub3A_436 : i32
        %lt3A_438 = arith.cmpi slt, %sub3A_437, %add3A_5 : i32
        %convert_element_type3A_439 = arith.extui %lt3A_438 : i1 to i32
        %cond3A_440 = arith.constant 0 : i32
        %cond3A_441 = arith.cmpi ne, %convert_element_type3A_439, %cond3A_440 : i32
        scf.if %cond3A_441 {
          %add3A_454 = arith.constant 6 : i32
          %add3A_455 = arith.addi %add3A_411, %add3A_454 : i32
          %sub3A_456 = arith.constant 1 : i32
          %sub3A_457 = arith.subi %add3A_455, %sub3A_456 : i32
          %dma_start3A_458 = arith.constant 4 : i32
          %dma_start3A_459 = arith.constant 0 : i32
          %dma_start3A_460 = arith.constant 0 : i32
          %dma_start3A_461 = tpu.memref_slice %arg9[%dma_start3A_458, %dma_start3A_459, %dma_start3A_460] : memref<6x128x64xbf16, #tpu.memory_space<vmem>> -> memref<1x128x64xbf16, #tpu.memory_space<vmem>>
          %dma_start3A_462 = tpu.memref_squeeze %dma_start3A_461 : memref<1x128x64xbf16, #tpu.memory_space<vmem>> -> memref<128x64xbf16, #tpu.memory_space<vmem>>
          %dma_start3A_463 = arith.constant 0 : i32
          %dma_start3A_464 = tpu.memref_slice %arg7[%sub3A_457, %dma_start3A_463] : memref<157x128xi32, #tpu.memory_space<vmem>> -> memref<1x128xi32, #tpu.memory_space<vmem>>
          %dma_start3A_465 = tpu.memref_squeeze %dma_start3A_464 : memref<1x128xi32, #tpu.memory_space<vmem>> -> memref<128xi32, #tpu.memory_space<vmem>>
          %dma_start3A_466 = arith.constant 0 : i32
          %dma_start3A_467 = arith.constant 0 : i32
          %dma_start3A_468 = tpu.memref_slice %arg3[%dma_start3A_466, %dma_start3A_467] : memref<10240x64xbf16, #tpu.memory_space<hbm>> -> memref<10240x64xbf16, #tpu.memory_space<hbm>>
          tpu.enqueue_indirect_dma source(%dma_start3A_468 : memref<10240x64xbf16, #tpu.memory_space<hbm>>) target(%dma_start3A_462 : memref<128x64xbf16, #tpu.memory_space<vmem>>) offsets(%dma_start3A_465 : memref<128xi32, #tpu.memory_space<vmem>>) semaphore(%arg15 : memref<!tpu.dma_semaphore, #tpu.memory_space<semaphore_mem>>)
        } else {
        }
        %dma_start3A_442 = arith.constant 5 : i32
        %dma_start3A_443 = arith.constant 0 : i32
        %dma_start3A_444 = arith.constant 0 : i32
        %dma_start3A_445 = tpu.memref_slice %arg9[%dma_start3A_442, %dma_start3A_443, %dma_start3A_444] : memref<6x128x64xbf16, #tpu.memory_space<vmem>> -> memref<1x128x64xbf16, #tpu.memory_space<vmem>>
        %dma_start3A_446 = tpu.memref_squeeze %dma_start3A_445 : memref<1x128x64xbf16, #tpu.memory_space<vmem>> -> memref<128x64xbf16, #tpu.memory_space<vmem>>
        %dma_start3A_447 = arith.constant 0 : i32
        %dma_start3A_448 = tpu.memref_slice %arg8[%add3A_411, %dma_start3A_447] : memref<157x128xi32, #tpu.memory_space<vmem>> -> memref<1x128xi32, #tpu.memory_space<vmem>>
        %dma_start3A_449 = tpu.memref_squeeze %dma_start3A_448 : memref<1x128xi32, #tpu.memory_space<vmem>> -> memref<128xi32, #tpu.memory_space<vmem>>
        %dma_start3A_450 = arith.constant 0 : i32
        %dma_start3A_451 = arith.constant 0 : i32
        %dma_start3A_452 = tpu.memref_slice %arg10[%dma_start3A_450, %dma_start3A_451] : memref<10240x64xbf16, #tpu.memory_space<vmem_shared>> -> memref<10240x64xbf16, #tpu.memory_space<vmem_shared>>
        tpu.enqueue_indirect_dma source(%dma_start3A_446 : memref<128x64xbf16, #tpu.memory_space<vmem>>) target(%dma_start3A_452 : memref<10240x64xbf16, #tpu.memory_space<vmem_shared>>) offsets(%dma_start3A_449 : memref<128xi32, #tpu.memory_space<vmem>>) semaphore(%arg22 : memref<!tpu.dma_semaphore, #tpu.memory_space<semaphore_mem>>) {add = true}
        %scan3A_453 = arith.constant 0 : i32
        scf.yield %scan3A_453 : i32
      }
      %scan3A_108 = arith.constant 26 : i32
      %gt3A = arith.constant 156 : i32
      %gt3A_109 = arith.cmpi sgt, %add3A_5, %gt3A : i32
      %convert_element_type3A_110 = arith.extui %gt3A_109 : i1 to i32
      %cond3A_111 = arith.constant 0 : i32
      %cond3A_112 = arith.cmpi ne, %convert_element_type3A_110, %cond3A_111 : i32
      scf.if %cond3A_112 {
        %dma_wait3A_184 = arith.constant 156 : i32
        %dma_wait3A_185 = arith.constant 0 : i32
        %dma_wait3A_186 = arith.constant 0 : i32
        %dma_wait3A_187 = arith.constant 0 : i32
        %dma_wait3A_188 = tpu.memref_slice %arg9[%dma_wait3A_185, %dma_wait3A_186, %dma_wait3A_187] : memref<6x128x64xbf16, #tpu.memory_space<vmem>> -> memref<1x128x64xbf16, #tpu.memory_space<vmem>>
        %dma_wait3A_189 = tpu.memref_squeeze %dma_wait3A_188 : memref<1x128x64xbf16, #tpu.memory_space<vmem>> -> memref<128x64xbf16, #tpu.memory_space<vmem>>
        %dma_wait3A_190 = arith.constant 0 : i32
        %dma_wait3A_191 = tpu.memref_slice %arg7[%dma_wait3A_184, %dma_wait3A_190] : memref<157x128xi32, #tpu.memory_space<vmem>> -> memref<1x128xi32, #tpu.memory_space<vmem>>
        %dma_wait3A_192 = tpu.memref_squeeze %dma_wait3A_191 : memref<1x128xi32, #tpu.memory_space<vmem>> -> memref<128xi32, #tpu.memory_space<vmem>>
        %dma_wait3A_193 = arith.constant 0 : i32
        %dma_wait3A_194 = arith.constant 0 : i32
        %dma_wait3A_195 = tpu.memref_slice %arg3[%dma_wait3A_193, %dma_wait3A_194] : memref<10240x64xbf16, #tpu.memory_space<hbm>> -> memref<10240x64xbf16, #tpu.memory_space<hbm>>
        tpu.wait_indirect_dma semaphore(%arg11 : memref<!tpu.dma_semaphore, #tpu.memory_space<semaphore_mem>>) src(%dma_wait3A_195 : memref<10240x64xbf16, #tpu.memory_space<hbm>>) dst(%dma_wait3A_189 : memref<128x64xbf16, #tpu.memory_space<vmem>>)
        %dma_start3A_196 = arith.constant 0 : i32
        %dma_start3A_197 = arith.constant 156 : i32
        %dma_start3A_198 = arith.constant 0 : i32
        %dma_start3A_199 = arith.constant 0 : i32
        %dma_start3A_200 = tpu.memref_slice %arg9[%dma_start3A_196, %dma_start3A_198, %dma_start3A_199] : memref<6x128x64xbf16, #tpu.memory_space<vmem>> -> memref<1x128x64xbf16, #tpu.memory_space<vmem>>
        %dma_start3A_201 = tpu.memref_squeeze %dma_start3A_200 : memref<1x128x64xbf16, #tpu.memory_space<vmem>> -> memref<128x64xbf16, #tpu.memory_space<vmem>>
        %dma_start3A_202 = arith.constant 0 : i32
        %dma_start3A_203 = tpu.memref_slice %arg8[%dma_start3A_197, %dma_start3A_202] : memref<157x128xi32, #tpu.memory_space<vmem>> -> memref<1x128xi32, #tpu.memory_space<vmem>>
        %dma_start3A_204 = tpu.memref_squeeze %dma_start3A_203 : memref<1x128xi32, #tpu.memory_space<vmem>> -> memref<128xi32, #tpu.memory_space<vmem>>
        %dma_start3A_205 = arith.constant 0 : i32
        %dma_start3A_206 = arith.constant 0 : i32
        %dma_start3A_207 = tpu.memref_slice %arg10[%dma_start3A_205, %dma_start3A_206] : memref<10240x64xbf16, #tpu.memory_space<vmem_shared>> -> memref<10240x64xbf16, #tpu.memory_space<vmem_shared>>
        tpu.enqueue_indirect_dma source(%dma_start3A_201 : memref<128x64xbf16, #tpu.memory_space<vmem>>) target(%dma_start3A_207 : memref<10240x64xbf16, #tpu.memory_space<vmem_shared>>) offsets(%dma_start3A_204 : memref<128xi32, #tpu.memory_space<vmem>>) semaphore(%arg17 : memref<!tpu.dma_semaphore, #tpu.memory_space<semaphore_mem>>) {add = true}
      } else {
      }
      %dma_wait3A = arith.constant 0 : i32
      %dma_wait3A_113 = arith.constant 0 : i32
      %dma_wait3A_114 = arith.constant 0 : i32
      %dma_wait3A_115 = arith.constant 0 : i32
      %dma_wait3A_116 = tpu.memref_slice %arg9[%dma_wait3A, %dma_wait3A_114, %dma_wait3A_115] : memref<6x128x64xbf16, #tpu.memory_space<vmem>> -> memref<1x128x64xbf16, #tpu.memory_space<vmem>>
      %dma_wait3A_117 = tpu.memref_squeeze %dma_wait3A_116 : memref<1x128x64xbf16, #tpu.memory_space<vmem>> -> memref<128x64xbf16, #tpu.memory_space<vmem>>
      %dma_wait3A_118 = arith.constant 0 : i32
      %dma_wait3A_119 = tpu.memref_slice %arg8[%dma_wait3A_113, %dma_wait3A_118] : memref<157x128xi32, #tpu.memory_space<vmem>> -> memref<1x128xi32, #tpu.memory_space<vmem>>
      %dma_wait3A_120 = tpu.memref_squeeze %dma_wait3A_119 : memref<1x128xi32, #tpu.memory_space<vmem>> -> memref<128xi32, #tpu.memory_space<vmem>>
      %dma_wait3A_121 = arith.constant 0 : i32
      %dma_wait3A_122 = arith.constant 0 : i32
      %dma_wait3A_123 = tpu.memref_slice %arg10[%dma_wait3A_121, %dma_wait3A_122] : memref<10240x64xbf16, #tpu.memory_space<vmem_shared>> -> memref<10240x64xbf16, #tpu.memory_space<vmem_shared>>
      tpu.wait_indirect_dma semaphore(%arg17 : memref<!tpu.dma_semaphore, #tpu.memory_space<semaphore_mem>>) src(%dma_wait3A_117 : memref<128x64xbf16, #tpu.memory_space<vmem>>) dst(%dma_wait3A_123 : memref<10240x64xbf16, #tpu.memory_space<vmem_shared>>)
      %dma_wait3A_124 = arith.constant 1 : i32
      %dma_wait3A_125 = arith.constant 0 : i32
      %dma_wait3A_126 = arith.constant 0 : i32
      %dma_wait3A_127 = arith.constant 0 : i32
      %dma_wait3A_128 = tpu.memref_slice %arg9[%dma_wait3A_124, %dma_wait3A_126, %dma_wait3A_127] : memref<6x128x64xbf16, #tpu.memory_space<vmem>> -> memref<1x128x64xbf16, #tpu.memory_space<vmem>>
      %dma_wait3A_129 = tpu.memref_squeeze %dma_wait3A_128 : memref<1x128x64xbf16, #tpu.memory_space<vmem>> -> memref<128x64xbf16, #tpu.memory_space<vmem>>
      %dma_wait3A_130 = arith.constant 0 : i32
      %dma_wait3A_131 = tpu.memref_slice %arg8[%dma_wait3A_125, %dma_wait3A_130] : memref<157x128xi32, #tpu.memory_space<vmem>> -> memref<1x128xi32, #tpu.memory_space<vmem>>
      %dma_wait3A_132 = tpu.memref_squeeze %dma_wait3A_131 : memref<1x128xi32, #tpu.memory_space<vmem>> -> memref<128xi32, #tpu.memory_space<vmem>>
      %dma_wait3A_133 = arith.constant 0 : i32
      %dma_wait3A_134 = arith.constant 0 : i32
      %dma_wait3A_135 = tpu.memref_slice %arg10[%dma_wait3A_133, %dma_wait3A_134] : memref<10240x64xbf16, #tpu.memory_space<vmem_shared>> -> memref<10240x64xbf16, #tpu.memory_space<vmem_shared>>
      tpu.wait_indirect_dma semaphore(%arg18 : memref<!tpu.dma_semaphore, #tpu.memory_space<semaphore_mem>>) src(%dma_wait3A_129 : memref<128x64xbf16, #tpu.memory_space<vmem>>) dst(%dma_wait3A_135 : memref<10240x64xbf16, #tpu.memory_space<vmem_shared>>)
      %dma_wait3A_136 = arith.constant 2 : i32
      %dma_wait3A_137 = arith.constant 0 : i32
      %dma_wait3A_138 = arith.constant 0 : i32
      %dma_wait3A_139 = arith.constant 0 : i32
      %dma_wait3A_140 = tpu.memref_slice %arg9[%dma_wait3A_136, %dma_wait3A_138, %dma_wait3A_139] : memref<6x128x64xbf16, #tpu.memory_space<vmem>> -> memref<1x128x64xbf16, #tpu.memory_space<vmem>>
      %dma_wait3A_141 = tpu.memref_squeeze %dma_wait3A_140 : memref<1x128x64xbf16, #tpu.memory_space<vmem>> -> memref<128x64xbf16, #tpu.memory_space<vmem>>
      %dma_wait3A_142 = arith.constant 0 : i32
      %dma_wait3A_143 = tpu.memref_slice %arg8[%dma_wait3A_137, %dma_wait3A_142] : memref<157x128xi32, #tpu.memory_space<vmem>> -> memref<1x128xi32, #tpu.memory_space<vmem>>
      %dma_wait3A_144 = tpu.memref_squeeze %dma_wait3A_143 : memref<1x128xi32, #tpu.memory_space<vmem>> -> memref<128xi32, #tpu.memory_space<vmem>>
      %dma_wait3A_145 = arith.constant 0 : i32
      %dma_wait3A_146 = arith.constant 0 : i32
      %dma_wait3A_147 = tpu.memref_slice %arg10[%dma_wait3A_145, %dma_wait3A_146] : memref<10240x64xbf16, #tpu.memory_space<vmem_shared>> -> memref<10240x64xbf16, #tpu.memory_space<vmem_shared>>
      tpu.wait_indirect_dma semaphore(%arg19 : memref<!tpu.dma_semaphore, #tpu.memory_space<semaphore_mem>>) src(%dma_wait3A_141 : memref<128x64xbf16, #tpu.memory_space<vmem>>) dst(%dma_wait3A_147 : memref<10240x64xbf16, #tpu.memory_space<vmem_shared>>)
      %dma_wait3A_148 = arith.constant 3 : i32
      %dma_wait3A_149 = arith.constant 0 : i32
      %dma_wait3A_150 = arith.constant 0 : i32
      %dma_wait3A_151 = arith.constant 0 : i32
      %dma_wait3A_152 = tpu.memref_slice %arg9[%dma_wait3A_148, %dma_wait3A_150, %dma_wait3A_151] : memref<6x128x64xbf16, #tpu.memory_space<vmem>> -> memref<1x128x64xbf16, #tpu.memory_space<vmem>>
      %dma_wait3A_153 = tpu.memref_squeeze %dma_wait3A_152 : memref<1x128x64xbf16, #tpu.memory_space<vmem>> -> memref<128x64xbf16, #tpu.memory_space<vmem>>
      %dma_wait3A_154 = arith.constant 0 : i32
      %dma_wait3A_155 = tpu.memref_slice %arg8[%dma_wait3A_149, %dma_wait3A_154] : memref<157x128xi32, #tpu.memory_space<vmem>> -> memref<1x128xi32, #tpu.memory_space<vmem>>
      %dma_wait3A_156 = tpu.memref_squeeze %dma_wait3A_155 : memref<1x128xi32, #tpu.memory_space<vmem>> -> memref<128xi32, #tpu.memory_space<vmem>>
      %dma_wait3A_157 = arith.constant 0 : i32
      %dma_wait3A_158 = arith.constant 0 : i32
      %dma_wait3A_159 = tpu.memref_slice %arg10[%dma_wait3A_157, %dma_wait3A_158] : memref<10240x64xbf16, #tpu.memory_space<vmem_shared>> -> memref<10240x64xbf16, #tpu.memory_space<vmem_shared>>
      tpu.wait_indirect_dma semaphore(%arg20 : memref<!tpu.dma_semaphore, #tpu.memory_space<semaphore_mem>>) src(%dma_wait3A_153 : memref<128x64xbf16, #tpu.memory_space<vmem>>) dst(%dma_wait3A_159 : memref<10240x64xbf16, #tpu.memory_space<vmem_shared>>)
      %dma_wait3A_160 = arith.constant 4 : i32
      %dma_wait3A_161 = arith.constant 0 : i32
      %dma_wait3A_162 = arith.constant 0 : i32
      %dma_wait3A_163 = arith.constant 0 : i32
      %dma_wait3A_164 = tpu.memref_slice %arg9[%dma_wait3A_160, %dma_wait3A_162, %dma_wait3A_163] : memref<6x128x64xbf16, #tpu.memory_space<vmem>> -> memref<1x128x64xbf16, #tpu.memory_space<vmem>>
      %dma_wait3A_165 = tpu.memref_squeeze %dma_wait3A_164 : memref<1x128x64xbf16, #tpu.memory_space<vmem>> -> memref<128x64xbf16, #tpu.memory_space<vmem>>
      %dma_wait3A_166 = arith.constant 0 : i32
      %dma_wait3A_167 = tpu.memref_slice %arg8[%dma_wait3A_161, %dma_wait3A_166] : memref<157x128xi32, #tpu.memory_space<vmem>> -> memref<1x128xi32, #tpu.memory_space<vmem>>
      %dma_wait3A_168 = tpu.memref_squeeze %dma_wait3A_167 : memref<1x128xi32, #tpu.memory_space<vmem>> -> memref<128xi32, #tpu.memory_space<vmem>>
      %dma_wait3A_169 = arith.constant 0 : i32
      %dma_wait3A_170 = arith.constant 0 : i32
      %dma_wait3A_171 = tpu.memref_slice %arg10[%dma_wait3A_169, %dma_wait3A_170] : memref<10240x64xbf16, #tpu.memory_space<vmem_shared>> -> memref<10240x64xbf16, #tpu.memory_space<vmem_shared>>
      tpu.wait_indirect_dma semaphore(%arg21 : memref<!tpu.dma_semaphore, #tpu.memory_space<semaphore_mem>>) src(%dma_wait3A_165 : memref<128x64xbf16, #tpu.memory_space<vmem>>) dst(%dma_wait3A_171 : memref<10240x64xbf16, #tpu.memory_space<vmem_shared>>)
      %dma_wait3A_172 = arith.constant 5 : i32
      %dma_wait3A_173 = arith.constant 0 : i32
      %dma_wait3A_174 = arith.constant 0 : i32
      %dma_wait3A_175 = arith.constant 0 : i32
      %dma_wait3A_176 = tpu.memref_slice %arg9[%dma_wait3A_172, %dma_wait3A_174, %dma_wait3A_175] : memref<6x128x64xbf16, #tpu.memory_space<vmem>> -> memref<1x128x64xbf16, #tpu.memory_space<vmem>>
      %dma_wait3A_177 = tpu.memref_squeeze %dma_wait3A_176 : memref<1x128x64xbf16, #tpu.memory_space<vmem>> -> memref<128x64xbf16, #tpu.memory_space<vmem>>
      %dma_wait3A_178 = arith.constant 0 : i32
      %dma_wait3A_179 = tpu.memref_slice %arg8[%dma_wait3A_173, %dma_wait3A_178] : memref<157x128xi32, #tpu.memory_space<vmem>> -> memref<1x128xi32, #tpu.memory_space<vmem>>
      %dma_wait3A_180 = tpu.memref_squeeze %dma_wait3A_179 : memref<1x128xi32, #tpu.memory_space<vmem>> -> memref<128xi32, #tpu.memory_space<vmem>>
      %dma_wait3A_181 = arith.constant 0 : i32
      %dma_wait3A_182 = arith.constant 0 : i32
      %dma_wait3A_183 = tpu.memref_slice %arg10[%dma_wait3A_181, %dma_wait3A_182] : memref<10240x64xbf16, #tpu.memory_space<vmem_shared>> -> memref<10240x64xbf16, #tpu.memory_space<vmem_shared>>
      tpu.wait_indirect_dma semaphore(%arg22 : memref<!tpu.dma_semaphore, #tpu.memory_space<semaphore_mem>>) src(%dma_wait3A_177 : memref<128x64xbf16, #tpu.memory_space<vmem>>) dst(%dma_wait3A_183 : memref<10240x64xbf16, #tpu.memory_space<vmem_shared>>)
    } else {
    }
    %eq3A_27 = arith.constant 1 : i32
    %eq3A_28 = arith.cmpi eq, %arg0, %eq3A_27 : i32
    %convert_element_type3A_29 = arith.extui %eq3A_28 : i1 to i32
    %cond3A_30 = arith.constant 0 : i32
    %cond3A_31 = arith.cmpi ne, %convert_element_type3A_29, %cond3A_30 : i32
    scf.if %cond3A_31 {
      %dma_start3A = arith.constant 0 : i32
      %dma_start3A_43 = arith.constant 0 : i32
      %dma_start3A_44 = arith.constant 0 : i32
      %dma_start3A_45 = arith.constant 0 : i32
      %dma_start3A_46 = tpu.memref_slice %arg9[%dma_start3A_43, %dma_start3A_44, %dma_start3A_45] : memref<6x128x64xbf16, #tpu.memory_space<vmem>> -> memref<1x128x64xbf16, #tpu.memory_space<vmem>>
      %dma_start3A_47 = tpu.memref_squeeze %dma_start3A_46 : memref<1x128x64xbf16, #tpu.memory_space<vmem>> -> memref<128x64xbf16, #tpu.memory_space<vmem>>
      %dma_start3A_48 = arith.constant 0 : i32
      %dma_start3A_49 = tpu.memref_slice %arg7[%dma_start3A, %dma_start3A_48] : memref<157x128xi32, #tpu.memory_space<vmem>> -> memref<1x128xi32, #tpu.memory_space<vmem>>
      %dma_start3A_50 = tpu.memref_squeeze %dma_start3A_49 : memref<1x128xi32, #tpu.memory_space<vmem>> -> memref<128xi32, #tpu.memory_space<vmem>>
      %dma_start3A_51 = arith.constant 0 : i32
      %dma_start3A_52 = arith.constant 0 : i32
      %dma_start3A_53 = tpu.memref_slice %arg4[%dma_start3A_51, %dma_start3A_52] : memref<10240x64xbf16, #tpu.memory_space<hbm>> -> memref<10240x64xbf16, #tpu.memory_space<hbm>>
      tpu.enqueue_indirect_dma source(%dma_start3A_53 : memref<10240x64xbf16, #tpu.memory_space<hbm>>) target(%dma_start3A_47 : memref<128x64xbf16, #tpu.memory_space<vmem>>) offsets(%dma_start3A_50 : memref<128xi32, #tpu.memory_space<vmem>>) semaphore(%arg11 : memref<!tpu.dma_semaphore, #tpu.memory_space<semaphore_mem>>)
      %dma_start3A_54 = arith.constant 1 : i32
      %dma_start3A_55 = arith.constant 1 : i32
      %dma_start3A_56 = arith.constant 0 : i32
      %dma_start3A_57 = arith.constant 0 : i32
      %dma_start3A_58 = tpu.memref_slice %arg9[%dma_start3A_55, %dma_start3A_56, %dma_start3A_57] : memref<6x128x64xbf16, #tpu.memory_space<vmem>> -> memref<1x128x64xbf16, #tpu.memory_space<vmem>>
      %dma_start3A_59 = tpu.memref_squeeze %dma_start3A_58 : memref<1x128x64xbf16, #tpu.memory_space<vmem>> -> memref<128x64xbf16, #tpu.memory_space<vmem>>
      %dma_start3A_60 = arith.constant 0 : i32
      %dma_start3A_61 = tpu.memref_slice %arg7[%dma_start3A_54, %dma_start3A_60] : memref<157x128xi32, #tpu.memory_space<vmem>> -> memref<1x128xi32, #tpu.memory_space<vmem>>
      %dma_start3A_62 = tpu.memref_squeeze %dma_start3A_61 : memref<1x128xi32, #tpu.memory_space<vmem>> -> memref<128xi32, #tpu.memory_space<vmem>>
      %dma_start3A_63 = arith.constant 0 : i32
      %dma_start3A_64 = arith.constant 0 : i32
      %dma_start3A_65 = tpu.memref_slice %arg4[%dma_start3A_63, %dma_start3A_64] : memref<10240x64xbf16, #tpu.memory_space<hbm>> -> memref<10240x64xbf16, #tpu.memory_space<hbm>>
      tpu.enqueue_indirect_dma source(%dma_start3A_65 : memref<10240x64xbf16, #tpu.memory_space<hbm>>) target(%dma_start3A_59 : memref<128x64xbf16, #tpu.memory_space<vmem>>) offsets(%dma_start3A_62 : memref<128xi32, #tpu.memory_space<vmem>>) semaphore(%arg12 : memref<!tpu.dma_semaphore, #tpu.memory_space<semaphore_mem>>)
      %dma_start3A_66 = arith.constant 2 : i32
      %dma_start3A_67 = arith.constant 2 : i32
      %dma_start3A_68 = arith.constant 0 : i32
      %dma_start3A_69 = arith.constant 0 : i32
      %dma_start3A_70 = tpu.memref_slice %arg9[%dma_start3A_67, %dma_start3A_68, %dma_start3A_69] : memref<6x128x64xbf16, #tpu.memory_space<vmem>> -> memref<1x128x64xbf16, #tpu.memory_space<vmem>>
      %dma_start3A_71 = tpu.memref_squeeze %dma_start3A_70 : memref<1x128x64xbf16, #tpu.memory_space<vmem>> -> memref<128x64xbf16, #tpu.memory_space<vmem>>
      %dma_start3A_72 = arith.constant 0 : i32
      %dma_start3A_73 = tpu.memref_slice %arg7[%dma_start3A_66, %dma_start3A_72] : memref<157x128xi32, #tpu.memory_space<vmem>> -> memref<1x128xi32, #tpu.memory_space<vmem>>
      %dma_start3A_74 = tpu.memref_squeeze %dma_start3A_73 : memref<1x128xi32, #tpu.memory_space<vmem>> -> memref<128xi32, #tpu.memory_space<vmem>>
      %dma_start3A_75 = arith.constant 0 : i32
      %dma_start3A_76 = arith.constant 0 : i32
      %dma_start3A_77 = tpu.memref_slice %arg4[%dma_start3A_75, %dma_start3A_76] : memref<10240x64xbf16, #tpu.memory_space<hbm>> -> memref<10240x64xbf16, #tpu.memory_space<hbm>>
      tpu.enqueue_indirect_dma source(%dma_start3A_77 : memref<10240x64xbf16, #tpu.memory_space<hbm>>) target(%dma_start3A_71 : memref<128x64xbf16, #tpu.memory_space<vmem>>) offsets(%dma_start3A_74 : memref<128xi32, #tpu.memory_space<vmem>>) semaphore(%arg13 : memref<!tpu.dma_semaphore, #tpu.memory_space<semaphore_mem>>)
      %dma_start3A_78 = arith.constant 3 : i32
      %dma_start3A_79 = arith.constant 3 : i32
      %dma_start3A_80 = arith.constant 0 : i32
      %dma_start3A_81 = arith.constant 0 : i32
      %dma_start3A_82 = tpu.memref_slice %arg9[%dma_start3A_79, %dma_start3A_80, %dma_start3A_81] : memref<6x128x64xbf16, #tpu.memory_space<vmem>> -> memref<1x128x64xbf16, #tpu.memory_space<vmem>>
      %dma_start3A_83 = tpu.memref_squeeze %dma_start3A_82 : memref<1x128x64xbf16, #tpu.memory_space<vmem>> -> memref<128x64xbf16, #tpu.memory_space<vmem>>
      %dma_start3A_84 = arith.constant 0 : i32
      %dma_start3A_85 = tpu.memref_slice %arg7[%dma_start3A_78, %dma_start3A_84] : memref<157x128xi32, #tpu.memory_space<vmem>> -> memref<1x128xi32, #tpu.memory_space<vmem>>
      %dma_start3A_86 = tpu.memref_squeeze %dma_start3A_85 : memref<1x128xi32, #tpu.memory_space<vmem>> -> memref<128xi32, #tpu.memory_space<vmem>>
      %dma_start3A_87 = arith.constant 0 : i32
      %dma_start3A_88 = arith.constant 0 : i32
      %dma_start3A_89 = tpu.memref_slice %arg4[%dma_start3A_87, %dma_start3A_88] : memref<10240x64xbf16, #tpu.memory_space<hbm>> -> memref<10240x64xbf16, #tpu.memory_space<hbm>>
      tpu.enqueue_indirect_dma source(%dma_start3A_89 : memref<10240x64xbf16, #tpu.memory_space<hbm>>) target(%dma_start3A_83 : memref<128x64xbf16, #tpu.memory_space<vmem>>) offsets(%dma_start3A_86 : memref<128xi32, #tpu.memory_space<vmem>>) semaphore(%arg14 : memref<!tpu.dma_semaphore, #tpu.memory_space<semaphore_mem>>)
      %dma_start3A_90 = arith.constant 4 : i32
      %dma_start3A_91 = arith.constant 4 : i32
      %dma_start3A_92 = arith.constant 0 : i32
      %dma_start3A_93 = arith.constant 0 : i32
      %dma_start3A_94 = tpu.memref_slice %arg9[%dma_start3A_91, %dma_start3A_92, %dma_start3A_93] : memref<6x128x64xbf16, #tpu.memory_space<vmem>> -> memref<1x128x64xbf16, #tpu.memory_space<vmem>>
      %dma_start3A_95 = tpu.memref_squeeze %dma_start3A_94 : memref<1x128x64xbf16, #tpu.memory_space<vmem>> -> memref<128x64xbf16, #tpu.memory_space<vmem>>
      %dma_start3A_96 = arith.constant 0 : i32
      %dma_start3A_97 = tpu.memref_slice %arg7[%dma_start3A_90, %dma_start3A_96] : memref<157x128xi32, #tpu.memory_space<vmem>> -> memref<1x128xi32, #tpu.memory_space<vmem>>
      %dma_start3A_98 = tpu.memref_squeeze %dma_start3A_97 : memref<1x128xi32, #tpu.memory_space<vmem>> -> memref<128xi32, #tpu.memory_space<vmem>>
      %dma_start3A_99 = arith.constant 0 : i32
      %dma_start3A_100 = arith.constant 0 : i32
      %dma_start3A_101 = tpu.memref_slice %arg4[%dma_start3A_99, %dma_start3A_100] : memref<10240x64xbf16, #tpu.memory_space<hbm>> -> memref<10240x64xbf16, #tpu.memory_space<hbm>>
      tpu.enqueue_indirect_dma source(%dma_start3A_101 : memref<10240x64xbf16, #tpu.memory_space<hbm>>) target(%dma_start3A_95 : memref<128x64xbf16, #tpu.memory_space<vmem>>) offsets(%dma_start3A_98 : memref<128xi32, #tpu.memory_space<vmem>>) semaphore(%arg15 : memref<!tpu.dma_semaphore, #tpu.memory_space<semaphore_mem>>)
      %scan3A_102 = arith.constant 0 : i32
      %scan3A_103 = arith.constant 0 : i32
      %scan3A_104 = arith.constant 26 : i32
      %scan3A_105 = arith.addi %scan3A_103, %scan3A_104 : i32
      %scan3A_106 = arith.constant 1 : i32
      %scan3A_107 = scf.for %scan3A_184 = %scan3A_103 to %scan3A_105 step %scan3A_106 iter_args(%scan3A_185 = %scan3A_102) -> (i32)  : i32 {
        %mul3A_186 = arith.constant 6 : i32
        %mul3A_187 = arith.muli %scan3A_184, %mul3A_186 : i32
        %add3A_188 = arith.constant 0 : i32
        %add3A_189 = arith.addi %mul3A_187, %add3A_188 : i32
        %dma_wait3A_190 = arith.constant 0 : i32
        %dma_wait3A_191 = arith.constant 0 : i32
        %dma_wait3A_192 = arith.constant 0 : i32
        %dma_wait3A_193 = tpu.memref_slice %arg9[%dma_wait3A_190, %dma_wait3A_191, %dma_wait3A_192] : memref<6x128x64xbf16, #tpu.memory_space<vmem>> -> memref<1x128x64xbf16, #tpu.memory_space<vmem>>
        %dma_wait3A_194 = tpu.memref_squeeze %dma_wait3A_193 : memref<1x128x64xbf16, #tpu.memory_space<vmem>> -> memref<128x64xbf16, #tpu.memory_space<vmem>>
        %dma_wait3A_195 = arith.constant 0 : i32
        %dma_wait3A_196 = tpu.memref_slice %arg7[%add3A_189, %dma_wait3A_195] : memref<157x128xi32, #tpu.memory_space<vmem>> -> memref<1x128xi32, #tpu.memory_space<vmem>>
        %dma_wait3A_197 = tpu.memref_squeeze %dma_wait3A_196 : memref<1x128xi32, #tpu.memory_space<vmem>> -> memref<128xi32, #tpu.memory_space<vmem>>
        %dma_wait3A_198 = arith.constant 0 : i32
        %dma_wait3A_199 = arith.constant 0 : i32
        %dma_wait3A_200 = tpu.memref_slice %arg4[%dma_wait3A_198, %dma_wait3A_199] : memref<10240x64xbf16, #tpu.memory_space<hbm>> -> memref<10240x64xbf16, #tpu.memory_space<hbm>>
        tpu.wait_indirect_dma semaphore(%arg11 : memref<!tpu.dma_semaphore, #tpu.memory_space<semaphore_mem>>) src(%dma_wait3A_200 : memref<10240x64xbf16, #tpu.memory_space<hbm>>) dst(%dma_wait3A_194 : memref<128x64xbf16, #tpu.memory_space<vmem>>)
        %ge3A = arith.constant 1 : i32
        %ge3A_201 = arith.cmpi sge, %add3A_189, %ge3A : i32
        %add3A_202 = arith.constant 6 : i32
        %add3A_203 = arith.addi %add3A_189, %add3A_202 : i32
        %sub3A = arith.constant 1 : i32
        %sub3A_204 = arith.subi %add3A_203, %sub3A : i32
        %lt3A_205 = arith.cmpi slt, %sub3A_204, %add3A_5 : i32
        %and3A = arith.andi %ge3A_201, %lt3A_205 : i1
        %convert_element_type3A_206 = arith.extui %and3A : i1 to i32
        %cond3A_207 = arith.constant 0 : i32
        %cond3A_208 = arith.cmpi ne, %convert_element_type3A_206, %cond3A_207 : i32
        scf.if %cond3A_208 {
          %dma_wait3A_454 = arith.constant 5 : i32
          %dma_wait3A_455 = arith.constant 0 : i32
          %dma_wait3A_456 = arith.constant 0 : i32
          %dma_wait3A_457 = tpu.memref_slice %arg9[%dma_wait3A_454, %dma_wait3A_455, %dma_wait3A_456] : memref<6x128x64xbf16, #tpu.memory_space<vmem>> -> memref<1x128x64xbf16, #tpu.memory_space<vmem>>
          %dma_wait3A_458 = tpu.memref_squeeze %dma_wait3A_457 : memref<1x128x64xbf16, #tpu.memory_space<vmem>> -> memref<128x64xbf16, #tpu.memory_space<vmem>>
          %dma_wait3A_459 = arith.constant 0 : i32
          %dma_wait3A_460 = tpu.memref_slice %arg8[%add3A_189, %dma_wait3A_459] : memref<157x128xi32, #tpu.memory_space<vmem>> -> memref<1x128xi32, #tpu.memory_space<vmem>>
          %dma_wait3A_461 = tpu.memref_squeeze %dma_wait3A_460 : memref<1x128xi32, #tpu.memory_space<vmem>> -> memref<128xi32, #tpu.memory_space<vmem>>
          %dma_wait3A_462 = arith.constant 0 : i32
          %dma_wait3A_463 = arith.constant 0 : i32
          %dma_wait3A_464 = tpu.memref_slice %arg10[%dma_wait3A_462, %dma_wait3A_463] : memref<10240x64xbf16, #tpu.memory_space<vmem_shared>> -> memref<10240x64xbf16, #tpu.memory_space<vmem_shared>>
          tpu.wait_indirect_dma semaphore(%arg22 : memref<!tpu.dma_semaphore, #tpu.memory_space<semaphore_mem>>) src(%dma_wait3A_458 : memref<128x64xbf16, #tpu.memory_space<vmem>>) dst(%dma_wait3A_464 : memref<10240x64xbf16, #tpu.memory_space<vmem_shared>>)
        } else {
        }
        %add3A_209 = arith.constant 6 : i32
        %add3A_210 = arith.addi %add3A_189, %add3A_209 : i32
        %sub3A_211 = arith.constant 1 : i32
        %sub3A_212 = arith.subi %add3A_210, %sub3A_211 : i32
        %lt3A_213 = arith.cmpi slt, %sub3A_212, %add3A_5 : i32
        %convert_element_type3A_214 = arith.extui %lt3A_213 : i1 to i32
        %cond3A_215 = arith.constant 0 : i32
        %cond3A_216 = arith.cmpi ne, %convert_element_type3A_214, %cond3A_215 : i32
        scf.if %cond3A_216 {
          %add3A_454 = arith.constant 6 : i32
          %add3A_455 = arith.addi %add3A_189, %add3A_454 : i32
          %sub3A_456 = arith.constant 1 : i32
          %sub3A_457 = arith.subi %add3A_455, %sub3A_456 : i32
          %dma_start3A_458 = arith.constant 5 : i32
          %dma_start3A_459 = arith.constant 0 : i32
          %dma_start3A_460 = arith.constant 0 : i32
          %dma_start3A_461 = tpu.memref_slice %arg9[%dma_start3A_458, %dma_start3A_459, %dma_start3A_460] : memref<6x128x64xbf16, #tpu.memory_space<vmem>> -> memref<1x128x64xbf16, #tpu.memory_space<vmem>>
          %dma_start3A_462 = tpu.memref_squeeze %dma_start3A_461 : memref<1x128x64xbf16, #tpu.memory_space<vmem>> -> memref<128x64xbf16, #tpu.memory_space<vmem>>
          %dma_start3A_463 = arith.constant 0 : i32
          %dma_start3A_464 = tpu.memref_slice %arg7[%sub3A_457, %dma_start3A_463] : memref<157x128xi32, #tpu.memory_space<vmem>> -> memref<1x128xi32, #tpu.memory_space<vmem>>
          %dma_start3A_465 = tpu.memref_squeeze %dma_start3A_464 : memref<1x128xi32, #tpu.memory_space<vmem>> -> memref<128xi32, #tpu.memory_space<vmem>>
          %dma_start3A_466 = arith.constant 0 : i32
          %dma_start3A_467 = arith.constant 0 : i32
          %dma_start3A_468 = tpu.memref_slice %arg4[%dma_start3A_466, %dma_start3A_467] : memref<10240x64xbf16, #tpu.memory_space<hbm>> -> memref<10240x64xbf16, #tpu.memory_space<hbm>>
          tpu.enqueue_indirect_dma source(%dma_start3A_468 : memref<10240x64xbf16, #tpu.memory_space<hbm>>) target(%dma_start3A_462 : memref<128x64xbf16, #tpu.memory_space<vmem>>) offsets(%dma_start3A_465 : memref<128xi32, #tpu.memory_space<vmem>>) semaphore(%arg16 : memref<!tpu.dma_semaphore, #tpu.memory_space<semaphore_mem>>)
        } else {
        }
        %dma_start3A_217 = arith.constant 0 : i32
        %dma_start3A_218 = arith.constant 0 : i32
        %dma_start3A_219 = arith.constant 0 : i32
        %dma_start3A_220 = tpu.memref_slice %arg9[%dma_start3A_217, %dma_start3A_218, %dma_start3A_219] : memref<6x128x64xbf16, #tpu.memory_space<vmem>> -> memref<1x128x64xbf16, #tpu.memory_space<vmem>>
        %dma_start3A_221 = tpu.memref_squeeze %dma_start3A_220 : memref<1x128x64xbf16, #tpu.memory_space<vmem>> -> memref<128x64xbf16, #tpu.memory_space<vmem>>
        %dma_start3A_222 = arith.constant 0 : i32
        %dma_start3A_223 = tpu.memref_slice %arg8[%add3A_189, %dma_start3A_222] : memref<157x128xi32, #tpu.memory_space<vmem>> -> memref<1x128xi32, #tpu.memory_space<vmem>>
        %dma_start3A_224 = tpu.memref_squeeze %dma_start3A_223 : memref<1x128xi32, #tpu.memory_space<vmem>> -> memref<128xi32, #tpu.memory_space<vmem>>
        %dma_start3A_225 = arith.constant 0 : i32
        %dma_start3A_226 = arith.constant 0 : i32
        %dma_start3A_227 = tpu.memref_slice %arg10[%dma_start3A_225, %dma_start3A_226] : memref<10240x64xbf16, #tpu.memory_space<vmem_shared>> -> memref<10240x64xbf16, #tpu.memory_space<vmem_shared>>
        tpu.enqueue_indirect_dma source(%dma_start3A_221 : memref<128x64xbf16, #tpu.memory_space<vmem>>) target(%dma_start3A_227 : memref<10240x64xbf16, #tpu.memory_space<vmem_shared>>) offsets(%dma_start3A_224 : memref<128xi32, #tpu.memory_space<vmem>>) semaphore(%arg17 : memref<!tpu.dma_semaphore, #tpu.memory_space<semaphore_mem>>) {add = true}
        %mul3A_228 = arith.constant 6 : i32
        %mul3A_229 = arith.muli %scan3A_184, %mul3A_228 : i32
        %add3A_230 = arith.constant 1 : i32
        %add3A_231 = arith.addi %mul3A_229, %add3A_230 : i32
        %dma_wait3A_232 = arith.constant 1 : i32
        %dma_wait3A_233 = arith.constant 0 : i32
        %dma_wait3A_234 = arith.constant 0 : i32
        %dma_wait3A_235 = tpu.memref_slice %arg9[%dma_wait3A_232, %dma_wait3A_233, %dma_wait3A_234] : memref<6x128x64xbf16, #tpu.memory_space<vmem>> -> memref<1x128x64xbf16, #tpu.memory_space<vmem>>
        %dma_wait3A_236 = tpu.memref_squeeze %dma_wait3A_235 : memref<1x128x64xbf16, #tpu.memory_space<vmem>> -> memref<128x64xbf16, #tpu.memory_space<vmem>>
        %dma_wait3A_237 = arith.constant 0 : i32
        %dma_wait3A_238 = tpu.memref_slice %arg7[%add3A_231, %dma_wait3A_237] : memref<157x128xi32, #tpu.memory_space<vmem>> -> memref<1x128xi32, #tpu.memory_space<vmem>>
        %dma_wait3A_239 = tpu.memref_squeeze %dma_wait3A_238 : memref<1x128xi32, #tpu.memory_space<vmem>> -> memref<128xi32, #tpu.memory_space<vmem>>
        %dma_wait3A_240 = arith.constant 0 : i32
        %dma_wait3A_241 = arith.constant 0 : i32
        %dma_wait3A_242 = tpu.memref_slice %arg4[%dma_wait3A_240, %dma_wait3A_241] : memref<10240x64xbf16, #tpu.memory_space<hbm>> -> memref<10240x64xbf16, #tpu.memory_space<hbm>>
        tpu.wait_indirect_dma semaphore(%arg12 : memref<!tpu.dma_semaphore, #tpu.memory_space<semaphore_mem>>) src(%dma_wait3A_242 : memref<10240x64xbf16, #tpu.memory_space<hbm>>) dst(%dma_wait3A_236 : memref<128x64xbf16, #tpu.memory_space<vmem>>)
        %ge3A_243 = arith.constant 1 : i32
        %ge3A_244 = arith.cmpi sge, %add3A_231, %ge3A_243 : i32
        %add3A_245 = arith.constant 6 : i32
        %add3A_246 = arith.addi %add3A_231, %add3A_245 : i32
        %sub3A_247 = arith.constant 1 : i32
        %sub3A_248 = arith.subi %add3A_246, %sub3A_247 : i32
        %lt3A_249 = arith.cmpi slt, %sub3A_248, %add3A_5 : i32
        %and3A_250 = arith.andi %ge3A_244, %lt3A_249 : i1
        %convert_element_type3A_251 = arith.extui %and3A_250 : i1 to i32
        %cond3A_252 = arith.constant 0 : i32
        %cond3A_253 = arith.cmpi ne, %convert_element_type3A_251, %cond3A_252 : i32
        scf.if %cond3A_253 {
          %dma_wait3A_454 = arith.constant 0 : i32
          %dma_wait3A_455 = arith.constant 0 : i32
          %dma_wait3A_456 = arith.constant 0 : i32
          %dma_wait3A_457 = tpu.memref_slice %arg9[%dma_wait3A_454, %dma_wait3A_455, %dma_wait3A_456] : memref<6x128x64xbf16, #tpu.memory_space<vmem>> -> memref<1x128x64xbf16, #tpu.memory_space<vmem>>
          %dma_wait3A_458 = tpu.memref_squeeze %dma_wait3A_457 : memref<1x128x64xbf16, #tpu.memory_space<vmem>> -> memref<128x64xbf16, #tpu.memory_space<vmem>>
          %dma_wait3A_459 = arith.constant 0 : i32
          %dma_wait3A_460 = tpu.memref_slice %arg8[%add3A_231, %dma_wait3A_459] : memref<157x128xi32, #tpu.memory_space<vmem>> -> memref<1x128xi32, #tpu.memory_space<vmem>>
          %dma_wait3A_461 = tpu.memref_squeeze %dma_wait3A_460 : memref<1x128xi32, #tpu.memory_space<vmem>> -> memref<128xi32, #tpu.memory_space<vmem>>
          %dma_wait3A_462 = arith.constant 0 : i32
          %dma_wait3A_463 = arith.constant 0 : i32
          %dma_wait3A_464 = tpu.memref_slice %arg10[%dma_wait3A_462, %dma_wait3A_463] : memref<10240x64xbf16, #tpu.memory_space<vmem_shared>> -> memref<10240x64xbf16, #tpu.memory_space<vmem_shared>>
          tpu.wait_indirect_dma semaphore(%arg17 : memref<!tpu.dma_semaphore, #tpu.memory_space<semaphore_mem>>) src(%dma_wait3A_458 : memref<128x64xbf16, #tpu.memory_space<vmem>>) dst(%dma_wait3A_464 : memref<10240x64xbf16, #tpu.memory_space<vmem_shared>>)
        } else {
        }
        %add3A_254 = arith.constant 6 : i32
        %add3A_255 = arith.addi %add3A_231, %add3A_254 : i32
        %sub3A_256 = arith.constant 1 : i32
        %sub3A_257 = arith.subi %add3A_255, %sub3A_256 : i32
        %lt3A_258 = arith.cmpi slt, %sub3A_257, %add3A_5 : i32
        %convert_element_type3A_259 = arith.extui %lt3A_258 : i1 to i32
        %cond3A_260 = arith.constant 0 : i32
        %cond3A_261 = arith.cmpi ne, %convert_element_type3A_259, %cond3A_260 : i32
        scf.if %cond3A_261 {
          %add3A_454 = arith.constant 6 : i32
          %add3A_455 = arith.addi %add3A_231, %add3A_454 : i32
          %sub3A_456 = arith.constant 1 : i32
          %sub3A_457 = arith.subi %add3A_455, %sub3A_456 : i32
          %dma_start3A_458 = arith.constant 0 : i32
          %dma_start3A_459 = arith.constant 0 : i32
          %dma_start3A_460 = arith.constant 0 : i32
          %dma_start3A_461 = tpu.memref_slice %arg9[%dma_start3A_458, %dma_start3A_459, %dma_start3A_460] : memref<6x128x64xbf16, #tpu.memory_space<vmem>> -> memref<1x128x64xbf16, #tpu.memory_space<vmem>>
          %dma_start3A_462 = tpu.memref_squeeze %dma_start3A_461 : memref<1x128x64xbf16, #tpu.memory_space<vmem>> -> memref<128x64xbf16, #tpu.memory_space<vmem>>
          %dma_start3A_463 = arith.constant 0 : i32
          %dma_start3A_464 = tpu.memref_slice %arg7[%sub3A_457, %dma_start3A_463] : memref<157x128xi32, #tpu.memory_space<vmem>> -> memref<1x128xi32, #tpu.memory_space<vmem>>
          %dma_start3A_465 = tpu.memref_squeeze %dma_start3A_464 : memref<1x128xi32, #tpu.memory_space<vmem>> -> memref<128xi32, #tpu.memory_space<vmem>>
          %dma_start3A_466 = arith.constant 0 : i32
          %dma_start3A_467 = arith.constant 0 : i32
          %dma_start3A_468 = tpu.memref_slice %arg4[%dma_start3A_466, %dma_start3A_467] : memref<10240x64xbf16, #tpu.memory_space<hbm>> -> memref<10240x64xbf16, #tpu.memory_space<hbm>>
          tpu.enqueue_indirect_dma source(%dma_start3A_468 : memref<10240x64xbf16, #tpu.memory_space<hbm>>) target(%dma_start3A_462 : memref<128x64xbf16, #tpu.memory_space<vmem>>) offsets(%dma_start3A_465 : memref<128xi32, #tpu.memory_space<vmem>>) semaphore(%arg11 : memref<!tpu.dma_semaphore, #tpu.memory_space<semaphore_mem>>)
        } else {
        }
        %dma_start3A_262 = arith.constant 1 : i32
        %dma_start3A_263 = arith.constant 0 : i32
        %dma_start3A_264 = arith.constant 0 : i32
        %dma_start3A_265 = tpu.memref_slice %arg9[%dma_start3A_262, %dma_start3A_263, %dma_start3A_264] : memref<6x128x64xbf16, #tpu.memory_space<vmem>> -> memref<1x128x64xbf16, #tpu.memory_space<vmem>>
        %dma_start3A_266 = tpu.memref_squeeze %dma_start3A_265 : memref<1x128x64xbf16, #tpu.memory_space<vmem>> -> memref<128x64xbf16, #tpu.memory_space<vmem>>
        %dma_start3A_267 = arith.constant 0 : i32
        %dma_start3A_268 = tpu.memref_slice %arg8[%add3A_231, %dma_start3A_267] : memref<157x128xi32, #tpu.memory_space<vmem>> -> memref<1x128xi32, #tpu.memory_space<vmem>>
        %dma_start3A_269 = tpu.memref_squeeze %dma_start3A_268 : memref<1x128xi32, #tpu.memory_space<vmem>> -> memref<128xi32, #tpu.memory_space<vmem>>
        %dma_start3A_270 = arith.constant 0 : i32
        %dma_start3A_271 = arith.constant 0 : i32
        %dma_start3A_272 = tpu.memref_slice %arg10[%dma_start3A_270, %dma_start3A_271] : memref<10240x64xbf16, #tpu.memory_space<vmem_shared>> -> memref<10240x64xbf16, #tpu.memory_space<vmem_shared>>
        tpu.enqueue_indirect_dma source(%dma_start3A_266 : memref<128x64xbf16, #tpu.memory_space<vmem>>) target(%dma_start3A_272 : memref<10240x64xbf16, #tpu.memory_space<vmem_shared>>) offsets(%dma_start3A_269 : memref<128xi32, #tpu.memory_space<vmem>>) semaphore(%arg18 : memref<!tpu.dma_semaphore, #tpu.memory_space<semaphore_mem>>) {add = true}
        %mul3A_273 = arith.constant 6 : i32
        %mul3A_274 = arith.muli %scan3A_184, %mul3A_273 : i32
        %add3A_275 = arith.constant 2 : i32
        %add3A_276 = arith.addi %mul3A_274, %add3A_275 : i32
        %dma_wait3A_277 = arith.constant 2 : i32
        %dma_wait3A_278 = arith.constant 0 : i32
        %dma_wait3A_279 = arith.constant 0 : i32
        %dma_wait3A_280 = tpu.memref_slice %arg9[%dma_wait3A_277, %dma_wait3A_278, %dma_wait3A_279] : memref<6x128x64xbf16, #tpu.memory_space<vmem>> -> memref<1x128x64xbf16, #tpu.memory_space<vmem>>
        %dma_wait3A_281 = tpu.memref_squeeze %dma_wait3A_280 : memref<1x128x64xbf16, #tpu.memory_space<vmem>> -> memref<128x64xbf16, #tpu.memory_space<vmem>>
        %dma_wait3A_282 = arith.constant 0 : i32
        %dma_wait3A_283 = tpu.memref_slice %arg7[%add3A_276, %dma_wait3A_282] : memref<157x128xi32, #tpu.memory_space<vmem>> -> memref<1x128xi32, #tpu.memory_space<vmem>>
        %dma_wait3A_284 = tpu.memref_squeeze %dma_wait3A_283 : memref<1x128xi32, #tpu.memory_space<vmem>> -> memref<128xi32, #tpu.memory_space<vmem>>
        %dma_wait3A_285 = arith.constant 0 : i32
        %dma_wait3A_286 = arith.constant 0 : i32
        %dma_wait3A_287 = tpu.memref_slice %arg4[%dma_wait3A_285, %dma_wait3A_286] : memref<10240x64xbf16, #tpu.memory_space<hbm>> -> memref<10240x64xbf16, #tpu.memory_space<hbm>>
        tpu.wait_indirect_dma semaphore(%arg13 : memref<!tpu.dma_semaphore, #tpu.memory_space<semaphore_mem>>) src(%dma_wait3A_287 : memref<10240x64xbf16, #tpu.memory_space<hbm>>) dst(%dma_wait3A_281 : memref<128x64xbf16, #tpu.memory_space<vmem>>)
        %ge3A_288 = arith.constant 1 : i32
        %ge3A_289 = arith.cmpi sge, %add3A_276, %ge3A_288 : i32
        %add3A_290 = arith.constant 6 : i32
        %add3A_291 = arith.addi %add3A_276, %add3A_290 : i32
        %sub3A_292 = arith.constant 1 : i32
        %sub3A_293 = arith.subi %add3A_291, %sub3A_292 : i32
        %lt3A_294 = arith.cmpi slt, %sub3A_293, %add3A_5 : i32
        %and3A_295 = arith.andi %ge3A_289, %lt3A_294 : i1
        %convert_element_type3A_296 = arith.extui %and3A_295 : i1 to i32
        %cond3A_297 = arith.constant 0 : i32
        %cond3A_298 = arith.cmpi ne, %convert_element_type3A_296, %cond3A_297 : i32
        scf.if %cond3A_298 {
          %dma_wait3A_454 = arith.constant 1 : i32
          %dma_wait3A_455 = arith.constant 0 : i32
          %dma_wait3A_456 = arith.constant 0 : i32
          %dma_wait3A_457 = tpu.memref_slice %arg9[%dma_wait3A_454, %dma_wait3A_455, %dma_wait3A_456] : memref<6x128x64xbf16, #tpu.memory_space<vmem>> -> memref<1x128x64xbf16, #tpu.memory_space<vmem>>
          %dma_wait3A_458 = tpu.memref_squeeze %dma_wait3A_457 : memref<1x128x64xbf16, #tpu.memory_space<vmem>> -> memref<128x64xbf16, #tpu.memory_space<vmem>>
          %dma_wait3A_459 = arith.constant 0 : i32
          %dma_wait3A_460 = tpu.memref_slice %arg8[%add3A_276, %dma_wait3A_459] : memref<157x128xi32, #tpu.memory_space<vmem>> -> memref<1x128xi32, #tpu.memory_space<vmem>>
          %dma_wait3A_461 = tpu.memref_squeeze %dma_wait3A_460 : memref<1x128xi32, #tpu.memory_space<vmem>> -> memref<128xi32, #tpu.memory_space<vmem>>
          %dma_wait3A_462 = arith.constant 0 : i32
          %dma_wait3A_463 = arith.constant 0 : i32
          %dma_wait3A_464 = tpu.memref_slice %arg10[%dma_wait3A_462, %dma_wait3A_463] : memref<10240x64xbf16, #tpu.memory_space<vmem_shared>> -> memref<10240x64xbf16, #tpu.memory_space<vmem_shared>>
          tpu.wait_indirect_dma semaphore(%arg18 : memref<!tpu.dma_semaphore, #tpu.memory_space<semaphore_mem>>) src(%dma_wait3A_458 : memref<128x64xbf16, #tpu.memory_space<vmem>>) dst(%dma_wait3A_464 : memref<10240x64xbf16, #tpu.memory_space<vmem_shared>>)
        } else {
        }
        %add3A_299 = arith.constant 6 : i32
        %add3A_300 = arith.addi %add3A_276, %add3A_299 : i32
        %sub3A_301 = arith.constant 1 : i32
        %sub3A_302 = arith.subi %add3A_300, %sub3A_301 : i32
        %lt3A_303 = arith.cmpi slt, %sub3A_302, %add3A_5 : i32
        %convert_element_type3A_304 = arith.extui %lt3A_303 : i1 to i32
        %cond3A_305 = arith.constant 0 : i32
        %cond3A_306 = arith.cmpi ne, %convert_element_type3A_304, %cond3A_305 : i32
        scf.if %cond3A_306 {
          %add3A_454 = arith.constant 6 : i32
          %add3A_455 = arith.addi %add3A_276, %add3A_454 : i32
          %sub3A_456 = arith.constant 1 : i32
          %sub3A_457 = arith.subi %add3A_455, %sub3A_456 : i32
          %dma_start3A_458 = arith.constant 1 : i32
          %dma_start3A_459 = arith.constant 0 : i32
          %dma_start3A_460 = arith.constant 0 : i32
          %dma_start3A_461 = tpu.memref_slice %arg9[%dma_start3A_458, %dma_start3A_459, %dma_start3A_460] : memref<6x128x64xbf16, #tpu.memory_space<vmem>> -> memref<1x128x64xbf16, #tpu.memory_space<vmem>>
          %dma_start3A_462 = tpu.memref_squeeze %dma_start3A_461 : memref<1x128x64xbf16, #tpu.memory_space<vmem>> -> memref<128x64xbf16, #tpu.memory_space<vmem>>
          %dma_start3A_463 = arith.constant 0 : i32
          %dma_start3A_464 = tpu.memref_slice %arg7[%sub3A_457, %dma_start3A_463] : memref<157x128xi32, #tpu.memory_space<vmem>> -> memref<1x128xi32, #tpu.memory_space<vmem>>
          %dma_start3A_465 = tpu.memref_squeeze %dma_start3A_464 : memref<1x128xi32, #tpu.memory_space<vmem>> -> memref<128xi32, #tpu.memory_space<vmem>>
          %dma_start3A_466 = arith.constant 0 : i32
          %dma_start3A_467 = arith.constant 0 : i32
          %dma_start3A_468 = tpu.memref_slice %arg4[%dma_start3A_466, %dma_start3A_467] : memref<10240x64xbf16, #tpu.memory_space<hbm>> -> memref<10240x64xbf16, #tpu.memory_space<hbm>>
          tpu.enqueue_indirect_dma source(%dma_start3A_468 : memref<10240x64xbf16, #tpu.memory_space<hbm>>) target(%dma_start3A_462 : memref<128x64xbf16, #tpu.memory_space<vmem>>) offsets(%dma_start3A_465 : memref<128xi32, #tpu.memory_space<vmem>>) semaphore(%arg12 : memref<!tpu.dma_semaphore, #tpu.memory_space<semaphore_mem>>)
        } else {
        }
        %dma_start3A_307 = arith.constant 2 : i32
        %dma_start3A_308 = arith.constant 0 : i32
        %dma_start3A_309 = arith.constant 0 : i32
        %dma_start3A_310 = tpu.memref_slice %arg9[%dma_start3A_307, %dma_start3A_308, %dma_start3A_309] : memref<6x128x64xbf16, #tpu.memory_space<vmem>> -> memref<1x128x64xbf16, #tpu.memory_space<vmem>>
        %dma_start3A_311 = tpu.memref_squeeze %dma_start3A_310 : memref<1x128x64xbf16, #tpu.memory_space<vmem>> -> memref<128x64xbf16, #tpu.memory_space<vmem>>
        %dma_start3A_312 = arith.constant 0 : i32
        %dma_start3A_313 = tpu.memref_slice %arg8[%add3A_276, %dma_start3A_312] : memref<157x128xi32, #tpu.memory_space<vmem>> -> memref<1x128xi32, #tpu.memory_space<vmem>>
        %dma_start3A_314 = tpu.memref_squeeze %dma_start3A_313 : memref<1x128xi32, #tpu.memory_space<vmem>> -> memref<128xi32, #tpu.memory_space<vmem>>
        %dma_start3A_315 = arith.constant 0 : i32
        %dma_start3A_316 = arith.constant 0 : i32
        %dma_start3A_317 = tpu.memref_slice %arg10[%dma_start3A_315, %dma_start3A_316] : memref<10240x64xbf16, #tpu.memory_space<vmem_shared>> -> memref<10240x64xbf16, #tpu.memory_space<vmem_shared>>
        tpu.enqueue_indirect_dma source(%dma_start3A_311 : memref<128x64xbf16, #tpu.memory_space<vmem>>) target(%dma_start3A_317 : memref<10240x64xbf16, #tpu.memory_space<vmem_shared>>) offsets(%dma_start3A_314 : memref<128xi32, #tpu.memory_space<vmem>>) semaphore(%arg19 : memref<!tpu.dma_semaphore, #tpu.memory_space<semaphore_mem>>) {add = true}
        %mul3A_318 = arith.constant 6 : i32
        %mul3A_319 = arith.muli %scan3A_184, %mul3A_318 : i32
        %add3A_320 = arith.constant 3 : i32
        %add3A_321 = arith.addi %mul3A_319, %add3A_320 : i32
        %dma_wait3A_322 = arith.constant 3 : i32
        %dma_wait3A_323 = arith.constant 0 : i32
        %dma_wait3A_324 = arith.constant 0 : i32
        %dma_wait3A_325 = tpu.memref_slice %arg9[%dma_wait3A_322, %dma_wait3A_323, %dma_wait3A_324] : memref<6x128x64xbf16, #tpu.memory_space<vmem>> -> memref<1x128x64xbf16, #tpu.memory_space<vmem>>
        %dma_wait3A_326 = tpu.memref_squeeze %dma_wait3A_325 : memref<1x128x64xbf16, #tpu.memory_space<vmem>> -> memref<128x64xbf16, #tpu.memory_space<vmem>>
        %dma_wait3A_327 = arith.constant 0 : i32
        %dma_wait3A_328 = tpu.memref_slice %arg7[%add3A_321, %dma_wait3A_327] : memref<157x128xi32, #tpu.memory_space<vmem>> -> memref<1x128xi32, #tpu.memory_space<vmem>>
        %dma_wait3A_329 = tpu.memref_squeeze %dma_wait3A_328 : memref<1x128xi32, #tpu.memory_space<vmem>> -> memref<128xi32, #tpu.memory_space<vmem>>
        %dma_wait3A_330 = arith.constant 0 : i32
        %dma_wait3A_331 = arith.constant 0 : i32
        %dma_wait3A_332 = tpu.memref_slice %arg4[%dma_wait3A_330, %dma_wait3A_331] : memref<10240x64xbf16, #tpu.memory_space<hbm>> -> memref<10240x64xbf16, #tpu.memory_space<hbm>>
        tpu.wait_indirect_dma semaphore(%arg14 : memref<!tpu.dma_semaphore, #tpu.memory_space<semaphore_mem>>) src(%dma_wait3A_332 : memref<10240x64xbf16, #tpu.memory_space<hbm>>) dst(%dma_wait3A_326 : memref<128x64xbf16, #tpu.memory_space<vmem>>)
        %ge3A_333 = arith.constant 1 : i32
        %ge3A_334 = arith.cmpi sge, %add3A_321, %ge3A_333 : i32
        %add3A_335 = arith.constant 6 : i32
        %add3A_336 = arith.addi %add3A_321, %add3A_335 : i32
        %sub3A_337 = arith.constant 1 : i32
        %sub3A_338 = arith.subi %add3A_336, %sub3A_337 : i32
        %lt3A_339 = arith.cmpi slt, %sub3A_338, %add3A_5 : i32
        %and3A_340 = arith.andi %ge3A_334, %lt3A_339 : i1
        %convert_element_type3A_341 = arith.extui %and3A_340 : i1 to i32
        %cond3A_342 = arith.constant 0 : i32
        %cond3A_343 = arith.cmpi ne, %convert_element_type3A_341, %cond3A_342 : i32
        scf.if %cond3A_343 {
          %dma_wait3A_454 = arith.constant 2 : i32
          %dma_wait3A_455 = arith.constant 0 : i32
          %dma_wait3A_456 = arith.constant 0 : i32
          %dma_wait3A_457 = tpu.memref_slice %arg9[%dma_wait3A_454, %dma_wait3A_455, %dma_wait3A_456] : memref<6x128x64xbf16, #tpu.memory_space<vmem>> -> memref<1x128x64xbf16, #tpu.memory_space<vmem>>
          %dma_wait3A_458 = tpu.memref_squeeze %dma_wait3A_457 : memref<1x128x64xbf16, #tpu.memory_space<vmem>> -> memref<128x64xbf16, #tpu.memory_space<vmem>>
          %dma_wait3A_459 = arith.constant 0 : i32
          %dma_wait3A_460 = tpu.memref_slice %arg8[%add3A_321, %dma_wait3A_459] : memref<157x128xi32, #tpu.memory_space<vmem>> -> memref<1x128xi32, #tpu.memory_space<vmem>>
          %dma_wait3A_461 = tpu.memref_squeeze %dma_wait3A_460 : memref<1x128xi32, #tpu.memory_space<vmem>> -> memref<128xi32, #tpu.memory_space<vmem>>
          %dma_wait3A_462 = arith.constant 0 : i32
          %dma_wait3A_463 = arith.constant 0 : i32
          %dma_wait3A_464 = tpu.memref_slice %arg10[%dma_wait3A_462, %dma_wait3A_463] : memref<10240x64xbf16, #tpu.memory_space<vmem_shared>> -> memref<10240x64xbf16, #tpu.memory_space<vmem_shared>>
          tpu.wait_indirect_dma semaphore(%arg19 : memref<!tpu.dma_semaphore, #tpu.memory_space<semaphore_mem>>) src(%dma_wait3A_458 : memref<128x64xbf16, #tpu.memory_space<vmem>>) dst(%dma_wait3A_464 : memref<10240x64xbf16, #tpu.memory_space<vmem_shared>>)
        } else {
        }
        %add3A_344 = arith.constant 6 : i32
        %add3A_345 = arith.addi %add3A_321, %add3A_344 : i32
        %sub3A_346 = arith.constant 1 : i32
        %sub3A_347 = arith.subi %add3A_345, %sub3A_346 : i32
        %lt3A_348 = arith.cmpi slt, %sub3A_347, %add3A_5 : i32
        %convert_element_type3A_349 = arith.extui %lt3A_348 : i1 to i32
        %cond3A_350 = arith.constant 0 : i32
        %cond3A_351 = arith.cmpi ne, %convert_element_type3A_349, %cond3A_350 : i32
        scf.if %cond3A_351 {
          %add3A_454 = arith.constant 6 : i32
          %add3A_455 = arith.addi %add3A_321, %add3A_454 : i32
          %sub3A_456 = arith.constant 1 : i32
          %sub3A_457 = arith.subi %add3A_455, %sub3A_456 : i32
          %dma_start3A_458 = arith.constant 2 : i32
          %dma_start3A_459 = arith.constant 0 : i32
          %dma_start3A_460 = arith.constant 0 : i32
          %dma_start3A_461 = tpu.memref_slice %arg9[%dma_start3A_458, %dma_start3A_459, %dma_start3A_460] : memref<6x128x64xbf16, #tpu.memory_space<vmem>> -> memref<1x128x64xbf16, #tpu.memory_space<vmem>>
          %dma_start3A_462 = tpu.memref_squeeze %dma_start3A_461 : memref<1x128x64xbf16, #tpu.memory_space<vmem>> -> memref<128x64xbf16, #tpu.memory_space<vmem>>
          %dma_start3A_463 = arith.constant 0 : i32
          %dma_start3A_464 = tpu.memref_slice %arg7[%sub3A_457, %dma_start3A_463] : memref<157x128xi32, #tpu.memory_space<vmem>> -> memref<1x128xi32, #tpu.memory_space<vmem>>
          %dma_start3A_465 = tpu.memref_squeeze %dma_start3A_464 : memref<1x128xi32, #tpu.memory_space<vmem>> -> memref<128xi32, #tpu.memory_space<vmem>>
          %dma_start3A_466 = arith.constant 0 : i32
          %dma_start3A_467 = arith.constant 0 : i32
          %dma_start3A_468 = tpu.memref_slice %arg4[%dma_start3A_466, %dma_start3A_467] : memref<10240x64xbf16, #tpu.memory_space<hbm>> -> memref<10240x64xbf16, #tpu.memory_space<hbm>>
          tpu.enqueue_indirect_dma source(%dma_start3A_468 : memref<10240x64xbf16, #tpu.memory_space<hbm>>) target(%dma_start3A_462 : memref<128x64xbf16, #tpu.memory_space<vmem>>) offsets(%dma_start3A_465 : memref<128xi32, #tpu.memory_space<vmem>>) semaphore(%arg13 : memref<!tpu.dma_semaphore, #tpu.memory_space<semaphore_mem>>)
        } else {
        }
        %dma_start3A_352 = arith.constant 3 : i32
        %dma_start3A_353 = arith.constant 0 : i32
        %dma_start3A_354 = arith.constant 0 : i32
        %dma_start3A_355 = tpu.memref_slice %arg9[%dma_start3A_352, %dma_start3A_353, %dma_start3A_354] : memref<6x128x64xbf16, #tpu.memory_space<vmem>> -> memref<1x128x64xbf16, #tpu.memory_space<vmem>>
        %dma_start3A_356 = tpu.memref_squeeze %dma_start3A_355 : memref<1x128x64xbf16, #tpu.memory_space<vmem>> -> memref<128x64xbf16, #tpu.memory_space<vmem>>
        %dma_start3A_357 = arith.constant 0 : i32
        %dma_start3A_358 = tpu.memref_slice %arg8[%add3A_321, %dma_start3A_357] : memref<157x128xi32, #tpu.memory_space<vmem>> -> memref<1x128xi32, #tpu.memory_space<vmem>>
        %dma_start3A_359 = tpu.memref_squeeze %dma_start3A_358 : memref<1x128xi32, #tpu.memory_space<vmem>> -> memref<128xi32, #tpu.memory_space<vmem>>
        %dma_start3A_360 = arith.constant 0 : i32
        %dma_start3A_361 = arith.constant 0 : i32
        %dma_start3A_362 = tpu.memref_slice %arg10[%dma_start3A_360, %dma_start3A_361] : memref<10240x64xbf16, #tpu.memory_space<vmem_shared>> -> memref<10240x64xbf16, #tpu.memory_space<vmem_shared>>
        tpu.enqueue_indirect_dma source(%dma_start3A_356 : memref<128x64xbf16, #tpu.memory_space<vmem>>) target(%dma_start3A_362 : memref<10240x64xbf16, #tpu.memory_space<vmem_shared>>) offsets(%dma_start3A_359 : memref<128xi32, #tpu.memory_space<vmem>>) semaphore(%arg20 : memref<!tpu.dma_semaphore, #tpu.memory_space<semaphore_mem>>) {add = true}
        %mul3A_363 = arith.constant 6 : i32
        %mul3A_364 = arith.muli %scan3A_184, %mul3A_363 : i32
        %add3A_365 = arith.constant 4 : i32
        %add3A_366 = arith.addi %mul3A_364, %add3A_365 : i32
        %dma_wait3A_367 = arith.constant 4 : i32
        %dma_wait3A_368 = arith.constant 0 : i32
        %dma_wait3A_369 = arith.constant 0 : i32
        %dma_wait3A_370 = tpu.memref_slice %arg9[%dma_wait3A_367, %dma_wait3A_368, %dma_wait3A_369] : memref<6x128x64xbf16, #tpu.memory_space<vmem>> -> memref<1x128x64xbf16, #tpu.memory_space<vmem>>
        %dma_wait3A_371 = tpu.memref_squeeze %dma_wait3A_370 : memref<1x128x64xbf16, #tpu.memory_space<vmem>> -> memref<128x64xbf16, #tpu.memory_space<vmem>>
        %dma_wait3A_372 = arith.constant 0 : i32
        %dma_wait3A_373 = tpu.memref_slice %arg7[%add3A_366, %dma_wait3A_372] : memref<157x128xi32, #tpu.memory_space<vmem>> -> memref<1x128xi32, #tpu.memory_space<vmem>>
        %dma_wait3A_374 = tpu.memref_squeeze %dma_wait3A_373 : memref<1x128xi32, #tpu.memory_space<vmem>> -> memref<128xi32, #tpu.memory_space<vmem>>
        %dma_wait3A_375 = arith.constant 0 : i32
        %dma_wait3A_376 = arith.constant 0 : i32
        %dma_wait3A_377 = tpu.memref_slice %arg4[%dma_wait3A_375, %dma_wait3A_376] : memref<10240x64xbf16, #tpu.memory_space<hbm>> -> memref<10240x64xbf16, #tpu.memory_space<hbm>>
        tpu.wait_indirect_dma semaphore(%arg15 : memref<!tpu.dma_semaphore, #tpu.memory_space<semaphore_mem>>) src(%dma_wait3A_377 : memref<10240x64xbf16, #tpu.memory_space<hbm>>) dst(%dma_wait3A_371 : memref<128x64xbf16, #tpu.memory_space<vmem>>)
        %ge3A_378 = arith.constant 1 : i32
        %ge3A_379 = arith.cmpi sge, %add3A_366, %ge3A_378 : i32
        %add3A_380 = arith.constant 6 : i32
        %add3A_381 = arith.addi %add3A_366, %add3A_380 : i32
        %sub3A_382 = arith.constant 1 : i32
        %sub3A_383 = arith.subi %add3A_381, %sub3A_382 : i32
        %lt3A_384 = arith.cmpi slt, %sub3A_383, %add3A_5 : i32
        %and3A_385 = arith.andi %ge3A_379, %lt3A_384 : i1
        %convert_element_type3A_386 = arith.extui %and3A_385 : i1 to i32
        %cond3A_387 = arith.constant 0 : i32
        %cond3A_388 = arith.cmpi ne, %convert_element_type3A_386, %cond3A_387 : i32
        scf.if %cond3A_388 {
          %dma_wait3A_454 = arith.constant 3 : i32
          %dma_wait3A_455 = arith.constant 0 : i32
          %dma_wait3A_456 = arith.constant 0 : i32
          %dma_wait3A_457 = tpu.memref_slice %arg9[%dma_wait3A_454, %dma_wait3A_455, %dma_wait3A_456] : memref<6x128x64xbf16, #tpu.memory_space<vmem>> -> memref<1x128x64xbf16, #tpu.memory_space<vmem>>
          %dma_wait3A_458 = tpu.memref_squeeze %dma_wait3A_457 : memref<1x128x64xbf16, #tpu.memory_space<vmem>> -> memref<128x64xbf16, #tpu.memory_space<vmem>>
          %dma_wait3A_459 = arith.constant 0 : i32
          %dma_wait3A_460 = tpu.memref_slice %arg8[%add3A_366, %dma_wait3A_459] : memref<157x128xi32, #tpu.memory_space<vmem>> -> memref<1x128xi32, #tpu.memory_space<vmem>>
          %dma_wait3A_461 = tpu.memref_squeeze %dma_wait3A_460 : memref<1x128xi32, #tpu.memory_space<vmem>> -> memref<128xi32, #tpu.memory_space<vmem>>
          %dma_wait3A_462 = arith.constant 0 : i32
          %dma_wait3A_463 = arith.constant 0 : i32
          %dma_wait3A_464 = tpu.memref_slice %arg10[%dma_wait3A_462, %dma_wait3A_463] : memref<10240x64xbf16, #tpu.memory_space<vmem_shared>> -> memref<10240x64xbf16, #tpu.memory_space<vmem_shared>>
          tpu.wait_indirect_dma semaphore(%arg20 : memref<!tpu.dma_semaphore, #tpu.memory_space<semaphore_mem>>) src(%dma_wait3A_458 : memref<128x64xbf16, #tpu.memory_space<vmem>>) dst(%dma_wait3A_464 : memref<10240x64xbf16, #tpu.memory_space<vmem_shared>>)
        } else {
        }
        %add3A_389 = arith.constant 6 : i32
        %add3A_390 = arith.addi %add3A_366, %add3A_389 : i32
        %sub3A_391 = arith.constant 1 : i32
        %sub3A_392 = arith.subi %add3A_390, %sub3A_391 : i32
        %lt3A_393 = arith.cmpi slt, %sub3A_392, %add3A_5 : i32
        %convert_element_type3A_394 = arith.extui %lt3A_393 : i1 to i32
        %cond3A_395 = arith.constant 0 : i32
        %cond3A_396 = arith.cmpi ne, %convert_element_type3A_394, %cond3A_395 : i32
        scf.if %cond3A_396 {
          %add3A_454 = arith.constant 6 : i32
          %add3A_455 = arith.addi %add3A_366, %add3A_454 : i32
          %sub3A_456 = arith.constant 1 : i32
          %sub3A_457 = arith.subi %add3A_455, %sub3A_456 : i32
          %dma_start3A_458 = arith.constant 3 : i32
          %dma_start3A_459 = arith.constant 0 : i32
          %dma_start3A_460 = arith.constant 0 : i32
          %dma_start3A_461 = tpu.memref_slice %arg9[%dma_start3A_458, %dma_start3A_459, %dma_start3A_460] : memref<6x128x64xbf16, #tpu.memory_space<vmem>> -> memref<1x128x64xbf16, #tpu.memory_space<vmem>>
          %dma_start3A_462 = tpu.memref_squeeze %dma_start3A_461 : memref<1x128x64xbf16, #tpu.memory_space<vmem>> -> memref<128x64xbf16, #tpu.memory_space<vmem>>
          %dma_start3A_463 = arith.constant 0 : i32
          %dma_start3A_464 = tpu.memref_slice %arg7[%sub3A_457, %dma_start3A_463] : memref<157x128xi32, #tpu.memory_space<vmem>> -> memref<1x128xi32, #tpu.memory_space<vmem>>
          %dma_start3A_465 = tpu.memref_squeeze %dma_start3A_464 : memref<1x128xi32, #tpu.memory_space<vmem>> -> memref<128xi32, #tpu.memory_space<vmem>>
          %dma_start3A_466 = arith.constant 0 : i32
          %dma_start3A_467 = arith.constant 0 : i32
          %dma_start3A_468 = tpu.memref_slice %arg4[%dma_start3A_466, %dma_start3A_467] : memref<10240x64xbf16, #tpu.memory_space<hbm>> -> memref<10240x64xbf16, #tpu.memory_space<hbm>>
          tpu.enqueue_indirect_dma source(%dma_start3A_468 : memref<10240x64xbf16, #tpu.memory_space<hbm>>) target(%dma_start3A_462 : memref<128x64xbf16, #tpu.memory_space<vmem>>) offsets(%dma_start3A_465 : memref<128xi32, #tpu.memory_space<vmem>>) semaphore(%arg14 : memref<!tpu.dma_semaphore, #tpu.memory_space<semaphore_mem>>)
        } else {
        }
        %dma_start3A_397 = arith.constant 4 : i32
        %dma_start3A_398 = arith.constant 0 : i32
        %dma_start3A_399 = arith.constant 0 : i32
        %dma_start3A_400 = tpu.memref_slice %arg9[%dma_start3A_397, %dma_start3A_398, %dma_start3A_399] : memref<6x128x64xbf16, #tpu.memory_space<vmem>> -> memref<1x128x64xbf16, #tpu.memory_space<vmem>>
        %dma_start3A_401 = tpu.memref_squeeze %dma_start3A_400 : memref<1x128x64xbf16, #tpu.memory_space<vmem>> -> memref<128x64xbf16, #tpu.memory_space<vmem>>
        %dma_start3A_402 = arith.constant 0 : i32
        %dma_start3A_403 = tpu.memref_slice %arg8[%add3A_366, %dma_start3A_402] : memref<157x128xi32, #tpu.memory_space<vmem>> -> memref<1x128xi32, #tpu.memory_space<vmem>>
        %dma_start3A_404 = tpu.memref_squeeze %dma_start3A_403 : memref<1x128xi32, #tpu.memory_space<vmem>> -> memref<128xi32, #tpu.memory_space<vmem>>
        %dma_start3A_405 = arith.constant 0 : i32
        %dma_start3A_406 = arith.constant 0 : i32
        %dma_start3A_407 = tpu.memref_slice %arg10[%dma_start3A_405, %dma_start3A_406] : memref<10240x64xbf16, #tpu.memory_space<vmem_shared>> -> memref<10240x64xbf16, #tpu.memory_space<vmem_shared>>
        tpu.enqueue_indirect_dma source(%dma_start3A_401 : memref<128x64xbf16, #tpu.memory_space<vmem>>) target(%dma_start3A_407 : memref<10240x64xbf16, #tpu.memory_space<vmem_shared>>) offsets(%dma_start3A_404 : memref<128xi32, #tpu.memory_space<vmem>>) semaphore(%arg21 : memref<!tpu.dma_semaphore, #tpu.memory_space<semaphore_mem>>) {add = true}
        %mul3A_408 = arith.constant 6 : i32
        %mul3A_409 = arith.muli %scan3A_184, %mul3A_408 : i32
        %add3A_410 = arith.constant 5 : i32
        %add3A_411 = arith.addi %mul3A_409, %add3A_410 : i32
        %dma_wait3A_412 = arith.constant 5 : i32
        %dma_wait3A_413 = arith.constant 0 : i32
        %dma_wait3A_414 = arith.constant 0 : i32
        %dma_wait3A_415 = tpu.memref_slice %arg9[%dma_wait3A_412, %dma_wait3A_413, %dma_wait3A_414] : memref<6x128x64xbf16, #tpu.memory_space<vmem>> -> memref<1x128x64xbf16, #tpu.memory_space<vmem>>
        %dma_wait3A_416 = tpu.memref_squeeze %dma_wait3A_415 : memref<1x128x64xbf16, #tpu.memory_space<vmem>> -> memref<128x64xbf16, #tpu.memory_space<vmem>>
        %dma_wait3A_417 = arith.constant 0 : i32
        %dma_wait3A_418 = tpu.memref_slice %arg7[%add3A_411, %dma_wait3A_417] : memref<157x128xi32, #tpu.memory_space<vmem>> -> memref<1x128xi32, #tpu.memory_space<vmem>>
        %dma_wait3A_419 = tpu.memref_squeeze %dma_wait3A_418 : memref<1x128xi32, #tpu.memory_space<vmem>> -> memref<128xi32, #tpu.memory_space<vmem>>
        %dma_wait3A_420 = arith.constant 0 : i32
        %dma_wait3A_421 = arith.constant 0 : i32
        %dma_wait3A_422 = tpu.memref_slice %arg4[%dma_wait3A_420, %dma_wait3A_421] : memref<10240x64xbf16, #tpu.memory_space<hbm>> -> memref<10240x64xbf16, #tpu.memory_space<hbm>>
        tpu.wait_indirect_dma semaphore(%arg16 : memref<!tpu.dma_semaphore, #tpu.memory_space<semaphore_mem>>) src(%dma_wait3A_422 : memref<10240x64xbf16, #tpu.memory_space<hbm>>) dst(%dma_wait3A_416 : memref<128x64xbf16, #tpu.memory_space<vmem>>)
        %ge3A_423 = arith.constant 1 : i32
        %ge3A_424 = arith.cmpi sge, %add3A_411, %ge3A_423 : i32
        %add3A_425 = arith.constant 6 : i32
        %add3A_426 = arith.addi %add3A_411, %add3A_425 : i32
        %sub3A_427 = arith.constant 1 : i32
        %sub3A_428 = arith.subi %add3A_426, %sub3A_427 : i32
        %lt3A_429 = arith.cmpi slt, %sub3A_428, %add3A_5 : i32
        %and3A_430 = arith.andi %ge3A_424, %lt3A_429 : i1
        %convert_element_type3A_431 = arith.extui %and3A_430 : i1 to i32
        %cond3A_432 = arith.constant 0 : i32
        %cond3A_433 = arith.cmpi ne, %convert_element_type3A_431, %cond3A_432 : i32
        scf.if %cond3A_433 {
          %dma_wait3A_454 = arith.constant 4 : i32
          %dma_wait3A_455 = arith.constant 0 : i32
          %dma_wait3A_456 = arith.constant 0 : i32
          %dma_wait3A_457 = tpu.memref_slice %arg9[%dma_wait3A_454, %dma_wait3A_455, %dma_wait3A_456] : memref<6x128x64xbf16, #tpu.memory_space<vmem>> -> memref<1x128x64xbf16, #tpu.memory_space<vmem>>
          %dma_wait3A_458 = tpu.memref_squeeze %dma_wait3A_457 : memref<1x128x64xbf16, #tpu.memory_space<vmem>> -> memref<128x64xbf16, #tpu.memory_space<vmem>>
          %dma_wait3A_459 = arith.constant 0 : i32
          %dma_wait3A_460 = tpu.memref_slice %arg8[%add3A_411, %dma_wait3A_459] : memref<157x128xi32, #tpu.memory_space<vmem>> -> memref<1x128xi32, #tpu.memory_space<vmem>>
          %dma_wait3A_461 = tpu.memref_squeeze %dma_wait3A_460 : memref<1x128xi32, #tpu.memory_space<vmem>> -> memref<128xi32, #tpu.memory_space<vmem>>
          %dma_wait3A_462 = arith.constant 0 : i32
          %dma_wait3A_463 = arith.constant 0 : i32
          %dma_wait3A_464 = tpu.memref_slice %arg10[%dma_wait3A_462, %dma_wait3A_463] : memref<10240x64xbf16, #tpu.memory_space<vmem_shared>> -> memref<10240x64xbf16, #tpu.memory_space<vmem_shared>>
          tpu.wait_indirect_dma semaphore(%arg21 : memref<!tpu.dma_semaphore, #tpu.memory_space<semaphore_mem>>) src(%dma_wait3A_458 : memref<128x64xbf16, #tpu.memory_space<vmem>>) dst(%dma_wait3A_464 : memref<10240x64xbf16, #tpu.memory_space<vmem_shared>>)
        } else {
        }
        %add3A_434 = arith.constant 6 : i32
        %add3A_435 = arith.addi %add3A_411, %add3A_434 : i32
        %sub3A_436 = arith.constant 1 : i32
        %sub3A_437 = arith.subi %add3A_435, %sub3A_436 : i32
        %lt3A_438 = arith.cmpi slt, %sub3A_437, %add3A_5 : i32
        %convert_element_type3A_439 = arith.extui %lt3A_438 : i1 to i32
        %cond3A_440 = arith.constant 0 : i32
        %cond3A_441 = arith.cmpi ne, %convert_element_type3A_439, %cond3A_440 : i32
        scf.if %cond3A_441 {
          %add3A_454 = arith.constant 6 : i32
          %add3A_455 = arith.addi %add3A_411, %add3A_454 : i32
          %sub3A_456 = arith.constant 1 : i32
          %sub3A_457 = arith.subi %add3A_455, %sub3A_456 : i32
          %dma_start3A_458 = arith.constant 4 : i32
          %dma_start3A_459 = arith.constant 0 : i32
          %dma_start3A_460 = arith.constant 0 : i32
          %dma_start3A_461 = tpu.memref_slice %arg9[%dma_start3A_458, %dma_start3A_459, %dma_start3A_460] : memref<6x128x64xbf16, #tpu.memory_space<vmem>> -> memref<1x128x64xbf16, #tpu.memory_space<vmem>>
          %dma_start3A_462 = tpu.memref_squeeze %dma_start3A_461 : memref<1x128x64xbf16, #tpu.memory_space<vmem>> -> memref<128x64xbf16, #tpu.memory_space<vmem>>
          %dma_start3A_463 = arith.constant 0 : i32
          %dma_start3A_464 = tpu.memref_slice %arg7[%sub3A_457, %dma_start3A_463] : memref<157x128xi32, #tpu.memory_space<vmem>> -> memref<1x128xi32, #tpu.memory_space<vmem>>
          %dma_start3A_465 = tpu.memref_squeeze %dma_start3A_464 : memref<1x128xi32, #tpu.memory_space<vmem>> -> memref<128xi32, #tpu.memory_space<vmem>>
          %dma_start3A_466 = arith.constant 0 : i32
          %dma_start3A_467 = arith.constant 0 : i32
          %dma_start3A_468 = tpu.memref_slice %arg4[%dma_start3A_466, %dma_start3A_467] : memref<10240x64xbf16, #tpu.memory_space<hbm>> -> memref<10240x64xbf16, #tpu.memory_space<hbm>>
          tpu.enqueue_indirect_dma source(%dma_start3A_468 : memref<10240x64xbf16, #tpu.memory_space<hbm>>) target(%dma_start3A_462 : memref<128x64xbf16, #tpu.memory_space<vmem>>) offsets(%dma_start3A_465 : memref<128xi32, #tpu.memory_space<vmem>>) semaphore(%arg15 : memref<!tpu.dma_semaphore, #tpu.memory_space<semaphore_mem>>)
        } else {
        }
        %dma_start3A_442 = arith.constant 5 : i32
        %dma_start3A_443 = arith.constant 0 : i32
        %dma_start3A_444 = arith.constant 0 : i32
        %dma_start3A_445 = tpu.memref_slice %arg9[%dma_start3A_442, %dma_start3A_443, %dma_start3A_444] : memref<6x128x64xbf16, #tpu.memory_space<vmem>> -> memref<1x128x64xbf16, #tpu.memory_space<vmem>>
        %dma_start3A_446 = tpu.memref_squeeze %dma_start3A_445 : memref<1x128x64xbf16, #tpu.memory_space<vmem>> -> memref<128x64xbf16, #tpu.memory_space<vmem>>
        %dma_start3A_447 = arith.constant 0 : i32
        %dma_start3A_448 = tpu.memref_slice %arg8[%add3A_411, %dma_start3A_447] : memref<157x128xi32, #tpu.memory_space<vmem>> -> memref<1x128xi32, #tpu.memory_space<vmem>>
        %dma_start3A_449 = tpu.memref_squeeze %dma_start3A_448 : memref<1x128xi32, #tpu.memory_space<vmem>> -> memref<128xi32, #tpu.memory_space<vmem>>
        %dma_start3A_450 = arith.constant 0 : i32
        %dma_start3A_451 = arith.constant 0 : i32
        %dma_start3A_452 = tpu.memref_slice %arg10[%dma_start3A_450, %dma_start3A_451] : memref<10240x64xbf16, #tpu.memory_space<vmem_shared>> -> memref<10240x64xbf16, #tpu.memory_space<vmem_shared>>
        tpu.enqueue_indirect_dma source(%dma_start3A_446 : memref<128x64xbf16, #tpu.memory_space<vmem>>) target(%dma_start3A_452 : memref<10240x64xbf16, #tpu.memory_space<vmem_shared>>) offsets(%dma_start3A_449 : memref<128xi32, #tpu.memory_space<vmem>>) semaphore(%arg22 : memref<!tpu.dma_semaphore, #tpu.memory_space<semaphore_mem>>) {add = true}
        %scan3A_453 = arith.constant 0 : i32
        scf.yield %scan3A_453 : i32
      }
      %scan3A_108 = arith.constant 26 : i32
      %gt3A = arith.constant 156 : i32
      %gt3A_109 = arith.cmpi sgt, %add3A_5, %gt3A : i32
      %convert_element_type3A_110 = arith.extui %gt3A_109 : i1 to i32
      %cond3A_111 = arith.constant 0 : i32
      %cond3A_112 = arith.cmpi ne, %convert_element_type3A_110, %cond3A_111 : i32
      scf.if %cond3A_112 {
        %dma_wait3A_184 = arith.constant 156 : i32
        %dma_wait3A_185 = arith.constant 0 : i32
        %dma_wait3A_186 = arith.constant 0 : i32
        %dma_wait3A_187 = arith.constant 0 : i32
        %dma_wait3A_188 = tpu.memref_slice %arg9[%dma_wait3A_185, %dma_wait3A_186, %dma_wait3A_187] : memref<6x128x64xbf16, #tpu.memory_space<vmem>> -> memref<1x128x64xbf16, #tpu.memory_space<vmem>>
        %dma_wait3A_189 = tpu.memref_squeeze %dma_wait3A_188 : memref<1x128x64xbf16, #tpu.memory_space<vmem>> -> memref<128x64xbf16, #tpu.memory_space<vmem>>
        %dma_wait3A_190 = arith.constant 0 : i32
        %dma_wait3A_191 = tpu.memref_slice %arg7[%dma_wait3A_184, %dma_wait3A_190] : memref<157x128xi32, #tpu.memory_space<vmem>> -> memref<1x128xi32, #tpu.memory_space<vmem>>
        %dma_wait3A_192 = tpu.memref_squeeze %dma_wait3A_191 : memref<1x128xi32, #tpu.memory_space<vmem>> -> memref<128xi32, #tpu.memory_space<vmem>>
        %dma_wait3A_193 = arith.constant 0 : i32
        %dma_wait3A_194 = arith.constant 0 : i32
        %dma_wait3A_195 = tpu.memref_slice %arg4[%dma_wait3A_193, %dma_wait3A_194] : memref<10240x64xbf16, #tpu.memory_space<hbm>> -> memref<10240x64xbf16, #tpu.memory_space<hbm>>
        tpu.wait_indirect_dma semaphore(%arg11 : memref<!tpu.dma_semaphore, #tpu.memory_space<semaphore_mem>>) src(%dma_wait3A_195 : memref<10240x64xbf16, #tpu.memory_space<hbm>>) dst(%dma_wait3A_189 : memref<128x64xbf16, #tpu.memory_space<vmem>>)
        %dma_start3A_196 = arith.constant 0 : i32
        %dma_start3A_197 = arith.constant 156 : i32
        %dma_start3A_198 = arith.constant 0 : i32
        %dma_start3A_199 = arith.constant 0 : i32
        %dma_start3A_200 = tpu.memref_slice %arg9[%dma_start3A_196, %dma_start3A_198, %dma_start3A_199] : memref<6x128x64xbf16, #tpu.memory_space<vmem>> -> memref<1x128x64xbf16, #tpu.memory_space<vmem>>
        %dma_start3A_201 = tpu.memref_squeeze %dma_start3A_200 : memref<1x128x64xbf16, #tpu.memory_space<vmem>> -> memref<128x64xbf16, #tpu.memory_space<vmem>>
        %dma_start3A_202 = arith.constant 0 : i32
        %dma_start3A_203 = tpu.memref_slice %arg8[%dma_start3A_197, %dma_start3A_202] : memref<157x128xi32, #tpu.memory_space<vmem>> -> memref<1x128xi32, #tpu.memory_space<vmem>>
        %dma_start3A_204 = tpu.memref_squeeze %dma_start3A_203 : memref<1x128xi32, #tpu.memory_space<vmem>> -> memref<128xi32, #tpu.memory_space<vmem>>
        %dma_start3A_205 = arith.constant 0 : i32
        %dma_start3A_206 = arith.constant 0 : i32
        %dma_start3A_207 = tpu.memref_slice %arg10[%dma_start3A_205, %dma_start3A_206] : memref<10240x64xbf16, #tpu.memory_space<vmem_shared>> -> memref<10240x64xbf16, #tpu.memory_space<vmem_shared>>
        tpu.enqueue_indirect_dma source(%dma_start3A_201 : memref<128x64xbf16, #tpu.memory_space<vmem>>) target(%dma_start3A_207 : memref<10240x64xbf16, #tpu.memory_space<vmem_shared>>) offsets(%dma_start3A_204 : memref<128xi32, #tpu.memory_space<vmem>>) semaphore(%arg17 : memref<!tpu.dma_semaphore, #tpu.memory_space<semaphore_mem>>) {add = true}
      } else {
      }
      %dma_wait3A = arith.constant 0 : i32
      %dma_wait3A_113 = arith.constant 0 : i32
      %dma_wait3A_114 = arith.constant 0 : i32
      %dma_wait3A_115 = arith.constant 0 : i32
      %dma_wait3A_116 = tpu.memref_slice %arg9[%dma_wait3A, %dma_wait3A_114, %dma_wait3A_115] : memref<6x128x64xbf16, #tpu.memory_space<vmem>> -> memref<1x128x64xbf16, #tpu.memory_space<vmem>>
      %dma_wait3A_117 = tpu.memref_squeeze %dma_wait3A_116 : memref<1x128x64xbf16, #tpu.memory_space<vmem>> -> memref<128x64xbf16, #tpu.memory_space<vmem>>
      %dma_wait3A_118 = arith.constant 0 : i32
      %dma_wait3A_119 = tpu.memref_slice %arg8[%dma_wait3A_113, %dma_wait3A_118] : memref<157x128xi32, #tpu.memory_space<vmem>> -> memref<1x128xi32, #tpu.memory_space<vmem>>
      %dma_wait3A_120 = tpu.memref_squeeze %dma_wait3A_119 : memref<1x128xi32, #tpu.memory_space<vmem>> -> memref<128xi32, #tpu.memory_space<vmem>>
      %dma_wait3A_121 = arith.constant 0 : i32
      %dma_wait3A_122 = arith.constant 0 : i32
      %dma_wait3A_123 = tpu.memref_slice %arg10[%dma_wait3A_121, %dma_wait3A_122] : memref<10240x64xbf16, #tpu.memory_space<vmem_shared>> -> memref<10240x64xbf16, #tpu.memory_space<vmem_shared>>
      tpu.wait_indirect_dma semaphore(%arg17 : memref<!tpu.dma_semaphore, #tpu.memory_space<semaphore_mem>>) src(%dma_wait3A_117 : memref<128x64xbf16, #tpu.memory_space<vmem>>) dst(%dma_wait3A_123 : memref<10240x64xbf16, #tpu.memory_space<vmem_shared>>)
      %dma_wait3A_124 = arith.constant 1 : i32
      %dma_wait3A_125 = arith.constant 0 : i32
      %dma_wait3A_126 = arith.constant 0 : i32
      %dma_wait3A_127 = arith.constant 0 : i32
      %dma_wait3A_128 = tpu.memref_slice %arg9[%dma_wait3A_124, %dma_wait3A_126, %dma_wait3A_127] : memref<6x128x64xbf16, #tpu.memory_space<vmem>> -> memref<1x128x64xbf16, #tpu.memory_space<vmem>>
      %dma_wait3A_129 = tpu.memref_squeeze %dma_wait3A_128 : memref<1x128x64xbf16, #tpu.memory_space<vmem>> -> memref<128x64xbf16, #tpu.memory_space<vmem>>
      %dma_wait3A_130 = arith.constant 0 : i32
      %dma_wait3A_131 = tpu.memref_slice %arg8[%dma_wait3A_125, %dma_wait3A_130] : memref<157x128xi32, #tpu.memory_space<vmem>> -> memref<1x128xi32, #tpu.memory_space<vmem>>
      %dma_wait3A_132 = tpu.memref_squeeze %dma_wait3A_131 : memref<1x128xi32, #tpu.memory_space<vmem>> -> memref<128xi32, #tpu.memory_space<vmem>>
      %dma_wait3A_133 = arith.constant 0 : i32
      %dma_wait3A_134 = arith.constant 0 : i32
      %dma_wait3A_135 = tpu.memref_slice %arg10[%dma_wait3A_133, %dma_wait3A_134] : memref<10240x64xbf16, #tpu.memory_space<vmem_shared>> -> memref<10240x64xbf16, #tpu.memory_space<vmem_shared>>
      tpu.wait_indirect_dma semaphore(%arg18 : memref<!tpu.dma_semaphore, #tpu.memory_space<semaphore_mem>>) src(%dma_wait3A_129 : memref<128x64xbf16, #tpu.memory_space<vmem>>) dst(%dma_wait3A_135 : memref<10240x64xbf16, #tpu.memory_space<vmem_shared>>)
      %dma_wait3A_136 = arith.constant 2 : i32
      %dma_wait3A_137 = arith.constant 0 : i32
      %dma_wait3A_138 = arith.constant 0 : i32
      %dma_wait3A_139 = arith.constant 0 : i32
      %dma_wait3A_140 = tpu.memref_slice %arg9[%dma_wait3A_136, %dma_wait3A_138, %dma_wait3A_139] : memref<6x128x64xbf16, #tpu.memory_space<vmem>> -> memref<1x128x64xbf16, #tpu.memory_space<vmem>>
      %dma_wait3A_141 = tpu.memref_squeeze %dma_wait3A_140 : memref<1x128x64xbf16, #tpu.memory_space<vmem>> -> memref<128x64xbf16, #tpu.memory_space<vmem>>
      %dma_wait3A_142 = arith.constant 0 : i32
      %dma_wait3A_143 = tpu.memref_slice %arg8[%dma_wait3A_137, %dma_wait3A_142] : memref<157x128xi32, #tpu.memory_space<vmem>> -> memref<1x128xi32, #tpu.memory_space<vmem>>
      %dma_wait3A_144 = tpu.memref_squeeze %dma_wait3A_143 : memref<1x128xi32, #tpu.memory_space<vmem>> -> memref<128xi32, #tpu.memory_space<vmem>>
      %dma_wait3A_145 = arith.constant 0 : i32
      %dma_wait3A_146 = arith.constant 0 : i32
      %dma_wait3A_147 = tpu.memref_slice %arg10[%dma_wait3A_145, %dma_wait3A_146] : memref<10240x64xbf16, #tpu.memory_space<vmem_shared>> -> memref<10240x64xbf16, #tpu.memory_space<vmem_shared>>
      tpu.wait_indirect_dma semaphore(%arg19 : memref<!tpu.dma_semaphore, #tpu.memory_space<semaphore_mem>>) src(%dma_wait3A_141 : memref<128x64xbf16, #tpu.memory_space<vmem>>) dst(%dma_wait3A_147 : memref<10240x64xbf16, #tpu.memory_space<vmem_shared>>)
      %dma_wait3A_148 = arith.constant 3 : i32
      %dma_wait3A_149 = arith.constant 0 : i32
      %dma_wait3A_150 = arith.constant 0 : i32
      %dma_wait3A_151 = arith.constant 0 : i32
      %dma_wait3A_152 = tpu.memref_slice %arg9[%dma_wait3A_148, %dma_wait3A_150, %dma_wait3A_151] : memref<6x128x64xbf16, #tpu.memory_space<vmem>> -> memref<1x128x64xbf16, #tpu.memory_space<vmem>>
      %dma_wait3A_153 = tpu.memref_squeeze %dma_wait3A_152 : memref<1x128x64xbf16, #tpu.memory_space<vmem>> -> memref<128x64xbf16, #tpu.memory_space<vmem>>
      %dma_wait3A_154 = arith.constant 0 : i32
      %dma_wait3A_155 = tpu.memref_slice %arg8[%dma_wait3A_149, %dma_wait3A_154] : memref<157x128xi32, #tpu.memory_space<vmem>> -> memref<1x128xi32, #tpu.memory_space<vmem>>
      %dma_wait3A_156 = tpu.memref_squeeze %dma_wait3A_155 : memref<1x128xi32, #tpu.memory_space<vmem>> -> memref<128xi32, #tpu.memory_space<vmem>>
      %dma_wait3A_157 = arith.constant 0 : i32
      %dma_wait3A_158 = arith.constant 0 : i32
      %dma_wait3A_159 = tpu.memref_slice %arg10[%dma_wait3A_157, %dma_wait3A_158] : memref<10240x64xbf16, #tpu.memory_space<vmem_shared>> -> memref<10240x64xbf16, #tpu.memory_space<vmem_shared>>
      tpu.wait_indirect_dma semaphore(%arg20 : memref<!tpu.dma_semaphore, #tpu.memory_space<semaphore_mem>>) src(%dma_wait3A_153 : memref<128x64xbf16, #tpu.memory_space<vmem>>) dst(%dma_wait3A_159 : memref<10240x64xbf16, #tpu.memory_space<vmem_shared>>)
      %dma_wait3A_160 = arith.constant 4 : i32
      %dma_wait3A_161 = arith.constant 0 : i32
      %dma_wait3A_162 = arith.constant 0 : i32
      %dma_wait3A_163 = arith.constant 0 : i32
      %dma_wait3A_164 = tpu.memref_slice %arg9[%dma_wait3A_160, %dma_wait3A_162, %dma_wait3A_163] : memref<6x128x64xbf16, #tpu.memory_space<vmem>> -> memref<1x128x64xbf16, #tpu.memory_space<vmem>>
      %dma_wait3A_165 = tpu.memref_squeeze %dma_wait3A_164 : memref<1x128x64xbf16, #tpu.memory_space<vmem>> -> memref<128x64xbf16, #tpu.memory_space<vmem>>
      %dma_wait3A_166 = arith.constant 0 : i32
      %dma_wait3A_167 = tpu.memref_slice %arg8[%dma_wait3A_161, %dma_wait3A_166] : memref<157x128xi32, #tpu.memory_space<vmem>> -> memref<1x128xi32, #tpu.memory_space<vmem>>
      %dma_wait3A_168 = tpu.memref_squeeze %dma_wait3A_167 : memref<1x128xi32, #tpu.memory_space<vmem>> -> memref<128xi32, #tpu.memory_space<vmem>>
      %dma_wait3A_169 = arith.constant 0 : i32
      %dma_wait3A_170 = arith.constant 0 : i32
      %dma_wait3A_171 = tpu.memref_slice %arg10[%dma_wait3A_169, %dma_wait3A_170] : memref<10240x64xbf16, #tpu.memory_space<vmem_shared>> -> memref<10240x64xbf16, #tpu.memory_space<vmem_shared>>
      tpu.wait_indirect_dma semaphore(%arg21 : memref<!tpu.dma_semaphore, #tpu.memory_space<semaphore_mem>>) src(%dma_wait3A_165 : memref<128x64xbf16, #tpu.memory_space<vmem>>) dst(%dma_wait3A_171 : memref<10240x64xbf16, #tpu.memory_space<vmem_shared>>)
      %dma_wait3A_172 = arith.constant 5 : i32
      %dma_wait3A_173 = arith.constant 0 : i32
      %dma_wait3A_174 = arith.constant 0 : i32
      %dma_wait3A_175 = arith.constant 0 : i32
      %dma_wait3A_176 = tpu.memref_slice %arg9[%dma_wait3A_172, %dma_wait3A_174, %dma_wait3A_175] : memref<6x128x64xbf16, #tpu.memory_space<vmem>> -> memref<1x128x64xbf16, #tpu.memory_space<vmem>>
      %dma_wait3A_177 = tpu.memref_squeeze %dma_wait3A_176 : memref<1x128x64xbf16, #tpu.memory_space<vmem>> -> memref<128x64xbf16, #tpu.memory_space<vmem>>
      %dma_wait3A_178 = arith.constant 0 : i32
      %dma_wait3A_179 = tpu.memref_slice %arg8[%dma_wait3A_173, %dma_wait3A_178] : memref<157x128xi32, #tpu.memory_space<vmem>> -> memref<1x128xi32, #tpu.memory_space<vmem>>
      %dma_wait3A_180 = tpu.memref_squeeze %dma_wait3A_179 : memref<1x128xi32, #tpu.memory_space<vmem>> -> memref<128xi32, #tpu.memory_space<vmem>>
      %dma_wait3A_181 = arith.constant 0 : i32
      %dma_wait3A_182 = arith.constant 0 : i32
      %dma_wait3A_183 = tpu.memref_slice %arg10[%dma_wait3A_181, %dma_wait3A_182] : memref<10240x64xbf16, #tpu.memory_space<vmem_shared>> -> memref<10240x64xbf16, #tpu.memory_space<vmem_shared>>
      tpu.wait_indirect_dma semaphore(%arg22 : memref<!tpu.dma_semaphore, #tpu.memory_space<semaphore_mem>>) src(%dma_wait3A_177 : memref<128x64xbf16, #tpu.memory_space<vmem>>) dst(%dma_wait3A_183 : memref<10240x64xbf16, #tpu.memory_space<vmem_shared>>)
    } else {
    }
    %barrier3A_32 = arith.constant 0 : index
    tpu.barrier barrier_id(%barrier3A_32)
    %eq3A_33 = arith.constant 0 : i32
    %eq3A_34 = arith.cmpi eq, %arg0, %eq3A_33 : i32
    %convert_element_type3A_35 = arith.extui %eq3A_34 : i1 to i32
    %cond3A_36 = arith.constant 0 : i32
    %cond3A_37 = arith.cmpi ne, %convert_element_type3A_35, %cond3A_36 : i32
    scf.if %cond3A_37 {
      %scan3A_43 = arith.constant 0 : i32
      %scan3A_44 = arith.constant 0 : i32
      %scan3A_45 = arith.constant 5 : i32
      %scan3A_46 = arith.addi %scan3A_44, %scan3A_45 : i32
      %scan3A_47 = arith.constant 1 : i32
      %scan3A_48 = scf.for %scan3A_50 = %scan3A_44 to %scan3A_46 step %scan3A_47 iter_args(%scan3A_51 = %scan3A_43) -> (i32)  : i32 {
        %mul3A_52 = arith.constant 640 : i32
        %mul3A_53 = arith.muli %arg1, %mul3A_52 : i32
        %mul3A_54 = arith.constant 128 : i32
        %mul3A_55 = arith.muli %scan3A_50, %mul3A_54 : i32
        %add3A_56 = arith.addi %mul3A_53, %mul3A_55 : i32
        %run_scoped3A_57 = arith.constant 0 : i32
        "tpu.region"() ({
          %run_scoped3A_60 = tpu.sem_alloc : memref<!tpu.dma_semaphore, #tpu.memory_space<semaphore_mem>>
          %dma_start3A = arith.constant 0 : i32
          %dma_start3A_61 = arith.constant 0 : i32
          %dma_start3A_62 = tpu.memref_slice %arg9[%run_scoped3A_57, %dma_start3A, %dma_start3A_61] : memref<6x128x64xbf16, #tpu.memory_space<vmem>> -> memref<1x128x64xbf16, #tpu.memory_space<vmem>>
          %dma_start3A_63 = tpu.memref_squeeze %dma_start3A_62 : memref<1x128x64xbf16, #tpu.memory_space<vmem>> -> memref<128x64xbf16, #tpu.memory_space<vmem>>
          %dma_start3A_64 = arith.constant 0 : i32
          %dma_start3A_65 = tpu.memref_slice %arg10[%add3A_56, %dma_start3A_64] : memref<10240x64xbf16, #tpu.memory_space<vmem_shared>> -> memref<128x64xbf16, #tpu.memory_space<vmem_shared>>
          %dma_start3A_66 = arith.constant 0 : i32
          %dma_start3A_67 = arith.constant 0 : i32
          %dma_start3A_68 = tpu.memref_slice %arg9[%run_scoped3A_57, %dma_start3A_66, %dma_start3A_67] : memref<6x128x64xbf16, #tpu.memory_space<vmem>> -> memref<1x128x64xbf16, #tpu.memory_space<vmem>>
          %dma_start3A_69 = tpu.memref_squeeze %dma_start3A_68 : memref<1x128x64xbf16, #tpu.memory_space<vmem>> -> memref<128x64xbf16, #tpu.memory_space<vmem>>
          %dma_start3A_70 = arith.constant 0 : i32
          %dma_start3A_71 = tpu.memref_slice %arg10[%add3A_56, %dma_start3A_70] : memref<10240x64xbf16, #tpu.memory_space<vmem_shared>> -> memref<128x64xbf16, #tpu.memory_space<vmem_shared>>
          tpu.enqueue_dma source(%dma_start3A_71 : memref<128x64xbf16, #tpu.memory_space<vmem_shared>>) target(%dma_start3A_69 : memref<128x64xbf16, #tpu.memory_space<vmem>>) target_semaphore(%run_scoped3A_60 : memref<!tpu.dma_semaphore, #tpu.memory_space<semaphore_mem>>)
          %dma_wait3A = arith.constant 0 : i32
          %dma_wait3A_72 = arith.constant 0 : i32
          %dma_wait3A_73 = tpu.memref_slice %arg9[%run_scoped3A_57, %dma_wait3A, %dma_wait3A_72] : memref<6x128x64xbf16, #tpu.memory_space<vmem>> -> memref<1x128x64xbf16, #tpu.memory_space<vmem>>
          %dma_wait3A_74 = tpu.memref_squeeze %dma_wait3A_73 : memref<1x128x64xbf16, #tpu.memory_space<vmem>> -> memref<128x64xbf16, #tpu.memory_space<vmem>>
          %dma_wait3A_75 = arith.constant 0 : i32
          %dma_wait3A_76 = tpu.memref_slice %arg10[%add3A_56, %dma_wait3A_75] : memref<10240x64xbf16, #tpu.memory_space<vmem_shared>> -> memref<128x64xbf16, #tpu.memory_space<vmem_shared>>
          %dma_wait3A_77 = arith.constant 0 : i32
          %dma_wait3A_78 = arith.constant 0 : i32
          %dma_wait3A_79 = tpu.memref_slice %arg9[%run_scoped3A_57, %dma_wait3A_77, %dma_wait3A_78] : memref<6x128x64xbf16, #tpu.memory_space<vmem>> -> memref<1x128x64xbf16, #tpu.memory_space<vmem>>
          %dma_wait3A_80 = tpu.memref_squeeze %dma_wait3A_79 : memref<1x128x64xbf16, #tpu.memory_space<vmem>> -> memref<128x64xbf16, #tpu.memory_space<vmem>>
          %dma_wait3A_81 = arith.constant 0 : i32
          %dma_wait3A_82 = tpu.memref_slice %arg10[%add3A_56, %dma_wait3A_81] : memref<10240x64xbf16, #tpu.memory_space<vmem_shared>> -> memref<128x64xbf16, #tpu.memory_space<vmem_shared>>
          tpu.wait_dma2 semaphore(%run_scoped3A_60 : memref<!tpu.dma_semaphore, #tpu.memory_space<semaphore_mem>>) src(%dma_wait3A_82 : memref<128x64xbf16, #tpu.memory_space<vmem_shared>>) dst(%dma_wait3A_80 : memref<128x64xbf16, #tpu.memory_space<vmem>>)
          tpu.yield
        }) : () -> ()
        %run_scoped3A_58 = arith.constant 0 : i32
        "tpu.region"() ({
          %run_scoped3A_60 = tpu.sem_alloc : memref<!tpu.dma_semaphore, #tpu.memory_space<semaphore_mem>>
          %dma_start3A = arith.constant 0 : i32
          %dma_start3A_61 = arith.constant 0 : i32
          %dma_start3A_62 = tpu.memref_slice %arg9[%run_scoped3A_58, %dma_start3A, %dma_start3A_61] : memref<6x128x64xbf16, #tpu.memory_space<vmem>> -> memref<1x128x64xbf16, #tpu.memory_space<vmem>>
          %dma_start3A_63 = tpu.memref_squeeze %dma_start3A_62 : memref<1x128x64xbf16, #tpu.memory_space<vmem>> -> memref<128x64xbf16, #tpu.memory_space<vmem>>
          %dma_start3A_64 = arith.constant 0 : i32
          %dma_start3A_65 = tpu.memref_slice %arg5[%add3A_56, %dma_start3A_64] : memref<10240x64xbf16, #tpu.memory_space<hbm>> -> memref<128x64xbf16, #tpu.memory_space<hbm>>
          %dma_start3A_66 = arith.constant 0 : i32
          %dma_start3A_67 = tpu.memref_slice %arg5[%add3A_56, %dma_start3A_66] : memref<10240x64xbf16, #tpu.memory_space<hbm>> -> memref<128x64xbf16, #tpu.memory_space<hbm>>
          %dma_start3A_68 = arith.constant 0 : i32
          %dma_start3A_69 = arith.constant 0 : i32
          %dma_start3A_70 = tpu.memref_slice %arg9[%run_scoped3A_58, %dma_start3A_68, %dma_start3A_69] : memref<6x128x64xbf16, #tpu.memory_space<vmem>> -> memref<1x128x64xbf16, #tpu.memory_space<vmem>>
          %dma_start3A_71 = tpu.memref_squeeze %dma_start3A_70 : memref<1x128x64xbf16, #tpu.memory_space<vmem>> -> memref<128x64xbf16, #tpu.memory_space<vmem>>
          tpu.enqueue_dma source(%dma_start3A_71 : memref<128x64xbf16, #tpu.memory_space<vmem>>) target(%dma_start3A_67 : memref<128x64xbf16, #tpu.memory_space<hbm>>) target_semaphore(%run_scoped3A_60 : memref<!tpu.dma_semaphore, #tpu.memory_space<semaphore_mem>>)
          %dma_wait3A = arith.constant 0 : i32
          %dma_wait3A_72 = arith.constant 0 : i32
          %dma_wait3A_73 = tpu.memref_slice %arg9[%run_scoped3A_58, %dma_wait3A, %dma_wait3A_72] : memref<6x128x64xbf16, #tpu.memory_space<vmem>> -> memref<1x128x64xbf16, #tpu.memory_space<vmem>>
          %dma_wait3A_74 = tpu.memref_squeeze %dma_wait3A_73 : memref<1x128x64xbf16, #tpu.memory_space<vmem>> -> memref<128x64xbf16, #tpu.memory_space<vmem>>
          %dma_wait3A_75 = arith.constant 0 : i32
          %dma_wait3A_76 = tpu.memref_slice %arg5[%add3A_56, %dma_wait3A_75] : memref<10240x64xbf16, #tpu.memory_space<hbm>> -> memref<128x64xbf16, #tpu.memory_space<hbm>>
          %dma_wait3A_77 = arith.constant 0 : i32
          %dma_wait3A_78 = tpu.memref_slice %arg5[%add3A_56, %dma_wait3A_77] : memref<10240x64xbf16, #tpu.memory_space<hbm>> -> memref<128x64xbf16, #tpu.memory_space<hbm>>
          %dma_wait3A_79 = arith.constant 0 : i32
          %dma_wait3A_80 = arith.constant 0 : i32
          %dma_wait3A_81 = tpu.memref_slice %arg9[%run_scoped3A_58, %dma_wait3A_79, %dma_wait3A_80] : memref<6x128x64xbf16, #tpu.memory_space<vmem>> -> memref<1x128x64xbf16, #tpu.memory_space<vmem>>
          %dma_wait3A_82 = tpu.memref_squeeze %dma_wait3A_81 : memref<1x128x64xbf16, #tpu.memory_space<vmem>> -> memref<128x64xbf16, #tpu.memory_space<vmem>>
          tpu.wait_dma2 semaphore(%run_scoped3A_60 : memref<!tpu.dma_semaphore, #tpu.memory_space<semaphore_mem>>) src(%dma_wait3A_82 : memref<128x64xbf16, #tpu.memory_space<vmem>>) dst(%dma_wait3A_78 : memref<128x64xbf16, #tpu.memory_space<hbm>>)
          tpu.yield
        }) : () -> ()
        %scan3A_59 = arith.constant 0 : i32
        scf.yield %scan3A_59 : i32
      }
      %scan3A_49 = arith.constant 5 : i32
    } else {
    }
    %eq3A_38 = arith.constant 1 : i32
    %eq3A_39 = arith.cmpi eq, %arg0, %eq3A_38 : i32
    %convert_element_type3A_40 = arith.extui %eq3A_39 : i1 to i32
    %cond3A_41 = arith.constant 0 : i32
    %cond3A_42 = arith.cmpi ne, %convert_element_type3A_40, %cond3A_41 : i32
    scf.if %cond3A_42 {
      %scan3A_43 = arith.constant 0 : i32
      %scan3A_44 = arith.constant 0 : i32
      %scan3A_45 = arith.constant 5 : i32
      %scan3A_46 = arith.addi %scan3A_44, %scan3A_45 : i32
      %scan3A_47 = arith.constant 1 : i32
      %scan3A_48 = scf.for %scan3A_50 = %scan3A_44 to %scan3A_46 step %scan3A_47 iter_args(%scan3A_51 = %scan3A_43) -> (i32)  : i32 {
        %mul3A_52 = arith.constant 640 : i32
        %mul3A_53 = arith.muli %arg1, %mul3A_52 : i32
        %mul3A_54 = arith.constant 128 : i32
        %mul3A_55 = arith.muli %scan3A_50, %mul3A_54 : i32
        %add3A_56 = arith.addi %mul3A_53, %mul3A_55 : i32
        %run_scoped3A_57 = arith.constant 0 : i32
        "tpu.region"() ({
          %run_scoped3A_60 = tpu.sem_alloc : memref<!tpu.dma_semaphore, #tpu.memory_space<semaphore_mem>>
          %dma_start3A = arith.constant 0 : i32
          %dma_start3A_61 = arith.constant 0 : i32
          %dma_start3A_62 = tpu.memref_slice %arg9[%run_scoped3A_57, %dma_start3A, %dma_start3A_61] : memref<6x128x64xbf16, #tpu.memory_space<vmem>> -> memref<1x128x64xbf16, #tpu.memory_space<vmem>>
          %dma_start3A_63 = tpu.memref_squeeze %dma_start3A_62 : memref<1x128x64xbf16, #tpu.memory_space<vmem>> -> memref<128x64xbf16, #tpu.memory_space<vmem>>
          %dma_start3A_64 = arith.constant 0 : i32
          %dma_start3A_65 = tpu.memref_slice %arg10[%add3A_56, %dma_start3A_64] : memref<10240x64xbf16, #tpu.memory_space<vmem_shared>> -> memref<128x64xbf16, #tpu.memory_space<vmem_shared>>
          %dma_start3A_66 = arith.constant 0 : i32
          %dma_start3A_67 = arith.constant 0 : i32
          %dma_start3A_68 = tpu.memref_slice %arg9[%run_scoped3A_57, %dma_start3A_66, %dma_start3A_67] : memref<6x128x64xbf16, #tpu.memory_space<vmem>> -> memref<1x128x64xbf16, #tpu.memory_space<vmem>>
          %dma_start3A_69 = tpu.memref_squeeze %dma_start3A_68 : memref<1x128x64xbf16, #tpu.memory_space<vmem>> -> memref<128x64xbf16, #tpu.memory_space<vmem>>
          %dma_start3A_70 = arith.constant 0 : i32
          %dma_start3A_71 = tpu.memref_slice %arg10[%add3A_56, %dma_start3A_70] : memref<10240x64xbf16, #tpu.memory_space<vmem_shared>> -> memref<128x64xbf16, #tpu.memory_space<vmem_shared>>
          tpu.enqueue_dma source(%dma_start3A_71 : memref<128x64xbf16, #tpu.memory_space<vmem_shared>>) target(%dma_start3A_69 : memref<128x64xbf16, #tpu.memory_space<vmem>>) target_semaphore(%run_scoped3A_60 : memref<!tpu.dma_semaphore, #tpu.memory_space<semaphore_mem>>)
          %dma_wait3A = arith.constant 0 : i32
          %dma_wait3A_72 = arith.constant 0 : i32
          %dma_wait3A_73 = tpu.memref_slice %arg9[%run_scoped3A_57, %dma_wait3A, %dma_wait3A_72] : memref<6x128x64xbf16, #tpu.memory_space<vmem>> -> memref<1x128x64xbf16, #tpu.memory_space<vmem>>
          %dma_wait3A_74 = tpu.memref_squeeze %dma_wait3A_73 : memref<1x128x64xbf16, #tpu.memory_space<vmem>> -> memref<128x64xbf16, #tpu.memory_space<vmem>>
          %dma_wait3A_75 = arith.constant 0 : i32
          %dma_wait3A_76 = tpu.memref_slice %arg10[%add3A_56, %dma_wait3A_75] : memref<10240x64xbf16, #tpu.memory_space<vmem_shared>> -> memref<128x64xbf16, #tpu.memory_space<vmem_shared>>
          %dma_wait3A_77 = arith.constant 0 : i32
          %dma_wait3A_78 = arith.constant 0 : i32
          %dma_wait3A_79 = tpu.memref_slice %arg9[%run_scoped3A_57, %dma_wait3A_77, %dma_wait3A_78] : memref<6x128x64xbf16, #tpu.memory_space<vmem>> -> memref<1x128x64xbf16, #tpu.memory_space<vmem>>
          %dma_wait3A_80 = tpu.memref_squeeze %dma_wait3A_79 : memref<1x128x64xbf16, #tpu.memory_space<vmem>> -> memref<128x64xbf16, #tpu.memory_space<vmem>>
          %dma_wait3A_81 = arith.constant 0 : i32
          %dma_wait3A_82 = tpu.memref_slice %arg10[%add3A_56, %dma_wait3A_81] : memref<10240x64xbf16, #tpu.memory_space<vmem_shared>> -> memref<128x64xbf16, #tpu.memory_space<vmem_shared>>
          tpu.wait_dma2 semaphore(%run_scoped3A_60 : memref<!tpu.dma_semaphore, #tpu.memory_space<semaphore_mem>>) src(%dma_wait3A_82 : memref<128x64xbf16, #tpu.memory_space<vmem_shared>>) dst(%dma_wait3A_80 : memref<128x64xbf16, #tpu.memory_space<vmem>>)
          tpu.yield
        }) : () -> ()
        %run_scoped3A_58 = arith.constant 0 : i32
        "tpu.region"() ({
          %run_scoped3A_60 = tpu.sem_alloc : memref<!tpu.dma_semaphore, #tpu.memory_space<semaphore_mem>>
          %dma_start3A = arith.constant 0 : i32
          %dma_start3A_61 = arith.constant 0 : i32
          %dma_start3A_62 = tpu.memref_slice %arg9[%run_scoped3A_58, %dma_start3A, %dma_start3A_61] : memref<6x128x64xbf16, #tpu.memory_space<vmem>> -> memref<1x128x64xbf16, #tpu.memory_space<vmem>>
          %dma_start3A_63 = tpu.memref_squeeze %dma_start3A_62 : memref<1x128x64xbf16, #tpu.memory_space<vmem>> -> memref<128x64xbf16, #tpu.memory_space<vmem>>
          %dma_start3A_64 = arith.constant 0 : i32
          %dma_start3A_65 = tpu.memref_slice %arg6[%add3A_56, %dma_start3A_64] : memref<10240x64xbf16, #tpu.memory_space<hbm>> -> memref<128x64xbf16, #tpu.memory_space<hbm>>
          %dma_start3A_66 = arith.constant 0 : i32
          %dma_start3A_67 = tpu.memref_slice %arg6[%add3A_56, %dma_start3A_66] : memref<10240x64xbf16, #tpu.memory_space<hbm>> -> memref<128x64xbf16, #tpu.memory_space<hbm>>
          %dma_start3A_68 = arith.constant 0 : i32
          %dma_start3A_69 = arith.constant 0 : i32
          %dma_start3A_70 = tpu.memref_slice %arg9[%run_scoped3A_58, %dma_start3A_68, %dma_start3A_69] : memref<6x128x64xbf16, #tpu.memory_space<vmem>> -> memref<1x128x64xbf16, #tpu.memory_space<vmem>>
          %dma_start3A_71 = tpu.memref_squeeze %dma_start3A_70 : memref<1x128x64xbf16, #tpu.memory_space<vmem>> -> memref<128x64xbf16, #tpu.memory_space<vmem>>
          tpu.enqueue_dma source(%dma_start3A_71 : memref<128x64xbf16, #tpu.memory_space<vmem>>) target(%dma_start3A_67 : memref<128x64xbf16, #tpu.memory_space<hbm>>) target_semaphore(%run_scoped3A_60 : memref<!tpu.dma_semaphore, #tpu.memory_space<semaphore_mem>>)
          %dma_wait3A = arith.constant 0 : i32
          %dma_wait3A_72 = arith.constant 0 : i32
          %dma_wait3A_73 = tpu.memref_slice %arg9[%run_scoped3A_58, %dma_wait3A, %dma_wait3A_72] : memref<6x128x64xbf16, #tpu.memory_space<vmem>> -> memref<1x128x64xbf16, #tpu.memory_space<vmem>>
          %dma_wait3A_74 = tpu.memref_squeeze %dma_wait3A_73 : memref<1x128x64xbf16, #tpu.memory_space<vmem>> -> memref<128x64xbf16, #tpu.memory_space<vmem>>
          %dma_wait3A_75 = arith.constant 0 : i32
          %dma_wait3A_76 = tpu.memref_slice %arg6[%add3A_56, %dma_wait3A_75] : memref<10240x64xbf16, #tpu.memory_space<hbm>> -> memref<128x64xbf16, #tpu.memory_space<hbm>>
          %dma_wait3A_77 = arith.constant 0 : i32
          %dma_wait3A_78 = tpu.memref_slice %arg6[%add3A_56, %dma_wait3A_77] : memref<10240x64xbf16, #tpu.memory_space<hbm>> -> memref<128x64xbf16, #tpu.memory_space<hbm>>
          %dma_wait3A_79 = arith.constant 0 : i32
          %dma_wait3A_80 = arith.constant 0 : i32
          %dma_wait3A_81 = tpu.memref_slice %arg9[%run_scoped3A_58, %dma_wait3A_79, %dma_wait3A_80] : memref<6x128x64xbf16, #tpu.memory_space<vmem>> -> memref<1x128x64xbf16, #tpu.memory_space<vmem>>
          %dma_wait3A_82 = tpu.memref_squeeze %dma_wait3A_81 : memref<1x128x64xbf16, #tpu.memory_space<vmem>> -> memref<128x64xbf16, #tpu.memory_space<vmem>>
          tpu.wait_dma2 semaphore(%run_scoped3A_60 : memref<!tpu.dma_semaphore, #tpu.memory_space<semaphore_mem>>) src(%dma_wait3A_82 : memref<128x64xbf16, #tpu.memory_space<vmem>>) dst(%dma_wait3A_78 : memref<128x64xbf16, #tpu.memory_space<hbm>>)
          tpu.yield
        }) : () -> ()
        %scan3A_59 = arith.constant 0 : i32
        scf.yield %scan3A_59 : i32
      }
      %scan3A_49 = arith.constant 5 : i32
    } else {
    }
    return
  }
}

module attributes {stable_mosaic.version = 14 : i64} {
  func.func @_fused_body(%arg0: i32, %arg1: memref<5120x128xf32, #tpu.memory_space<vmem>>, %arg2: memref<128x128xf32, #tpu.memory_space<vmem>>, %arg3: memref<1x128xf32, #tpu.memory_space<vmem>>, %arg4: memref<128x128xf32, #tpu.memory_space<vmem>>, %arg5: memref<5120x2xf32, #tpu.memory_space<vmem>>, %arg6: memref<5120x64xbf16, #tpu.memory_space<vmem>>, %arg7: memref<5120x64xbf16, #tpu.memory_space<vmem>>, %arg8: memref<5120x1xf32, #tpu.memory_space<vmem>>) attributes {dimension_semantics = [#tpu.dimension_semantics<arbitrary>], iteration_bounds = array<i64: 2>, scalar_prefetch = 0 : i64, scratch_operands = 0 : i64, tpu.core_type = #tpu.core_type<tc>, window_params = [{transform_indices = @transform_0, window_bounds = array<i64: 5120, 128>}, {pipeline_mode = #tpu.pipeline_mode<synchronous>, transform_indices = @transform_1, window_bounds = array<i64: 128, 128>}, {pipeline_mode = #tpu.pipeline_mode<synchronous>, transform_indices = @transform_2, window_bounds = array<i64: 1, 128>}, {pipeline_mode = #tpu.pipeline_mode<synchronous>, transform_indices = @transform_3, window_bounds = array<i64: 128, 128>}, {transform_indices = @transform_4, window_bounds = array<i64: 5120, 2>}, {transform_indices = @transform_5, window_bounds = array<i64: 5120, 64>}, {transform_indices = @transform_6, window_bounds = array<i64: 5120, 64>}, {transform_indices = @transform_7, window_bounds = array<i64: 5120, 1>}]} {
    %get3A = arith.constant 0 : index
    %get3A_0 = arith.constant 0 : index
    %get3A_1 = vector.load %arg1[%get3A, %get3A_0] : memref<5120x128xf32, #tpu.memory_space<vmem>>, vector<5120x128xf32>
    %get3A_2 = arith.constant 0 : index
    %get3A_3 = arith.constant 0 : index
    %get3A_4 = vector.load %arg2[%get3A_2, %get3A_3] : memref<128x128xf32, #tpu.memory_space<vmem>>, vector<128x128xf32>
    %dot_general3A = arith.constant dense<0.000000e+00> : vector<5120x128xf32>
    %dot_general3A_5 = tpu.matmul %get3A_1, %get3A_4, %dot_general3A {dimension_numbers = #tpu.dot_dimension_numbers<[1], [1], [0], [0], [0, 0, 1, 0], [], []>, transpose_lhs_hint = false} : vector<5120x128xf32>, vector<128x128xf32>, vector<5120x128xf32> -> vector<5120x128xf32>
    %get3A_6 = arith.constant 0 : index
    %get3A_7 = arith.constant 0 : index
    %get3A_8 = vector.load %arg3[%get3A_6, %get3A_7] : memref<1x128xf32, #tpu.memory_space<vmem>>, vector<1x128xf32>
    %add3A = vector.broadcast %get3A_8 : vector<1x128xf32> to vector<5120x128xf32>
    %add3A_9 = arith.addf %dot_general3A_5, %add3A : vector<5120x128xf32>
    %max3A = arith.constant 0.000000e+00 : f32
    %max3A_10 = vector.broadcast %max3A : f32 to vector<5120x128xf32>
    %max3A_11 = arith.maximumf %add3A_9, %max3A_10 : vector<5120x128xf32>
    %get3A_12 = arith.constant 0 : index
    %get3A_13 = arith.constant 0 : index
    %get3A_14 = vector.load %arg4[%get3A_12, %get3A_13] : memref<128x128xf32, #tpu.memory_space<vmem>>, vector<128x128xf32>
    %dot_general3A_15 = arith.constant dense<0.000000e+00> : vector<5120x128xf32>
    %dot_general3A_16 = tpu.matmul %max3A_11, %get3A_14, %dot_general3A_15 {dimension_numbers = #tpu.dot_dimension_numbers<[1], [1], [0], [0], [0, 0, 1, 0], [], []>, transpose_lhs_hint = false} : vector<5120x128xf32>, vector<128x128xf32>, vector<5120x128xf32> -> vector<5120x128xf32>
    %get3A_17 = arith.constant 0 : index
    %get3A_18 = arith.constant 0 : index
    %get3A_19 = vector.load %arg5[%get3A_17, %get3A_18] : memref<5120x2xf32, #tpu.memory_space<vmem>>, vector<5120x1xf32>
    %get3A_20 = arith.constant 0 : index
    %get3A_21 = arith.constant 1 : index
    %get3A_22 = vector.load %arg5[%get3A_20, %get3A_21] : memref<5120x2xf32, #tpu.memory_space<vmem>>, vector<5120x1xf32>
    %add3A_23 = arith.addf %get3A_19, %get3A_22 : vector<5120x1xf32>
    %add3A_24 = arith.constant 1.000000e+00 : f32
    %add3A_25 = vector.broadcast %add3A_24 : f32 to vector<5120x1xf32>
    %add3A_26 = arith.addf %add3A_23, %add3A_25 : vector<5120x1xf32>
    %rsqrt3A = math.rsqrt %add3A_26 : vector<5120x1xf32>
    %swap3A = arith.constant 0 : index
    %swap3A_27 = arith.constant 0 : index
    %swap3A_28 = vector.load %arg8[%swap3A, %swap3A_27] : memref<5120x1xf32, #tpu.memory_space<vmem>>, vector<5120x1xf32>
    tpu.vector_store %arg8[%swap3A, %swap3A_27], %rsqrt3A {strides = array<i32>} : memref<5120x1xf32, #tpu.memory_space<vmem>>, vector<5120x1xf32>,
    %mul3A = vector.broadcast %rsqrt3A : vector<5120x1xf32> to vector<5120x128xf32>
    %mul3A_29 = arith.mulf %dot_general3A_16, %mul3A : vector<5120x128xf32>
    %convert_element_type3A = arith.truncf %mul3A_29 : vector<5120x128xf32> to vector<5120x128xbf16>
    %slice3A = vector.extract_strided_slice %convert_element_type3A {offsets = [0, 0], sizes = [5120, 64], strides = [1, 1]} : vector<5120x128xbf16> to vector<5120x64xbf16>
    %swap3A_30 = arith.constant 0 : index
    %swap3A_31 = arith.constant 0 : index
    %swap3A_32 = vector.load %arg6[%swap3A_30, %swap3A_31] : memref<5120x64xbf16, #tpu.memory_space<vmem>>, vector<5120x64xbf16>
    tpu.vector_store %arg6[%swap3A_30, %swap3A_31], %slice3A {strides = array<i32>} : memref<5120x64xbf16, #tpu.memory_space<vmem>>, vector<5120x64xbf16>,
    %slice3A_33 = vector.extract_strided_slice %convert_element_type3A {offsets = [0, 64], sizes = [5120, 64], strides = [1, 1]} : vector<5120x128xbf16> to vector<5120x64xbf16>
    %swap3A_34 = arith.constant 0 : index
    %swap3A_35 = arith.constant 0 : index
    %swap3A_36 = vector.load %arg7[%swap3A_34, %swap3A_35] : memref<5120x64xbf16, #tpu.memory_space<vmem>>, vector<5120x64xbf16>
    tpu.vector_store %arg7[%swap3A_34, %swap3A_35], %slice3A_33 {strides = array<i32>} : memref<5120x64xbf16, #tpu.memory_space<vmem>>, vector<5120x64xbf16>,
    return
  }
  func.func @transform_0(%arg0: i32) -> (i32, i32) {
    %c0_i32 = arith.constant 0 : i32
    %c0_i32_0 = arith.constant 0 : i32
    return %arg0, %c0_i32 : i32, i32
  }
  func.func @transform_1(%arg0: i32) -> (i32, i32) {
    %c0_i32 = arith.constant 0 : i32
    %c0_i32_0 = arith.constant 0 : i32
    %c0_i32_1 = arith.constant 0 : i32
    return %c0_i32, %c0_i32_0 : i32, i32
  }
  func.func @transform_2(%arg0: i32) -> (i32, i32) {
    %c0_i32 = arith.constant 0 : i32
    %c0_i32_0 = arith.constant 0 : i32
    %c0_i32_1 = arith.constant 0 : i32
    return %c0_i32, %c0_i32_0 : i32, i32
  }
  func.func @transform_3(%arg0: i32) -> (i32, i32) {
    %c0_i32 = arith.constant 0 : i32
    %c0_i32_0 = arith.constant 0 : i32
    %c0_i32_1 = arith.constant 0 : i32
    return %c0_i32, %c0_i32_0 : i32, i32
  }
  func.func @transform_4(%arg0: i32) -> (i32, i32) {
    %c0_i32 = arith.constant 0 : i32
    %c0_i32_0 = arith.constant 0 : i32
    return %arg0, %c0_i32 : i32, i32
  }
  func.func @transform_5(%arg0: i32) -> (i32, i32) {
    %c0_i32 = arith.constant 0 : i32
    %c0_i32_0 = arith.constant 0 : i32
    return %arg0, %c0_i32 : i32, i32
  }
  func.func @transform_6(%arg0: i32) -> (i32, i32) {
    %c0_i32 = arith.constant 0 : i32
    %c0_i32_0 = arith.constant 0 : i32
    return %arg0, %c0_i32 : i32, i32
  }
  func.func @transform_7(%arg0: i32) -> (i32, i32) {
    %c0_i32 = arith.constant 0 : i32
    %c0_i32_0 = arith.constant 0 : i32
    return %arg0, %c0_i32 : i32, i32
  }
}

module attributes {stable_mosaic.version = 14 : i64} {
  func.func @_out_body(%arg0: i32, %arg1: memref<5000x64xbf16, #tpu.memory_space<vmem>>, %arg2: memref<5000x64xbf16, #tpu.memory_space<vmem>>, %arg3: memref<5000x64xbf16, #tpu.memory_space<vmem>>, %arg4: memref<5000x64xbf16, #tpu.memory_space<vmem>>, %arg5: memref<5000x1xf32, #tpu.memory_space<vmem>>, %arg6: memref<1x128xf32, #tpu.memory_space<vmem>>, %arg7: memref<128x128xf32, #tpu.memory_space<vmem>>, %arg8: memref<1x128xf32, #tpu.memory_space<vmem>>, %arg9: memref<5000x128xf32, #tpu.memory_space<vmem>>) attributes {dimension_semantics = [#tpu.dimension_semantics<arbitrary>], iteration_bounds = array<i64: 2>, scalar_prefetch = 0 : i64, scratch_operands = 0 : i64, tpu.core_type = #tpu.core_type<tc>, window_params = [{transform_indices = @transform_0, window_bounds = array<i64: 5000, 64>}, {transform_indices = @transform_1, window_bounds = array<i64: 5000, 64>}, {transform_indices = @transform_2, window_bounds = array<i64: 5000, 64>}, {transform_indices = @transform_3, window_bounds = array<i64: 5000, 64>}, {transform_indices = @transform_4, window_bounds = array<i64: 5000, 1>}, {pipeline_mode = #tpu.pipeline_mode<synchronous>, transform_indices = @transform_5, window_bounds = array<i64: 1, 128>}, {pipeline_mode = #tpu.pipeline_mode<synchronous>, transform_indices = @transform_6, window_bounds = array<i64: 128, 128>}, {pipeline_mode = #tpu.pipeline_mode<synchronous>, transform_indices = @transform_7, window_bounds = array<i64: 1, 128>}, {transform_indices = @transform_8, window_bounds = array<i64: 5000, 128>}]} {
    %get3A = arith.constant 0 : index
    %get3A_0 = arith.constant 0 : index
    %get3A_1 = vector.load %arg5[%get3A, %get3A_0] : memref<5000x1xf32, #tpu.memory_space<vmem>>, vector<5000x1xf32>
    %get3A_2 = arith.constant 0 : index
    %get3A_3 = arith.constant 0 : index
    %get3A_4 = vector.load %arg1[%get3A_2, %get3A_3] : memref<5000x64xbf16, #tpu.memory_space<vmem>>, vector<5000x64xbf16>
    %convert_element_type3A = arith.extf %get3A_4 : vector<5000x64xbf16> to vector<5000x64xf32>
    %get3A_5 = arith.constant 0 : index
    %get3A_6 = arith.constant 0 : index
    %get3A_7 = vector.load %arg2[%get3A_5, %get3A_6] : memref<5000x64xbf16, #tpu.memory_space<vmem>>, vector<5000x64xbf16>
    %convert_element_type3A_8 = arith.extf %get3A_7 : vector<5000x64xbf16> to vector<5000x64xf32>
    %get3A_9 = arith.constant 0 : index
    %get3A_10 = arith.constant 0 : index
    %get3A_11 = vector.load %arg3[%get3A_9, %get3A_10] : memref<5000x64xbf16, #tpu.memory_space<vmem>>, vector<5000x64xbf16>
    %convert_element_type3A_12 = arith.extf %get3A_11 : vector<5000x64xbf16> to vector<5000x64xf32>
    %get3A_13 = arith.constant 0 : index
    %get3A_14 = arith.constant 0 : index
    %get3A_15 = vector.load %arg4[%get3A_13, %get3A_14] : memref<5000x64xbf16, #tpu.memory_space<vmem>>, vector<5000x64xbf16>
    %convert_element_type3A_16 = arith.extf %get3A_15 : vector<5000x64xbf16> to vector<5000x64xf32>
    %add3A = arith.addf %convert_element_type3A, %convert_element_type3A_12 : vector<5000x64xf32>
    %mul3A = vector.broadcast %get3A_1 : vector<5000x1xf32> to vector<5000x64xf32>
    %mul3A_17 = arith.mulf %add3A, %mul3A : vector<5000x64xf32>
    %add3A_18 = arith.addf %convert_element_type3A_8, %convert_element_type3A_16 : vector<5000x64xf32>
    %mul3A_19 = vector.broadcast %get3A_1 : vector<5000x1xf32> to vector<5000x64xf32>
    %mul3A_20 = arith.mulf %add3A_18, %mul3A_19 : vector<5000x64xf32>
    %concatenate3A = tpu.concatenate %mul3A_17, %mul3A_20 in 1 : vector<5000x64xf32>, vector<5000x64xf32> -> vector<5000x128xf32>
    %get3A_21 = arith.constant 0 : index
    %get3A_22 = arith.constant 0 : index
    %get3A_23 = vector.load %arg6[%get3A_21, %get3A_22] : memref<1x128xf32, #tpu.memory_space<vmem>>, vector<1x128xf32>
    %add3A_24 = vector.broadcast %get3A_23 : vector<1x128xf32> to vector<5000x128xf32>
    %add3A_25 = arith.addf %concatenate3A, %add3A_24 : vector<5000x128xf32>
    %max3A = arith.constant 0.000000e+00 : f32
    %max3A_26 = vector.broadcast %max3A : f32 to vector<5000x128xf32>
    %max3A_27 = arith.maximumf %add3A_25, %max3A_26 : vector<5000x128xf32>
    %get3A_28 = arith.constant 0 : index
    %get3A_29 = arith.constant 0 : index
    %get3A_30 = vector.load %arg7[%get3A_28, %get3A_29] : memref<128x128xf32, #tpu.memory_space<vmem>>, vector<128x128xf32>
    %dot_general3A = arith.constant dense<0.000000e+00> : vector<5000x128xf32>
    %dot_general3A_31 = tpu.matmul %max3A_27, %get3A_30, %dot_general3A {dimension_numbers = #tpu.dot_dimension_numbers<[1], [1], [0], [0], [0, 0, 1, 0], [], []>, transpose_lhs_hint = false} : vector<5000x128xf32>, vector<128x128xf32>, vector<5000x128xf32> -> vector<5000x128xf32>
    %get3A_32 = arith.constant 0 : index
    %get3A_33 = arith.constant 0 : index
    %get3A_34 = vector.load %arg8[%get3A_32, %get3A_33] : memref<1x128xf32, #tpu.memory_space<vmem>>, vector<1x128xf32>
    %add3A_35 = vector.broadcast %get3A_34 : vector<1x128xf32> to vector<5000x128xf32>
    %add3A_36 = arith.addf %dot_general3A_31, %add3A_35 : vector<5000x128xf32>
    %swap3A = arith.constant 0 : index
    %swap3A_37 = arith.constant 0 : index
    %swap3A_38 = vector.load %arg9[%swap3A, %swap3A_37] : memref<5000x128xf32, #tpu.memory_space<vmem>>, vector<5000x128xf32>
    tpu.vector_store %arg9[%swap3A, %swap3A_37], %add3A_36 {strides = array<i32>} : memref<5000x128xf32, #tpu.memory_space<vmem>>, vector<5000x128xf32>,
    return
  }
  func.func @transform_0(%arg0: i32) -> (i32, i32) {
    %c0_i32 = arith.constant 0 : i32
    %c0_i32_0 = arith.constant 0 : i32
    return %arg0, %c0_i32 : i32, i32
  }
  func.func @transform_1(%arg0: i32) -> (i32, i32) {
    %c0_i32 = arith.constant 0 : i32
    %c0_i32_0 = arith.constant 0 : i32
    return %arg0, %c0_i32 : i32, i32
  }
  func.func @transform_2(%arg0: i32) -> (i32, i32) {
    %c0_i32 = arith.constant 0 : i32
    %c0_i32_0 = arith.constant 0 : i32
    return %arg0, %c0_i32 : i32, i32
  }
  func.func @transform_3(%arg0: i32) -> (i32, i32) {
    %c0_i32 = arith.constant 0 : i32
    %c0_i32_0 = arith.constant 0 : i32
    return %arg0, %c0_i32 : i32, i32
  }
  func.func @transform_4(%arg0: i32) -> (i32, i32) {
    %c0_i32 = arith.constant 0 : i32
    %c0_i32_0 = arith.constant 0 : i32
    return %arg0, %c0_i32 : i32, i32
  }
  func.func @transform_5(%arg0: i32) -> (i32, i32) {
    %c0_i32 = arith.constant 0 : i32
    %c0_i32_0 = arith.constant 0 : i32
    %c0_i32_1 = arith.constant 0 : i32
    return %c0_i32, %c0_i32_0 : i32, i32
  }
  func.func @transform_6(%arg0: i32) -> (i32, i32) {
    %c0_i32 = arith.constant 0 : i32
    %c0_i32_0 = arith.constant 0 : i32
    %c0_i32_1 = arith.constant 0 : i32
    return %c0_i32, %c0_i32_0 : i32, i32
  }
  func.func @transform_7(%arg0: i32) -> (i32, i32) {
    %c0_i32 = arith.constant 0 : i32
    %c0_i32_0 = arith.constant 0 : i32
    %c0_i32_1 = arith.constant 0 : i32
    return %c0_i32, %c0_i32_0 : i32, i32
  }
  func.func @transform_8(%arg0: i32) -> (i32, i32) {
    %c0_i32 = arith.constant 0 : i32
    %c0_i32_0 = arith.constant 0 : i32
    return %arg0, %c0_i32 : i32, i32
  }
}

</mosaic_0001>

<sc_bundles>
// kernel: kernel.6.cloned.1.call-start
scs
__scs_entry_jumppad:
0x0: {  	(pc) =	sbr.rel $0x88, $3  }
0x1: {  	(tag) =	ssettag $0x0;
	lr =	simm.s32 $0x1  }
0x2: {  	[smem:$0x3F99] =	sst lr;
	_ =	strace $0xD0000000  }
0x3: {  	_ = 	snop  }
0x4: {  	_ = 	snop  }
0x5: {  	_ = 	snop  }
0x6: {  	_ = 	snop  }
0x7: {  	_ = 	snop  }
__scs_overlays_trampoline_lowered:
0x8: {  	[smem:$0x3FA8] =	sst s0  }
0x9: {  	[smem:$0x3FA9] =	sst s1  }
0xa: {  	[smem:$0x3FAA] =	sst s2  }
0xb: {  	[smem:$0x3FAB] =	sst s3  }
0xc: {  	[smem:$0x3FAC] =	sst s4  }
0xd: {  	[smem:$0x3FAD] =	sst s5  }
0xe: {  	[smem:$0x3FAE] =	sst s6  }
0xf: {  	[smem:$0x3FAF] =	sst s7  }
0x10: {  	[smem:$0x3FB0] =	sst s8  }
0x11: {  	[smem:$0x3FB1] =	sst s9;
	s0 =	simm.s32 @!p0 $0x0  }
0x12: {  	s1 =	sld [smem:$0x3F97];
	s0 =	simm.s32 @p0 $0x1  }
0x13: {  	[smem:$0x3FB2] =	sst s0;
	s0 =	simm.s32 @!p1 $0x0  }
0x14: {  	s2 =	sld [smem:$0x3F96];
	s0 =	simm.s32 @p1 $0x1  }
0x15: {  	[smem:$0x3FB3] =	sst s0;
	s0 =	simm.s32 @!p2 $0x0  }
0x16: {  	s3 =	sld [smem:$0x3FDB];
	s0 =	simm.s32 @p2 $0x1  }
0x17: {  	s4 =	simm.s32 $0x1BF5;
	[smem:$0x3FB5] =	sst s0  }
0x18: {  	s0 =	sld [smem:$0x3F98];
	_ =	swait.ge [sflag:s4], $0x0  }
0x19: {  	s7 =	sld [smem:$0x3F99]  }
0x1a: {  	s8 =	sadd.s32 $0xFFFFE003, lr  }
0x1b: {  	s9 =	sadd.s32 $0xFFFFFEF7, lr;
	s5 =	simm.s32 $0xFFFFFFFF;
	p2 =	slt.u32 s8, $0xFFFFF086  }
0x1c: {  	p1 =	slt.u32 s9, $0xF7A;
	s5 =	simm.s32 @!p2 $0x0  }
0x1d: {  	s5 =	simm.s32 @p1 $0x1;
	p0 =	seq.s32 s7, s2  }
0x1e: {  	s7 =	smul.u32 @!p0 $0xF7A, s2;
	p2 =	seq.s32 @!p0 s5, $0x0  }
0x1f: {  	s9 =	smul.u32 $0xF7A, s1;
	s8 =	simm.s32 @!p0 $0x1BF5;
	p2 =	por !p2, p0  }
0x20: {  	[sflag:s8] =	ssyncset.s32 @!p0 $0xFFFFF086;
	s6 =	sadd.s32 @!p0 s3, s7;
	s7 =	simm.s32 @!p0 $0x108  }
0x21: {  	s3 =	sadd.s32 s3, s9;
	s6 =	sadd.s32 @!p0 $0x88, s6;
	s7 =	simm.s32 @p2 $0x1082  }
0x22: {  	[simem:s7], [sflag:s8] =	dma.local @!p0 [hbm:s6], $0xF7A  }
0x23: {  	s9 =	sor.u32 $0xD0000000, s2;
	s6 =	simm.s32 $0x108;
	_ =	swait.ge @!p0 [sflag:s8], $0x0  }
0x24: {  	s3 =	sadd.s32 $0x88, s3;
	s6 =	simm.s32 @!p1 $0x1082;
	[sflag:s4] =	ssyncset.s32 $0xFFFFF086  }
0x25: {  	[simem:s6], [sflag:s4] =	dma.local [hbm:s3], $0xF7A  }
0x26: {  	[smem:$0x3F99] =	sst s1;
	(tag) =	ssettag s2;
	_ =	strace s9  }
0x27: {  	s1 =	sld [smem:$0x3FA9]  }
0x28: {  	s2 =	sld [smem:$0x3FAA]  }
0x29: {  	s4 =	sld [smem:$0x3FAC]  }
0x2a: {  	p0 =	seq.s32 s5, $0x0;
	s5 =	sld [smem:$0x3FAD]  }
0x2b: {  	s6 =	sld [smem:$0x3FAE]  }
0x2c: {  	s7 =	sld [smem:$0x3FAF]  }
0x2d: {  	s3 =	simm.s32 $0x108;
	s8 =	sld [smem:$0x3FB0]  }
0x2e: {  	s3 =	simm.s32 @!p0 $0x1082;
	s9 =	sld [smem:$0x3FB1]  }
0x2f: {  	lr =	sadd.s32 s0, s3;
	s0 =	sld [smem:$0x3FA8]  }
0x30: {  	s3 =	sld [smem:$0x3FAB]  }
0x31: {  	[smem:$0x3FB4] =	sst s10  }
0x32: {  	s10 =	sld [smem:$0x3FB2];
	_ =	sdelay $0x3  }
0x33: {  	p0 =	seq.s32 s10, $0x1;
	s10 =	sld [smem:$0x3FB4];
	_ =	sdelay $0x3  }
0x34: {  	[smem:$0x3FB4] =	sst s10  }
0x35: {  	s10 =	sld [smem:$0x3FB3];
	_ =	sdelay $0x3  }
0x36: {  	p1 =	seq.s32 s10, $0x1;
	s10 =	sld [smem:$0x3FB4];
	_ =	sdelay $0x3  }
0x37: {  	[smem:$0x3FB4] =	sst s10  }
0x38: {  	s10 =	sld [smem:$0x3FB5]  }
0x39: {  	_ = 	snop;
	(pc) =	sbr.ind lr, $3  }
0x3a: {  	_ = 	snop  }
0x3b: {  	_ = 	snop  }
0x3c: {  	p2 =	seq.s32 s10, $0x1;
	s10 =	sld [smem:$0x3FB4]  }
0x3d: {  	_ =	shalt  }
0x3e: {  	_ =	shalt  }
0x3f: {  	_ =	shalt  }
0x40: {  	_ =	shalt  }
0x41: {  	_ =	shalt  }
0x42: {  	_ =	shalt  }
0x43: {  	_ =	shalt  }
0x44: {  	_ =	shalt  }
0x45: {  	_ =	shalt  }
0x46: {  	_ =	shalt  }
0x47: {  	_ =	shalt  }
0x48: {  	_ =	shalt  }
0x49: {  	_ =	shalt  }
0x4a: {  	_ =	shalt  }
0x4b: {  	_ =	shalt  }
0x4c: {  	_ =	shalt  }
0x4d: {  	_ =	shalt  }
0x4e: {  	_ =	shalt  }
0x4f: {  	_ =	shalt  }
0x50: {  	_ =	shalt  }
0x51: {  	_ =	shalt  }
0x52: {  	_ =	shalt  }
0x53: {  	_ =	shalt  }
0x54: {  	_ =	shalt  }
0x55: {  	_ =	shalt  }
0x56: {  	_ =	shalt  }
0x57: {  	_ =	shalt  }
0x58: {  	_ =	shalt  }
0x59: {  	_ =	shalt  }
0x5a: {  	_ =	shalt  }
0x5b: {  	_ =	shalt  }
0x5c: {  	_ =	shalt  }
0x5d: {  	_ =	shalt  }
0x5e: {  	_ =	shalt  }
0x5f: {  	_ =	shalt  }
0x60: {  	_ =	shalt  }
0x61: {  	_ =	shalt  }
0x62: {  	_ =	shalt  }
0x63: {  	_ =	shalt  }
0x64: {  	_ =	shalt  }
0x65: {  	_ =	shalt  }
0x66: {  	_ =	shalt  }
0x67: {  	_ =	shalt  }
0x68: {  	_ =	shalt  }
0x69: {  	_ =	shalt  }
0x6a: {  	_ =	shalt  }
0x6b: {  	_ =	shalt  }
0x6c: {  	_ =	shalt  }
0x6d: {  	_ =	shalt  }
0x6e: {  	_ =	shalt  }
0x6f: {  	_ =	shalt  }
0x70: {  	_ =	shalt  }
0x71: {  	_ =	shalt  }
0x72: {  	_ =	shalt  }
0x73: {  	_ =	shalt  }
0x74: {  	_ =	shalt  }
0x75: {  	_ =	shalt  }
0x76: {  	_ =	shalt  }
0x77: {  	_ =	shalt  }
0x78: {  	_ =	shalt  }
0x79: {  	_ =	shalt  }
0x7a: {  	_ =	shalt  }
0x7b: {  	_ =	shalt  }
0x7c: {  	_ =	shalt  }
0x7d: {  	_ =	shalt  }
0x7e: {  	_ =	shalt  }
0x7f: {  	_ =	shalt  }
0x80: {  	_ =	shalt  }
0x81: {  	_ =	shalt  }
0x82: {  	_ =	shalt  }
0x83: {  	_ =	shalt  }
0x84: {  	_ =	shalt  }
0x85: {  	_ =	shalt  }
0x86: {  	_ =	shalt  }
0x87: {  	_ =	shalt  }
.Lfunc_end0:
.L_simem_size_0:
called_computation_lowered:
.L_overlay_start_0:
0x88: {  	s2 =	sld [smem:$0x3FD9]  }
0x89: {  	s3 =	sld [smem:$0x3FFE];
	_ =	sdelay $0x1  }
0x8a: {  	s1 =	srdreg.scid  }
0x8b: {  	s0 =	sand.u32 $0x1, s1  }
0x8c: {  	s17 =	sshll.u32 s0, $0xA;
	s2 =	sadd.s32 s3, s2  }
0x8d: {  	s2 =	sadd.s32 s2, s17  }
0x8e: {  	[smem:$0x3FC0] =	sst s2  }
0x8f: {  	_ = 	snop  }
0x90: {  	s2 =	sld [smem:$0x3FD0];
	(tm) =	ssettm $0x1  }
0x91: {  	s18 =	sld [smem:$0x3FFB];
	_ =	sdelay $0x3  }
0x92: {  	_ =	strace s18  }
0x93: {  	s3 =	sld [smem:$0x3FFC];
	_ =	sdelay $0x3  }
0x94: {  	_ =	strace s3  }
0x95: {  	s3 =	sld [smem:$0x3FFD];
	_ =	sdelay $0x3  }
0x96: {  	_ =	strace s3  }
0x97: {  	_ =	strace $0x8FFFFFFF  }
0x98: {  	s19 =	sld [smem:$0x3FDB];
	_ =	sdelay $0x1  }
0x99: {  	s4 =	simm.s32 $_scs_section_size  }
0x9a: {  	s5 =	simm.s32 $_size__tile_overlayer_lowered;
	s6 =	simm.s32 $_tile_overlayer_lowered  }
0x9b: {  	s22 =	simm.s32 $0x1BFF;
	s21 =	sshll.u32 s6, $0x1;
	s3 =	sadd.s32 s4, s19  }
0x9c: {  	s7 =	simm.s32 $0x0;
	s20 =	sshll.u32 s5, $0x1;
	s5 =	sadd.s32 s21, s3  }
0x9d: {  	[timem:s7], [sflag:s22] =	dma.local [hbm:s5], s20  }
0x9e: {  	_ =	swait.ge [sflag:s22], s20  }
0x9f: {  	s4 =	ssub.s32 $0x0, s20;
	[sflag:s22] =	ssyncset.done $0x0  }
0xa0: {  	[sflag:s22] =	ssyncadd.s32 s4;
	_ =	sdelay $0x1  }
0xa1: {  	s23 =	simm.s32 $0x1B8B  }
0xa2: {  	_ =	swait.ge [sflag:s23], $0x1  }
0xa3: {  	[sflag:s23] =	ssyncset.done $0x0  }
0xa4: {  	s25 =	simm.s32 $0x1B8E;
	s24 =	sld [smem:$0x3FFE];
	[sflag:s23] =	ssyncadd.s32 $0xFFFFFFFF  }
0xa5: {  	s26 =	simm.s32 $execute0_lowered;
	[smem:$0x3FD2] =	sst s25  }
0xa6: {  	s5 =	sshll.u32 s26, $0x1;
	_ =	strace $0x80000046;
	[dreg:$0x1] =	wrdreg $0xFFFFFFFF  }
0xa7: {  	s28 =	simm.s32 $_size_execute0_lowered;
	s3 =	sadd.s32 s3, s5;
	[dreg:$0x0] =	wrdreg $0x0  }
0xa8: {  	s5 =	sshll.u32 s28, $0x1;
	[dreg:$0x2] =	wrdreg s3  }
0xa9: {  	[dreg:$0x3] =	wrdreg s5  }
0xaa: {  	[dreg:$0x4] =	wrdreg $0xC0  }
0xab: {  	_ =	task [dreg:s7], $0x5FFFF  }
0xac: {  	[dreg:$0x1] =	wrdreg $0xFFFFFFFF  }
0xad: {  	[dreg:$0x0] =	wrdreg $0x60  }
0xae: {  	[dreg:$0x2] =	wrdreg s2  }
0xaf: {  	[dreg:$0x3] =	wrdreg s24  }
0xb0: {  	[dreg:$0x4] =	wrdreg $0x2A800  }
0xb1: {  	[dreg:$0x5] =	wrdreg $0x9  }
0xb2: {  	_ =	task.clear_ibuf [dreg:s7], $0x6FFFF;
	_ =	strace $0x90000046  }
0xb3: {  	s29 =	simm.s32 $0x9;
	_ =	strace $0x80000048  }
0xb4: {  	_ =	swait.ge [sflag:s29], $0x1  }
0xb5: {  	[sflag:s29] =	ssyncadd.s32 $0xFFFFFFFF  }
0xb6: {  	_ =	strace $0x90000048  }
0xb7: {  	_ =	sfence  }
0xb8: {  	s30 =	sld [smem:$0x0];
	_ =	sdelay $0x2  }
0xb9: {  	s31 =	sshll.u32 s1, $0xD;
	s1 =	sshrl.u32 s1, $0x2  }
0xba: {  	s3 =	sand.u32 $0x4000, s31;
	s1 =	sadd.s32 s1, s30  }
0xbb: {  	s0 =	sor.u32 s3, s0;
	s1 =	sshll.u32 s1, $0x11  }
0xbc: {  	s0 =	sor.u32 s1, s0  }
0xbd: {  	s0 =	sadd.s32 $0x8F2B, s0  }
0xbe: {  	[sflag:s0] =	ssyncadd.remote.s32 $0x1  }
0xbf: {  	_ =	sfence.sel $0xFFFF  }
0xc0: {  	[dreg:$0x0] =	wrdreg $0xFFFFFFFF;
	(pc) =	sbr.abs _section_cstart, $3  }
0xc1: {  	[dreg:$0x1] =	wrdreg $0xFFFFFFFF  }
0xc2: {  	_ =	task.clear_ibuf [dreg:s7], $0x2FFFF;
	_ =	strace $0x9FFFFFFF  }
0xc3: {  	(tm) =	ssettm $0x7FFFFFFF  }
tec
execute0_lowered:
.L_overlay_start_1:
0x0: {  	(tag) =	ssettag $0x1  }
0x1: {  	s4 =	rddreg [dreg:$0x0]  }
0x2: {  	s5 =	rddreg [dreg:$0x1]  }
0x3: {  	s2 =	rddreg [dreg:$0x2]  }
0x4: {  	s0 =	rddreg [dreg:$0x3]  }
0x5: {  	s3 =	srdreg.scid;
	s1 =	stileid.u32;
	s11 =	simm.s32 $0x80  }
0x6: {  	s12 =	simm.s32 $0x2780;
	s13 =	simm.s32 $0x1;
	s14 =	simm.s32 $0x0  }
0x7: {  	s6 =	sand.u32 $0x1, s3;
	s7 =	smul.u32 $0x280, s1;
	s8 =	sshll.u32 s1, $0x1  }
0x8: {  	s3 =	simm.s32 $0x0;
	s9 =	smul.u32 $0x2800, s6;
	s8 =	sor.u32 s6, s8  }
0x9: {  	p0 =	sgt.u32 s1, $0x1;
	[smem:$0x7FF] =	sst s3;
	s10 =	smul.u32 $0x4E, s8  }
0xa: {  	s6 =	ssub.s32 $0x2, s6;
	_ =	strace $0x80000047;
	s8 =	smin.u32 s8, $0x4  }
0xb: {  	s30 =	sshrl.u32 s6, $0x1;
	s9 =	sadd.s32 s7, s9;
	s8 =	sadd.s32 s8, s10  }
0xc: {  	s9 =	sshrl.u32 s9, $0x3;
	s10 =	ssub.s32 s6, s30;
	s8 =	sshll.u32 s8, $0x4  }
0xd: {  	s9 =	sadd.s32 s9, s5;
	s31 =	sadd.s32 s4, s8;
	s4 =	sadd.s32 s7, s2  }
0xe: {  	s7 =	sadd.s32 $0x2400, s9;
	s8 =	smax.u32 s10, $0x1;
	s9 =	simm.s32 $0x2800  }
0xf: {  	v0 =	vimm.f32 $1.000000000e+00;
	v1 =	vimm.f32 $0.0e+00;
	s10 =	simm.s32 $0x2;
	s5 =	sadd.s32 $0x9C40, s31;
	s6 =	sadd.s32 $0xA120, s31  }
.LBB2_1:
0x10: {  	[tilespmem:$0x2780] =	vst v0  }
0x11: {  	[tilespmem:$0x2790] =	vst v0  }
0x12: {  	[tilespmem:$0x27A0] =	vst v0  }
0x13: {  	[tilespmem:$0x27B0] =	vst v0  }
0x14: {  	[tilespmem:$0x27C0] =	vst v0  }
0x15: {  	[tilespmem:$0x27D0] =	vst v0  }
0x16: {  	[tilespmem:$0x27E0] =	vst v0  }
0x17: {  	[tilespmem:$0x27F0] =	vst v0  }
0x18: {  	[tilespmem:$0x2800] =	vst v1  }
0x19: {  	[tilespmem:$0x2810] =	vst v1  }
0x1a: {  	[tilespmem:$0x2820] =	vst v1  }
0x1b: {  	[tilespmem:$0x2830] =	vst v1  }
0x1c: {  	[tilespmem:$0x2840] =	vst v1  }
0x1d: {  	[tilespmem:$0x2850] =	vst v1  }
0x1e: {  	[tilespmem:$0x2860] =	vst v1  }
0x1f: {  	[tilespmem:$0x2870] =	vst v1  }
0x20: {  	[tilespmem:$0x2880] =	vst v1  }
0x21: {  	[tilespmem:$0x2890] =	vst v1  }
0x22: {  	[tilespmem:$0x28A0] =	vst v1  }
0x23: {  	[tilespmem:$0x28B0] =	vst v1  }
0x24: {  	[tilespmem:$0x28C0] =	vst v1  }
0x25: {  	[tilespmem:$0x28D0] =	vst v1  }
0x26: {  	[tilespmem:$0x28E0] =	vst v1  }
0x27: {  	[tilespmem:$0x28F0] =	vst v1  }
0x28: {  	[tilespmem:$0x2900] =	vst v1  }
0x29: {  	[tilespmem:$0x2910] =	vst v1  }
0x2a: {  	[tilespmem:$0x2920] =	vst v1  }
0x2b: {  	[tilespmem:$0x2930] =	vst v1  }
0x2c: {  	[tilespmem:$0x2940] =	vst v1  }
0x2d: {  	[tilespmem:$0x2950] =	vst v1  }
0x2e: {  	[tilespmem:$0x2960] =	vst v1  }
0x2f: {  	[tilespmem:$0x2970] =	vst v1  }
0x30: {  	[tilespmem:$0x2980] =	vst v1  }
0x31: {  	[tilespmem:$0x2990] =	vst v1  }
0x32: {  	[tilespmem:$0x29A0] =	vst v1  }
0x33: {  	[tilespmem:$0x29B0] =	vst v1  }
0x34: {  	[tilespmem:$0x29C0] =	vst v1  }
0x35: {  	[tilespmem:$0x29D0] =	vst v1  }
0x36: {  	[tilespmem:$0x29E0] =	vst v1  }
0x37: {  	[tilespmem:$0x29F0] =	vst v1  }
0x38: {  	[tilespmem:$0x2A00] =	vst v1  }
0x39: {  	[tilespmem:$0x2A10] =	vst v1  }
0x3a: {  	[tilespmem:$0x2A20] =	vst v1  }
0x3b: {  	[tilespmem:$0x2A30] =	vst v1  }
0x3c: {  	[tilespmem:$0x2A40] =	vst v1  }
0x3d: {  	[tilespmem:$0x2A50] =	vst v1  }
0x3e: {  	[tilespmem:$0x2A60] =	vst v1  }
0x3f: {  	[tilespmem:$0x2A70] =	vst v1  }
0x40: {  	[spmem:s4] =	stream.linear.scatter [tilespmem:s9], [sflag:$0x2], $0x280, $0x38;
	[tilespmem:$0x2D00] =	vst v63  }
0x41: {  	_ =	swait.ge [sflag:s10], $0x280  }
0x42: {  	[sflag:s10] =	ssyncset.done $0x0  }
0x43: {  	[sflag:s10] =	ssyncadd.s32 $0xFFFFFD80  }
0x44: {  	[bflag:$0x0] =	sbarrier.arrive $0xFFFF  }
0x45: {  	[tilespmem:s3], [sflag:$0x2] =	stream.linear.gather [hbm4b:s5+s3], $0x2700, $0x38;
	[tilespmem:$0x2D00] =	vst v63  }
0x46: {  	_ =	swait.ge [sflag:s10], $0x2700  }
0x47: {  	[sflag:s10] =	ssyncset.done $0x0  }
0x48: {  	s15 =	simm.s32 @!p0 $0x0;
	s16 =	simm.s32 @!p0 $0x2700;
	[sflag:s10] =	ssyncadd.s32 $0xFFFFD900  }
0x49: {  	[tilespmem:s16], [sflag:$0x2] =	stream.linear.gather @!p0 [hbm4b:s6+s15], $0x80, $0x38;
	[tilespmem:$0x2D00] =	vst v63  }
0x4a: {  	s15 =	simm.s32 @!p0 $0x2  }
0x4b: {  	_ =	swait.ge @!p0 [sflag:s15], $0x80  }
0x4c: {  	[sflag:s15] =	ssyncset.done @!p0 $0x0  }
0x4d: {  	s16 =	simm.s32 $0x0;
	[sflag:s15] =	ssyncadd.s32 @!p0 $0xFFFFFF80;
	s15 =	simm.s32 $0x200  }
.LBB2_2:
0x4e: {  	[spmem:s2] =	stream.indirect.scatter.add.f32 [tilespmem:s12], [sflag:$0x1], $0x1, s16, s11, $0xb8;
	[tilespmem:$0x2D00] =	vst v63  }
0x4f: {  	s16 =	smov.u32 s15;
	p1 =	sne.s32 s15, $0x9A00  }
.Ltmp0:
0x50: {  	s15 =	sadd.s32 $0x200, s15;
	(pc) =	sbr.rel @p1 .LBB2_2-.Ltmp0, $2  }
0x51: {  	_ =	sdelay $0x2  }
0x52: {  	s16 =	sshra.s32 s16, $0x2  }
0x53: {  	[spmem:s2] =	stream.indirect.scatter.add.f32 [tilespmem:s12], [sflag:$0x1], $0x1, s16, s11, $0xb8;
	[tilespmem:$0x2D00] =	vst v63  }
0x54: {  	s15 =	simm.s32 @!p0 $0x80;
	s16 =	simm.s32 @!p0 $0x2700;
	s17 =	simm.s32 @!p0 $0x2780  }
0x55: {  	[spmem:s2] =	stream.indirect.scatter.add.f32 @!p0 [tilespmem:s17], [sflag:$0x1], $0x1, s16, s15, $0xb8;
	[tilespmem:$0x2D00] =	vst v63  }
0x56: {  	_ =	swait.ge [sflag:s13], $0x80  }
0x57: {  	s15 =	simm.s32 $0x4D;
	[sflag:s13] =	ssyncset.done $0x0  }
.LBB2_4:
0x58: {  	p1 =	sne.s32 s15, $0x1;
	s15 =	sadd.s32 $0xFFFFFFFF, s15;
	[sflag:s13] =	ssyncadd.s32 $0xFFFFFF80  }
.Ltmp1:
0x59: {  	(pc) =	sbr.rel @p1 .LBB2_4-.Ltmp1, $3  }
0x5a: {  	_ =	sdelay $0x1  }
0x5b: {  	_ =	swait.ge [sflag:s13], $0x80  }
0x5c: {  	[sflag:s13] =	ssyncset.done $0x0  }
0x5d: {  	[sflag:s13] =	ssyncadd.s32 $0xFFFFFF80;
	s15 =	simm.s32 @!p0 $0x1  }
0x5e: {  	_ =	swait.ge @!p0 [sflag:s15], $0x80  }
0x5f: {  	[sflag:s15] =	ssyncset.done @!p0 $0x0  }
0x60: {  	[sflag:s15] =	ssyncadd.s32 @!p0 $0xFFFFFF80  }
0x61: {  	[bflag:$0x0] =	sbarrier.arrive $0xFFFF  }
0x62: {  	[tilespmem:s9], [sflag:$0x2] =	stream.linear.gather [spmem:s4], $0x280, $0x38;
	[tilespmem:$0x2D00] =	vst v63  }
0x63: {  	s14 =	sadd.s32 $0x1, s14;
	_ =	swait.ge [sflag:s10], $0x280  }
0x64: {  	p1 =	sne.s32 s14, s8;
	[sflag:s10] =	ssyncset.done $0x0  }
.Ltmp2:
0x65: {  	[sflag:s10] =	ssyncadd.s32 $0xFFFFFD80;
	(pc) =	sbr.rel @p1 .LBB2_1-.Ltmp2, $4  }
0x66: {  	[hbm4b:s7+s3] =	stream.linear.scatter [tilespmem:s9], [sflag:$0x2], $0x280, $0x38;
	[tilespmem:$0x2D00] =	vst v63  }
0x67: {  	_ =	swait.ge [sflag:s10], $0x280  }
0x68: {  	[sflag:s10] =	ssyncset.done $0x0  }
0x69: {  	[sflag:s10] =	ssyncadd.s32 $0xFFFFFD80  }
0x6a: {  	_ =	sfence.sel $0x180000  }
0x6b: {  	[bflag:$0x0] =	sbarrier.arrive $0xFFFF  }
0x6c: {  	p0 =	sne.s32 s1, $0x0;
	_ =	strace $0x90000047  }
0x6d: {  	s0 =	sadd.s32 @!p0 $0x100000, s0;
	[bflag:$0x2] =	sbarrier.arrive $0xFFFF  }
0x6e: {  	[sflag:s0] =	ssyncadd.tile.s32 @!p0 $0x1;
	_ =	shalt  }
.Lfunc_end2:
_tile_overlayer_lowered:
.L_overlay_start_2:
0x6f: {  	(tag) =	ssettag $0x2  }
0x70: {  	s0 =	rddreg [dreg:$0x0];
	s2 =	stileid.u32  }
0x71: {  	s1 =	rddreg [dreg:$0x1];
	p0 =	sne.s32 s2, $0x0  }
0x72: {  	s3 =	rddreg [dreg:$0x2];
	[bflag:$0x3] =	sbarrier.arrive $0xFFFF;
	s2 =	simm.s32 @!p0 $0x1C02  }
0x73: {  	[timem:s3], [sflag:s2] =	dma.local @!p0 [hbm:s0], s1  }
0x74: {  	s0 =	simm.s32 @!p0 $0x2  }
0x75: {  	_ =	swait.ge @!p0 [sflag:s0], s1  }
0x76: {  	s1 =	ssub.s32 @!p0 $0x0, s1;
	[sflag:s0] =	ssyncset.done @!p0 $0x0  }
0x77: {  	[sflag:s0] =	ssyncadd.s32 @!p0 s1  }
0x78: {  	[bflag:$0x3] =	sbarrier.arrive $0xFFFF  }
0x79: {  	_ =	shalt  }

// kernel: kernel.9.cloned.1.call-start
scs
__scs_entry_jumppad:
0x0: {  	(pc) =	sbr.rel $0x88, $3  }
0x1: {  	(tag) =	ssettag $0x0;
	lr =	simm.s32 $0x1  }
0x2: {  	[smem:$0x3F99] =	sst lr;
	_ =	strace $0xD0000000  }
0x3: {  	_ = 	snop  }
0x4: {  	_ = 	snop  }
0x5: {  	_ = 	snop  }
0x6: {  	_ = 	snop  }
0x7: {  	_ = 	snop  }
__scs_overlays_trampoline_lowered:
0x8: {  	[smem:$0x3FA8] =	sst s0  }
0x9: {  	[smem:$0x3FA9] =	sst s1  }
0xa: {  	[smem:$0x3FAA] =	sst s2  }
0xb: {  	[smem:$0x3FAB] =	sst s3  }
0xc: {  	[smem:$0x3FAC] =	sst s4  }
0xd: {  	[smem:$0x3FAD] =	sst s5  }
0xe: {  	[smem:$0x3FAE] =	sst s6  }
0xf: {  	[smem:$0x3FAF] =	sst s7  }
0x10: {  	[smem:$0x3FB0] =	sst s8  }
0x11: {  	[smem:$0x3FB1] =	sst s9;
	s0 =	simm.s32 @!p0 $0x0  }
0x12: {  	s1 =	sld [smem:$0x3F97];
	s0 =	simm.s32 @p0 $0x1  }
0x13: {  	[smem:$0x3FB2] =	sst s0;
	s0 =	simm.s32 @!p1 $0x0  }
0x14: {  	s2 =	sld [smem:$0x3F96];
	s0 =	simm.s32 @p1 $0x1  }
0x15: {  	[smem:$0x3FB3] =	sst s0;
	s0 =	simm.s32 @!p2 $0x0  }
0x16: {  	s3 =	sld [smem:$0x3FDB];
	s0 =	simm.s32 @p2 $0x1  }
0x17: {  	s4 =	simm.s32 $0x1BF5;
	[smem:$0x3FB5] =	sst s0  }
0x18: {  	s0 =	sld [smem:$0x3F98];
	_ =	swait.ge [sflag:s4], $0x0  }
0x19: {  	s7 =	sld [smem:$0x3F99]  }
0x1a: {  	s8 =	sadd.s32 $0xFFFFE003, lr  }
0x1b: {  	s9 =	sadd.s32 $0xFFFFFEF7, lr;
	s5 =	simm.s32 $0xFFFFFFFF;
	p2 =	slt.u32 s8, $0xFFFFF086  }
0x1c: {  	p1 =	slt.u32 s9, $0xF7A;
	s5 =	simm.s32 @!p2 $0x0  }
0x1d: {  	s5 =	simm.s32 @p1 $0x1;
	p0 =	seq.s32 s7, s2  }
0x1e: {  	s7 =	smul.u32 @!p0 $0xF7A, s2;
	p2 =	seq.s32 @!p0 s5, $0x0  }
0x1f: {  	s9 =	smul.u32 $0xF7A, s1;
	s8 =	simm.s32 @!p0 $0x1BF5;
	p2 =	por !p2, p0  }
0x20: {  	[sflag:s8] =	ssyncset.s32 @!p0 $0xFFFFF086;
	s6 =	sadd.s32 @!p0 s3, s7;
	s7 =	simm.s32 @!p0 $0x108  }
0x21: {  	s3 =	sadd.s32 s3, s9;
	s6 =	sadd.s32 @!p0 $0x88, s6;
	s7 =	simm.s32 @p2 $0x1082  }
0x22: {  	[simem:s7], [sflag:s8] =	dma.local @!p0 [hbm:s6], $0xF7A  }
0x23: {  	s9 =	sor.u32 $0xD0000000, s2;
	s6 =	simm.s32 $0x108;
	_ =	swait.ge @!p0 [sflag:s8], $0x0  }
0x24: {  	s3 =	sadd.s32 $0x88, s3;
	s6 =	simm.s32 @!p1 $0x1082;
	[sflag:s4] =	ssyncset.s32 $0xFFFFF086  }
0x25: {  	[simem:s6], [sflag:s4] =	dma.local [hbm:s3], $0xF7A  }
0x26: {  	[smem:$0x3F99] =	sst s1;
	(tag) =	ssettag s2;
	_ =	strace s9  }
0x27: {  	s1 =	sld [smem:$0x3FA9]  }
0x28: {  	s2 =	sld [smem:$0x3FAA]  }
0x29: {  	s4 =	sld [smem:$0x3FAC]  }
0x2a: {  	p0 =	seq.s32 s5, $0x0;
	s5 =	sld [smem:$0x3FAD]  }
0x2b: {  	s6 =	sld [smem:$0x3FAE]  }
0x2c: {  	s7 =	sld [smem:$0x3FAF]  }
0x2d: {  	s3 =	simm.s32 $0x108;
	s8 =	sld [smem:$0x3FB0]  }
0x2e: {  	s3 =	simm.s32 @!p0 $0x1082;
	s9 =	sld [smem:$0x3FB1]  }
0x2f: {  	lr =	sadd.s32 s0, s3;
	s0 =	sld [smem:$0x3FA8]  }
0x30: {  	s3 =	sld [smem:$0x3FAB]  }
0x31: {  	[smem:$0x3FB4] =	sst s10  }
0x32: {  	s10 =	sld [smem:$0x3FB2];
	_ =	sdelay $0x3  }
0x33: {  	p0 =	seq.s32 s10, $0x1;
	s10 =	sld [smem:$0x3FB4];
	_ =	sdelay $0x3  }
0x34: {  	[smem:$0x3FB4] =	sst s10  }
0x35: {  	s10 =	sld [smem:$0x3FB3];
	_ =	sdelay $0x3  }
0x36: {  	p1 =	seq.s32 s10, $0x1;
	s10 =	sld [smem:$0x3FB4];
	_ =	sdelay $0x3  }
0x37: {  	[smem:$0x3FB4] =	sst s10  }
0x38: {  	s10 =	sld [smem:$0x3FB5]  }
0x39: {  	_ = 	snop;
	(pc) =	sbr.ind lr, $3  }
0x3a: {  	_ = 	snop  }
0x3b: {  	_ = 	snop  }
0x3c: {  	p2 =	seq.s32 s10, $0x1;
	s10 =	sld [smem:$0x3FB4]  }
0x3d: {  	_ =	shalt  }
0x3e: {  	_ =	shalt  }
0x3f: {  	_ =	shalt  }
0x40: {  	_ =	shalt  }
0x41: {  	_ =	shalt  }
0x42: {  	_ =	shalt  }
0x43: {  	_ =	shalt  }
0x44: {  	_ =	shalt  }
0x45: {  	_ =	shalt  }
0x46: {  	_ =	shalt  }
0x47: {  	_ =	shalt  }
0x48: {  	_ =	shalt  }
0x49: {  	_ =	shalt  }
0x4a: {  	_ =	shalt  }
0x4b: {  	_ =	shalt  }
0x4c: {  	_ =	shalt  }
0x4d: {  	_ =	shalt  }
0x4e: {  	_ =	shalt  }
0x4f: {  	_ =	shalt  }
0x50: {  	_ =	shalt  }
0x51: {  	_ =	shalt  }
0x52: {  	_ =	shalt  }
0x53: {  	_ =	shalt  }
0x54: {  	_ =	shalt  }
0x55: {  	_ =	shalt  }
0x56: {  	_ =	shalt  }
0x57: {  	_ =	shalt  }
0x58: {  	_ =	shalt  }
0x59: {  	_ =	shalt  }
0x5a: {  	_ =	shalt  }
0x5b: {  	_ =	shalt  }
0x5c: {  	_ =	shalt  }
0x5d: {  	_ =	shalt  }
0x5e: {  	_ =	shalt  }
0x5f: {  	_ =	shalt  }
0x60: {  	_ =	shalt  }
0x61: {  	_ =	shalt  }
0x62: {  	_ =	shalt  }
0x63: {  	_ =	shalt  }
0x64: {  	_ =	shalt  }
0x65: {  	_ =	shalt  }
0x66: {  	_ =	shalt  }
0x67: {  	_ =	shalt  }
0x68: {  	_ =	shalt  }
0x69: {  	_ =	shalt  }
0x6a: {  	_ =	shalt  }
0x6b: {  	_ =	shalt  }
0x6c: {  	_ =	shalt  }
0x6d: {  	_ =	shalt  }
0x6e: {  	_ =	shalt  }
0x6f: {  	_ =	shalt  }
0x70: {  	_ =	shalt  }
0x71: {  	_ =	shalt  }
0x72: {  	_ =	shalt  }
0x73: {  	_ =	shalt  }
0x74: {  	_ =	shalt  }
0x75: {  	_ =	shalt  }
0x76: {  	_ =	shalt  }
0x77: {  	_ =	shalt  }
0x78: {  	_ =	shalt  }
0x79: {  	_ =	shalt  }
0x7a: {  	_ =	shalt  }
0x7b: {  	_ =	shalt  }
0x7c: {  	_ =	shalt  }
0x7d: {  	_ =	shalt  }
0x7e: {  	_ =	shalt  }
0x7f: {  	_ =	shalt  }
0x80: {  	_ =	shalt  }
0x81: {  	_ =	shalt  }
0x82: {  	_ =	shalt  }
0x83: {  	_ =	shalt  }
0x84: {  	_ =	shalt  }
0x85: {  	_ =	shalt  }
0x86: {  	_ =	shalt  }
0x87: {  	_ =	shalt  }
.Lfunc_end0:
.L_simem_size_0:
called_computation.1_lowered:
.L_overlay_start_0:
0x88: {  	s2 =	sld [smem:$0x3FD9]  }
0x89: {  	s3 =	sld [smem:$0x3FFE];
	_ =	sdelay $0x1  }
0x8a: {  	s1 =	srdreg.scid  }
0x8b: {  	s0 =	sand.u32 $0x1, s1  }
0x8c: {  	s17 =	sshll.u32 s0, $0xA;
	s2 =	sadd.s32 s3, s2  }
0x8d: {  	s2 =	sadd.s32 s2, s17  }
0x8e: {  	[smem:$0x3FC0] =	sst s2  }
0x8f: {  	_ = 	snop  }
0x90: {  	s2 =	sld [smem:$0x3FD0];
	(tm) =	ssettm $0x1  }
0x91: {  	s18 =	sld [smem:$0x3FFB];
	_ =	sdelay $0x3  }
0x92: {  	_ =	strace s18  }
0x93: {  	s3 =	sld [smem:$0x3FFC];
	_ =	sdelay $0x3  }
0x94: {  	_ =	strace s3  }
0x95: {  	s3 =	sld [smem:$0x3FFD];
	_ =	sdelay $0x3  }
0x96: {  	_ =	strace s3  }
0x97: {  	_ =	strace $0x8FFFFFFF  }
0x98: {  	s19 =	sld [smem:$0x3FDB];
	_ =	sdelay $0x1  }
0x99: {  	s4 =	simm.s32 $_scs_section_size  }
0x9a: {  	s5 =	simm.s32 $_size__tile_overlayer_lowered;
	s6 =	simm.s32 $_tile_overlayer_lowered  }
0x9b: {  	s22 =	simm.s32 $0x1BFF;
	s21 =	sshll.u32 s6, $0x1;
	s3 =	sadd.s32 s4, s19  }
0x9c: {  	s7 =	simm.s32 $0x0;
	s20 =	sshll.u32 s5, $0x1;
	s5 =	sadd.s32 s21, s3  }
0x9d: {  	[timem:s7], [sflag:s22] =	dma.local [hbm:s5], s20  }
0x9e: {  	_ =	swait.ge [sflag:s22], s20  }
0x9f: {  	s4 =	ssub.s32 $0x0, s20;
	[sflag:s22] =	ssyncset.done $0x0  }
0xa0: {  	[sflag:s22] =	ssyncadd.s32 s4;
	_ =	sdelay $0x1  }
0xa1: {  	s23 =	simm.s32 $0x1B8B  }
0xa2: {  	_ =	swait.ge [sflag:s23], $0x1  }
0xa3: {  	[sflag:s23] =	ssyncset.done $0x0  }
0xa4: {  	s25 =	simm.s32 $0x1B8E;
	s24 =	sld [smem:$0x3FFE];
	[sflag:s23] =	ssyncadd.s32 $0xFFFFFFFF  }
0xa5: {  	s26 =	simm.s32 $execute0_lowered;
	[smem:$0x3FD2] =	sst s25  }
0xa6: {  	s5 =	sshll.u32 s26, $0x1;
	_ =	strace $0x80000049;
	[dreg:$0x1] =	wrdreg $0xFFFFFFFF  }
0xa7: {  	s28 =	simm.s32 $_size_execute0_lowered;
	s3 =	sadd.s32 s3, s5;
	[dreg:$0x0] =	wrdreg $0x0  }
0xa8: {  	s5 =	sshll.u32 s28, $0x1;
	[dreg:$0x2] =	wrdreg s3  }
0xa9: {  	[dreg:$0x3] =	wrdreg s5  }
0xaa: {  	[dreg:$0x4] =	wrdreg $0xC0  }
0xab: {  	_ =	task [dreg:s7], $0x5FFFF  }
0xac: {  	[dreg:$0x1] =	wrdreg $0xFFFFFFFF  }
0xad: {  	[dreg:$0x0] =	wrdreg $0x60  }
0xae: {  	[dreg:$0x2] =	wrdreg s2  }
0xaf: {  	[dreg:$0x3] =	wrdreg s24  }
0xb0: {  	[dreg:$0x4] =	wrdreg $0xFD000  }
0xb1: {  	[dreg:$0x5] =	wrdreg $0x9  }
0xb2: {  	_ =	task.clear_ibuf [dreg:s7], $0x6FFFF;
	_ =	strace $0x90000049  }
0xb3: {  	s29 =	simm.s32 $0x9;
	_ =	strace $0x8000004B  }
0xb4: {  	_ =	swait.ge [sflag:s29], $0x1  }
0xb5: {  	[sflag:s29] =	ssyncadd.s32 $0xFFFFFFFF  }
0xb6: {  	_ =	strace $0x9000004B  }
0xb7: {  	_ =	sfence  }
0xb8: {  	s30 =	sld [smem:$0x0];
	_ =	sdelay $0x2  }
0xb9: {  	s31 =	sshll.u32 s1, $0xD;
	s1 =	sshrl.u32 s1, $0x2  }
0xba: {  	s3 =	sand.u32 $0x4000, s31;
	s1 =	sadd.s32 s1, s30  }
0xbb: {  	s0 =	sor.u32 s3, s0;
	s1 =	sshll.u32 s1, $0x11  }
0xbc: {  	s0 =	sor.u32 s1, s0  }
0xbd: {  	s0 =	sadd.s32 $0x8F2B, s0  }
0xbe: {  	[sflag:s0] =	ssyncadd.remote.s32 $0x1  }
0xbf: {  	_ =	sfence.sel $0xFFFF  }
0xc0: {  	[dreg:$0x0] =	wrdreg $0xFFFFFFFF;
	(pc) =	sbr.abs _section_cstart, $3  }
0xc1: {  	[dreg:$0x1] =	wrdreg $0xFFFFFFFF  }
0xc2: {  	_ =	task.clear_ibuf [dreg:s7], $0x2FFFF;
	_ =	strace $0x9FFFFFFF  }
0xc3: {  	(tm) =	ssettm $0x7FFFFFFF  }
tec
execute0_lowered:
.L_overlay_start_1:
0x0: {  	(tag) =	ssettag $0x1  }
0x1: {  	s0 =	rddreg [dreg:$0x0]  }
0x2: {  	s3 =	rddreg [dreg:$0x1]  }
0x3: {  	s1 =	rddreg [dreg:$0x2];
	s2 =	simm.s32 $0x0  }
0x4: {  	s6 =	srdreg.scid;
	s19 =	stileid.u32;
	s28 =	simm.s32 $0xC  }
0x5: {  	s29 =	simm.s32 $0x0;
	[smem:$0x7FF] =	sst s2;
	s4 =	sadd.s32 $0x2400, s3  }
0x6: {  	s5 =	sadd.s32 $0xC400, s3;
	s7 =	sadd.s32 $0x16400, s3;
	s6 =	sand.u32 $0x1, s6  }
0x7: {  	s3 =	sadd.s32 $0x20400, s3;
	s9 =	smul.u32 $0x9C, s19;
	s11 =	smin.u32 s19, $0x4  }
0x8: {  	s12 =	smul.u32 $0xA000, s19;
	p0 =	slt.u32 s19, $0x4;
	p2 =	sgt.u32 s19, $0x3  }
0x9: {  	_ =	strace $0x8000004A;
	s8 =	ssub.s32 $0x2, s6;
	p1 =	sne.s32 s6, $0x0  }
0xa: {  	s10 =	sshrl.u32 s8, $0x1;
	s9 =	sadd.s32 s11, s9;
	s11 =	sadd.s32 $0x8000, s12  }
0xb: {  	s14 =	sadd.s32 $0x4000, s12;
	s15 =	sadd.s32 $0x2000, s12;
	s18 =	sshrl.u32 s12, $0x4  }
0xc: {  	s8 =	ssub.s32 s8, s10;
	s10 =	smul.u32 $0x14000, s19;
	s9 =	sshll.u32 s9, $0x4  }
0xd: {  	s16 =	sshrl.u32 s14, $0x4;
	s17 =	sshrl.u32 s15, $0x4;
	s21 =	sadd.s32 s3, s18  }
0xe: {  	s23 =	sadd.s32 s7, s18;
	s18 =	sshrl.u32 s11, $0x1;
	s19 =	simm.s32 $0x4  }
0xf: {  	s20 =	sadd.s32 s0, s9;
	s0 =	sshrl.u32 s11, $0x4;
	[dreg:$0x5] =	wrdreg s21  }
0x10: {  	s9 =	sadd.s32 $0x6000, s12;
	s30 =	sadd.s32 s3, s17;
	[dreg:$0xa] =	wrdreg s23  }
0x11: {  	s31 =	sadd.s32 s3, s16;
	s24 =	sadd.s32 s7, s17;
	[dreg:$0x6] =	wrdreg s30  }
0x12: {  	s25 =	sadd.s32 s7, s16;
	s17 =	simm.s32 $0x9D;
	[dreg:$0x7] =	wrdreg s31  }
0x13: {  	s11 =	simm.s32 $0xED00;
	s13 =	sshrl.u32 s9, $0x4;
	[dreg:$0xb] =	wrdreg s24  }
0x14: {  	[dreg:$0xc] =	wrdreg s25;
	s30 =	sshrl.u32 s10, $0x2;
	s17 =	simm.s32 @!p0 $0x9C  }
0x15: {  	s31 =	sadd.s32 $0x9C40, s20;
	s10 =	sshrl.u32 s15, $0x1;
	[dreg:$0x4] =	wrdreg s20  }
0x16: {  	s15 =	sshrl.u32 s14, $0x1;
	s23 =	sadd.s32 $0x9C0, s20;
	[dreg:$0x10] =	wrdreg s31  }
0x17: {  	s16 =	sshrl.u32 s9, $0x1;
	s24 =	sadd.s32 $0xA600, s20;
	[dreg:$0x17] =	wrdreg s23  }
0x18: {  	s9 =	simm.s32 $0x80;
	s22 =	sadd.s32 s3, s13;
	[dreg:$0x18] =	wrdreg s24  }
0x19: {  	s14 =	simm.s32 $0xCD00;
	s3 =	sadd.s32 s3, s0;
	[dreg:$0x8] =	wrdreg s22  }
0x1a: {  	s20 =	simm.s32 $0x5;
	s26 =	sadd.s32 s7, s13;
	[dreg:$0x9] =	wrdreg s3  }
0x1b: {  	s0 =	sadd.s32 s7, s0;
	s7 =	sadd.s32 s30, s1;
	[dreg:$0xd] =	wrdreg s26  }
0x1c: {  	s13 =	sadd.s32 s10, s1;
	s21 =	sadd.s32 s16, s1;
	[dreg:$0xe] =	wrdreg s0  }
0x1d: {  	s10 =	simm.s32 $0xAD00;
	s16 =	simm.s32 $0x1;
	[dreg:$0x13] =	wrdreg s13  }
0x1e: {  	s24 =	simm.s32 $0x9;
	s3 =	sshrl.u32 s12, $0x1;
	[dreg:$0x15] =	wrdreg s21  }
0x1f: {  	s12 =	smax.u32 s8, $0x1;
	s22 =	sadd.s32 s18, s1;
	[dreg:$0xf] =	wrdreg s7  }
0x20: {  	s25 =	sadd.s32 $0x1000, s7;
	s26 =	sadd.s32 $0x2000, s7;
	[dreg:$0x11] =	wrdreg s12  }
0x21: {  	s30 =	sadd.s32 $0x3000, s7;
	s31 =	sadd.s32 $0x4000, s7;
	[dreg:$0x16] =	wrdreg s22  }
0x22: {  	s7 =	simm.s32 $0xD;
	s13 =	simm.s32 $0x2;
	[dreg:$0x19] =	wrdreg s25  }
.Ltmp0:
0x23: {  	s8 =	simm.s32 $0x3;
	[dreg:$0x1a] =	wrdreg s26;
	(pc) =	sbr.rel .LBB2_1-.Ltmp0, $4  }
0x24: {  	s21 =	simm.s32 $0x6;
	s0 =	sadd.s32 s3, s1;
	[dreg:$0x1b] =	wrdreg s30  }
0x25: {  	[dreg:$0x1c] =	wrdreg s31;
	s3 =	simm.s32 $0x9D00;
	s12 =	simm.s32 $0xBD00  }
0x26: {  	s25 =	simm.s32 $0xA;
	[dreg:$0x12] =	wrdreg s0;
	s0 =	sadd.s32 s15, s1  }
0x27: {  	v0 =	vimm.bf16 $0.0e+00;
	s26 =	simm.s32 $0xB;
	s15 =	simm.s32 $0xDD00;
	[dreg:$0x14] =	wrdreg s0  }
.LBB2_10:
0x28: {  	_ =	swait.ge [sflag:s16], $0x1000  }
0x29: {  	[sflag:s16] =	ssyncset.done $0x0  }
0x2a: {  	s22 =	simm.s32 $0x9C80;
	[sflag:s16] =	ssyncadd.s32 $0xFFFFF000  }
0x2b: {  	[spmem:s1] =	stream.indirect.scatter.add.bf16 [tilespmem:s3], [sflag:$0x7], $0x20, s22, s9, $0xb8;
	[tilespmem:$0x14D00] =	vst v63  }
.LBB2_11:
0x2c: {  	s22 =	simm.s32 $0x7  }
0x2d: {  	_ =	swait.ge [sflag:s22], $0x1000  }
0x2e: {  	[sflag:s22] =	ssyncset.done $0x0  }
0x2f: {  	s23 =	simm.s32 $0x8;
	[sflag:s22] =	ssyncadd.s32 $0xFFFFF000  }
0x30: {  	_ =	swait.ge [sflag:s23], $0x1000  }
0x31: {  	[sflag:s23] =	ssyncset.done $0x0  }
0x32: {  	[sflag:s23] =	ssyncadd.s32 $0xFFFFF000  }
0x33: {  	_ =	swait.ge [sflag:s24], $0x1000  }
0x34: {  	[sflag:s24] =	ssyncset.done $0x0  }
0x35: {  	[sflag:s24] =	ssyncadd.s32 $0xFFFFF000  }
0x36: {  	_ =	swait.ge [sflag:s25], $0x1000  }
0x37: {  	[sflag:s25] =	ssyncset.done $0x0  }
0x38: {  	[sflag:s25] =	ssyncadd.s32 $0xFFFFF000  }
0x39: {  	_ =	swait.ge [sflag:s26], $0x1000  }
0x3a: {  	[sflag:s26] =	ssyncset.done $0x0  }
0x3b: {  	[sflag:s26] =	ssyncadd.s32 $0xFFFFF000  }
0x3c: {  	_ =	swait.ge [sflag:s28], $0x1000  }
0x3d: {  	[sflag:s28] =	ssyncset.done $0x0  }
0x3e: {  	[sflag:s28] =	ssyncadd.s32 $0xFFFFF000  }
0x3f: {  	[bflag:$0x0] =	sbarrier.arrive $0xFFFF  }
0x40: {  	s23 =	rddreg [dreg:$0x12]  }
0x41: {  	[tilespmem:s3], [sflag:$0xD] =	stream.linear.gather [spmem:s23], $0x1000, $0x38;
	[tilespmem:$0x14D00] =	vst v63  }
0x42: {  	_ =	swait.ge [sflag:s7], $0x1000  }
0x43: {  	[sflag:s7] =	ssyncset.done $0x0  }
0x44: {  	[sflag:s7] =	ssyncadd.s32 $0xFFFFF000  }
0x45: {  	[hbm4b:s18+s2] =	stream.linear.scatter [tilespmem:s3], [sflag:$0xD], $0x1000, $0x38;
	[tilespmem:$0x14D00] =	vst v63  }
0x46: {  	_ =	swait.ge [sflag:s7], $0x1000  }
0x47: {  	[sflag:s7] =	ssyncset.done $0x0  }
0x48: {  	s23 =	rddreg [dreg:$0x13];
	[sflag:s7] =	ssyncadd.s32 $0xFFFFF000  }
0x49: {  	[tilespmem:s3], [sflag:$0xD] =	stream.linear.gather [spmem:s23], $0x1000, $0x38;
	[tilespmem:$0x14D00] =	vst v63  }
0x4a: {  	_ =	swait.ge [sflag:s7], $0x1000  }
0x4b: {  	[sflag:s7] =	ssyncset.done $0x0  }
0x4c: {  	[sflag:s7] =	ssyncadd.s32 $0xFFFFF000  }
0x4d: {  	[hbm4b:s31+s2] =	stream.linear.scatter [tilespmem:s3], [sflag:$0xD], $0x1000, $0x38;
	[tilespmem:$0x14D00] =	vst v63  }
0x4e: {  	_ =	swait.ge [sflag:s7], $0x1000  }
0x4f: {  	[sflag:s7] =	ssyncset.done $0x0  }
0x50: {  	s22 =	rddreg [dreg:$0x14];
	[sflag:s7] =	ssyncadd.s32 $0xFFFFF000  }
0x51: {  	[tilespmem:s3], [sflag:$0xD] =	stream.linear.gather [spmem:s22], $0x1000, $0x38;
	[tilespmem:$0x14D00] =	vst v63  }
0x52: {  	_ =	swait.ge [sflag:s7], $0x1000  }
0x53: {  	[sflag:s7] =	ssyncset.done $0x0  }
0x54: {  	[sflag:s7] =	ssyncadd.s32 $0xFFFFF000  }
0x55: {  	[hbm4b:s30+s2] =	stream.linear.scatter [tilespmem:s3], [sflag:$0xD], $0x1000, $0x38;
	[tilespmem:$0x14D00] =	vst v63  }
0x56: {  	_ =	swait.ge [sflag:s7], $0x1000  }
0x57: {  	[sflag:s7] =	ssyncset.done $0x0  }
0x58: {  	s23 =	rddreg [dreg:$0x15];
	[sflag:s7] =	ssyncadd.s32 $0xFFFFF000  }
0x59: {  	[tilespmem:s3], [sflag:$0xD] =	stream.linear.gather [spmem:s23], $0x1000, $0x38;
	[tilespmem:$0x14D00] =	vst v63  }
0x5a: {  	_ =	swait.ge [sflag:s7], $0x1000  }
0x5b: {  	[sflag:s7] =	ssyncset.done $0x0  }
0x5c: {  	[sflag:s7] =	ssyncadd.s32 $0xFFFFF000  }
0x5d: {  	[hbm4b:s6+s2] =	stream.linear.scatter [tilespmem:s3], [sflag:$0xD], $0x1000, $0x38;
	[tilespmem:$0x14D00] =	vst v63  }
0x5e: {  	_ =	swait.ge [sflag:s7], $0x1000  }
0x5f: {  	[sflag:s7] =	ssyncset.done $0x0  }
0x60: {  	s30 =	rddreg [dreg:$0x16];
	[sflag:s7] =	ssyncadd.s32 $0xFFFFF000  }
0x61: {  	[tilespmem:s3], [sflag:$0xD] =	stream.linear.gather [spmem:s30], $0x1000, $0x38;
	[tilespmem:$0x14D00] =	vst v63  }
0x62: {  	_ =	swait.ge [sflag:s7], $0x1000  }
0x63: {  	[sflag:s7] =	ssyncset.done $0x0  }
0x64: {  	[sflag:s7] =	ssyncadd.s32 $0xFFFFF000  }
0x65: {  	[hbm4b:s0+s2] =	stream.linear.scatter [tilespmem:s3], [sflag:$0xD], $0x1000, $0x38;
	[tilespmem:$0x14D00] =	vst v63  }
0x66: {  	_ =	swait.ge [sflag:s7], $0x1000  }
0x67: {  	s29 =	sadd.s32 $0x1, s29;
	s31 =	rddreg [dreg:$0x11]  }
0x68: {  	p3 =	sne.s32 s29, s31  }
.Ltmp1:
0x69: {  	_ = 	snop;
	(pc) =	sbr.rel @!p3 .LBB2_12-.Ltmp1, $3  }
0x6a: {  	_ =	sdelay $0x1  }
0x6b: {  	[sflag:s7] =	ssyncset.done $0x0  }
0x6c: {  	[sflag:s7] =	ssyncadd.s32 $0xFFFFF000  }
.LBB2_1:
0x6d: {  	s0 =	sand.u32 $0x3F80, s2;
	s6 =	sand.u32 $0x20, s2  }
0x6e: {  	s0 =	sshrl.u32 s0, $0x2;
	s6 =	sshrl.u32 s6, $0x1  }
0x6f: {  	s6 =	sor.u32 s6, s0  }
0x70: {  	s0 =	simm.s32 $0x40;
	[tilespmem:s6+$0x9D00] =	vst v0;
	s6 =	simm.s32 $0x0  }
.LBB2_2:
0x71: {  	p3 =	sne.s32 s0, $0x3FC0  }
.Ltmp2:
0x72: {  	s18 =	sand.u32 $0x3F80, s0;
	s6 =	sadd.s32 $0x20, s6;
	(pc) =	sbr.rel @p3 .LBB2_2-.Ltmp2, $4  }
0x73: {  	s0 =	sadd.s32 $0x40, s0;
	s30 =	sand.u32 $0x20, s6  }
0x74: {  	s18 =	sshrl.u32 s18, $0x2;
	s30 =	sshrl.u32 s30, $0x1  }
0x75: {  	s18 =	sor.u32 s30, s18  }
0x76: {  	[tilespmem:s18+$0x9D00] =	vst v0  }
0x77: {  	s0 =	rddreg [dreg:$0xf]  }
0x78: {  	[spmem:s0] =	stream.linear.scatter [tilespmem:s3], [sflag:$0xD], $0x1000, $0x38;
	[tilespmem:$0x14D00] =	vst v63  }
0x79: {  	_ =	swait.ge [sflag:s7], $0x1000  }
0x7a: {  	[sflag:s7] =	ssyncset.done $0x0  }
0x7b: {  	s6 =	rddreg [dreg:$0x19];
	[sflag:s7] =	ssyncadd.s32 $0xFFFFF000  }
0x7c: {  	[spmem:s6] =	stream.linear.scatter [tilespmem:s3], [sflag:$0xD], $0x1000, $0x38;
	[tilespmem:$0x14D00] =	vst v63  }
0x7d: {  	_ =	swait.ge [sflag:s7], $0x1000  }
0x7e: {  	[sflag:s7] =	ssyncset.done $0x0  }
0x7f: {  	s18 =	rddreg [dreg:$0x1a];
	[sflag:s7] =	ssyncadd.s32 $0xFFFFF000  }
0x80: {  	[spmem:s18] =	stream.linear.scatter [tilespmem:s3], [sflag:$0xD], $0x1000, $0x38;
	[tilespmem:$0x14D00] =	vst v63  }
0x81: {  	_ =	swait.ge [sflag:s7], $0x1000  }
0x82: {  	[sflag:s7] =	ssyncset.done $0x0  }
0x83: {  	s22 =	rddreg [dreg:$0x1b];
	[sflag:s7] =	ssyncadd.s32 $0xFFFFF000  }
0x84: {  	[spmem:s22] =	stream.linear.scatter [tilespmem:s3], [sflag:$0xD], $0x1000, $0x38;
	[tilespmem:$0x14D00] =	vst v63  }
0x85: {  	_ =	swait.ge [sflag:s7], $0x1000  }
0x86: {  	[sflag:s7] =	ssyncset.done $0x0  }
0x87: {  	s23 =	rddreg [dreg:$0x1c];
	[sflag:s7] =	ssyncadd.s32 $0xFFFFF000  }
0x88: {  	[spmem:s23] =	stream.linear.scatter [tilespmem:s3], [sflag:$0xD], $0x1000, $0x38;
	[tilespmem:$0x14D00] =	vst v63  }
0x89: {  	_ =	swait.ge [sflag:s7], $0x1000  }
0x8a: {  	[sflag:s7] =	ssyncset.done $0x0  }
0x8b: {  	[sflag:s7] =	ssyncadd.s32 $0xFFFFF000  }
0x8c: {  	[bflag:$0x0] =	sbarrier.arrive $0xFFFF  }
0x8d: {  	s30 =	rddreg [dreg:$0x4]  }
0x8e: {  	[tilespmem:s2], [sflag:$0xD] =	stream.linear.gather [hbm4b:s30+s2], $0x4E00, $0x38;
	[tilespmem:$0x14D00] =	vst v63  }
0x8f: {  	_ =	swait.ge [sflag:s7], $0x4E00  }
0x90: {  	[sflag:s7] =	ssyncset.done $0x0  }
0x91: {  	s6 =	simm.s32 $0x4E80;
	s31 =	rddreg [dreg:$0x10];
	[sflag:s7] =	ssyncadd.s32 $0xFFFFB200  }
0x92: {  	[tilespmem:s6], [sflag:$0xD] =	stream.linear.gather [hbm4b:s31+s2], $0x4E00, $0x38;
	[tilespmem:$0x14D00] =	vst v63  }
0x93: {  	_ =	swait.ge [sflag:s7], $0x4E00  }
0x94: {  	s0 =	simm.s32 @!p2 $0x0;
	[sflag:s7] =	ssyncset.done $0x0  }
0x95: {  	s6 =	simm.s32 @!p2 $0x4E00;
	s18 =	rddreg [dreg:$0x17];
	[sflag:s7] =	ssyncadd.s32 $0xFFFFB200  }
0x96: {  	[tilespmem:s6], [sflag:$0xD] =	stream.linear.gather @!p2 [hbm4b:s18+s0], $0x80, $0x38;
	[tilespmem:$0x14D00] =	vst v63  }
0x97: {  	s6 =	simm.s32 @!p2 $0xD  }
0x98: {  	_ =	swait.ge @!p2 [sflag:s6], $0x80  }
0x99: {  	s18 =	simm.s32 @!p2 $0x9C80;
	[sflag:s6] =	ssyncset.done @!p2 $0x0  }
.Ltmp3:
0x9a: {  	s22 =	rddreg [dreg:$0x18];
	[sflag:s6] =	ssyncadd.s32 @!p2 $0xFFFFFF80;
	(pc) =	sbr.rel @p1 .LBB2_7-.Ltmp3, $4  }
0x9b: {  	[tilespmem:s18], [sflag:$0xD] =	stream.linear.gather @!p2 [hbm4b:s22+s0], $0x80, $0x38;
	[tilespmem:$0x14D00] =	vst v63  }
0x9c: {  	_ =	swait.ge @!p2 [sflag:s6], $0x80  }
0x9d: {  	[sflag:s6] =	ssyncset.done @!p2 $0x0  }
0x9e: {  	s0 =	simm.s32 $0x0;
	[sflag:s6] =	ssyncadd.s32 @!p2 $0xFFFFFF80  }
0x9f: {  	[tilespmem:s3], [sflag:$0x1] =	stream.indirect.gather [hbm4b:s4+s9], $0x20, s0, s9, $0xb8;
	[tilespmem:$0x14D00] =	vst v63  }
0xa0: {  	_ = 	snop  }
0xa1: {  	[tilespmem:s10], [sflag:$0x2] =	stream.indirect.gather [hbm4b:s4+s9], $0x20, s9, s9, $0xb8;
	[tilespmem:$0x14D00] =	vst v63  }
0xa2: {  	s23 =	simm.s32 $0x100  }
0xa3: {  	[tilespmem:s12], [sflag:$0x3] =	stream.indirect.gather [hbm4b:s4+s9], $0x20, s23, s9, $0xb8;
	[tilespmem:$0x14D00] =	vst v63  }
0xa4: {  	s6 =	simm.s32 $0x180  }
0xa5: {  	[tilespmem:s14], [sflag:$0x4] =	stream.indirect.gather [hbm4b:s4+s9], $0x20, s6, s9, $0xb8;
	[tilespmem:$0x14D00] =	vst v63  }
0xa6: {  	s18 =	simm.s32 $0x200  }
0xa7: {  	[tilespmem:s15], [sflag:$0x5] =	stream.indirect.gather [hbm4b:s4+s9], $0x20, s18, s9, $0xb8;
	[tilespmem:$0x14D00] =	vst v63  }
0xa8: {  	_ =	swait.ge [sflag:s16], $0x1000  }
0xa9: {  	p3 =	por $0x1, $0x1;
	[sflag:s16] =	ssyncset.done $0x0  }
0xaa: {  	s0 =	simm.s32 @!p3 $0xC;
	[sflag:s16] =	ssyncadd.s32 $0xFFFFF000  }
0xab: {  	_ =	swait.ge @!p3 [sflag:s0], $0x1000  }
0xac: {  	[sflag:s0] =	ssyncset.done @!p3 $0x0  }
0xad: {  	s22 =	simm.s32 $0x280;
	[sflag:s0] =	ssyncadd.s32 @!p3 $0xFFFFF000  }
0xae: {  	[tilespmem:s11], [sflag:$0x6] =	stream.indirect.gather [hbm4b:s4+s9], $0x20, s22, s9, $0xb8;
	[tilespmem:$0x14D00] =	vst v63  }
0xaf: {  	s23 =	simm.s32 $0x4E80  }
0xb0: {  	[spmem:s1] =	stream.indirect.scatter.add.bf16 [tilespmem:s3], [sflag:$0x7], $0x20, s23, s9, $0xb8;
	[tilespmem:$0x14D00] =	vst v63  }
0xb1: {  	_ =	swait.ge [sflag:s13], $0x1000  }
0xb2: {  	p3 =	sle.u32 s17, $0x6;
	[sflag:s13] =	ssyncset.done $0x0  }
0xb3: {  	s0 =	simm.s32 @!p3 $0x7;
	[sflag:s13] =	ssyncadd.s32 $0xFFFFF000  }
0xb4: {  	_ =	swait.ge @!p3 [sflag:s0], $0x1000  }
0xb5: {  	s6 =	simm.s32 @!p3 $0x300;
	[sflag:s0] =	ssyncset.done @!p3 $0x0  }
0xb6: {  	s18 =	simm.s32 @!p3 $0x9D00;
	[sflag:s0] =	ssyncadd.s32 @!p3 $0xFFFFF000;
	s0 =	simm.s32 @!p3 $0x80  }
0xb7: {  	[tilespmem:s18], [sflag:$0x1] =	stream.indirect.gather @!p3 [hbm4b:s4+s0], $0x20, s6, s0, $0xb8;
	[tilespmem:$0x14D00] =	vst v63  }
0xb8: {  	s6 =	simm.s32 $0x4F00  }
0xb9: {  	[spmem:s1] =	stream.indirect.scatter.add.bf16 [tilespmem:s10], [sflag:$0x8], $0x20, s6, s9, $0xb8;
	[tilespmem:$0x14D00] =	vst v63  }
0xba: {  	_ =	swait.ge [sflag:s8], $0x1000  }
0xbb: {  	p3 =	sle.u32 s17, $0x7;
	[sflag:s8] =	ssyncset.done $0x0  }
0xbc: {  	s0 =	simm.s32 @!p3 $0x8;
	[sflag:s8] =	ssyncadd.s32 $0xFFFFF000  }
0xbd: {  	_ =	swait.ge @!p3 [sflag:s0], $0x1000  }
0xbe: {  	s18 =	simm.s32 @!p3 $0xAD00;
	[sflag:s0] =	ssyncset.done @!p3 $0x0  }
0xbf: {  	s6 =	simm.s32 @!p3 $0x380;
	[sflag:s0] =	ssyncadd.s32 @!p3 $0xFFFFF000;
	s0 =	simm.s32 @!p3 $0x80  }
0xc0: {  	[tilespmem:s18], [sflag:$0x2] =	stream.indirect.gather @!p3 [hbm4b:s4+s0], $0x20, s6, s0, $0xb8;
	[tilespmem:$0x14D00] =	vst v63  }
0xc1: {  	s18 =	simm.s32 $0x4F80  }
0xc2: {  	[spmem:s1] =	stream.indirect.scatter.add.bf16 [tilespmem:s12], [sflag:$0x9], $0x20, s18, s9, $0xb8;
	[tilespmem:$0x14D00] =	vst v63  }
0xc3: {  	_ =	swait.ge [sflag:s19], $0x1000  }
0xc4: {  	p3 =	sle.u32 s17, $0x8;
	[sflag:s19] =	ssyncset.done $0x0  }
0xc5: {  	s0 =	simm.s32 @!p3 $0x9;
	[sflag:s19] =	ssyncadd.s32 $0xFFFFF000  }
0xc6: {  	_ =	swait.ge @!p3 [sflag:s0], $0x1000  }
0xc7: {  	s6 =	simm.s32 @!p3 $0x400;
	[sflag:s0] =	ssyncset.done @!p3 $0x0  }
0xc8: {  	s18 =	simm.s32 @!p3 $0xBD00;
	[sflag:s0] =	ssyncadd.s32 @!p3 $0xFFFFF000;
	s0 =	simm.s32 @!p3 $0x80  }
0xc9: {  	[tilespmem:s18], [sflag:$0x3] =	stream.indirect.gather @!p3 [hbm4b:s4+s0], $0x20, s6, s0, $0xb8;
	[tilespmem:$0x14D00] =	vst v63  }
0xca: {  	s22 =	simm.s32 $0x5000  }
0xcb: {  	[spmem:s1] =	stream.indirect.scatter.add.bf16 [tilespmem:s14], [sflag:$0xA], $0x20, s22, s9, $0xb8;
	[tilespmem:$0x14D00] =	vst v63  }
0xcc: {  	_ =	swait.ge [sflag:s20], $0x1000  }
0xcd: {  	p3 =	sle.u32 s17, $0x9;
	[sflag:s20] =	ssyncset.done $0x0  }
0xce: {  	s0 =	simm.s32 @!p3 $0xA;
	[sflag:s20] =	ssyncadd.s32 $0xFFFFF000  }
0xcf: {  	_ =	swait.ge @!p3 [sflag:s0], $0x1000  }
0xd0: {  	s6 =	simm.s32 @!p3 $0xCD00;
	[sflag:s0] =	ssyncset.done @!p3 $0x0  }
0xd1: {  	s18 =	simm.s32 @!p3 $0x80;
	[sflag:s0] =	ssyncadd.s32 @!p3 $0xFFFFF000;
	s0 =	simm.s32 @!p3 $0x480  }
0xd2: {  	[tilespmem:s6], [sflag:$0x4] =	stream.indirect.gather @!p3 [hbm4b:s4+s18], $0x20, s0, s18, $0xb8;
	[tilespmem:$0x14D00] =	vst v63  }
0xd3: {  	s23 =	simm.s32 $0x5080  }
0xd4: {  	[spmem:s1] =	stream.indirect.scatter.add.bf16 [tilespmem:s15], [sflag:$0xB], $0x20, s23, s9, $0xb8;
	[tilespmem:$0x14D00] =	vst v63  }
0xd5: {  	_ =	swait.ge [sflag:s21], $0x1000  }
0xd6: {  	p3 =	sle.u32 s17, $0xA;
	[sflag:s21] =	ssyncset.done $0x0  }
0xd7: {  	s0 =	simm.s32 @!p3 $0xB;
	[sflag:s21] =	ssyncadd.s32 $0xFFFFF000  }
0xd8: {  	_ =	swait.ge @!p3 [sflag:s0], $0x1000  }
0xd9: {  	s6 =	simm.s32 @!p3 $0x500;
	[sflag:s0] =	ssyncset.done @!p3 $0x0  }
0xda: {  	s18 =	simm.s32 @!p3 $0xDD00;
	[sflag:s0] =	ssyncadd.s32 @!p3 $0xFFFFF000;
	s0 =	simm.s32 @!p3 $0x80  }
0xdb: {  	[tilespmem:s18], [sflag:$0x5] =	stream.indirect.gather @!p3 [hbm4b:s4+s0], $0x20, s6, s0, $0xb8;
	[tilespmem:$0x14D00] =	vst v63  }
0xdc: {  	s30 =	simm.s32 $0xC00;
	s31 =	simm.s32 $0x10;
	s0 =	simm.s32 $0x5100  }
.LBB2_5:
0xdd: {  	[spmem:s1] =	stream.indirect.scatter.add.bf16 [tilespmem:s11], [sflag:$0xC], $0x20, s0, s9, $0xb8;
	[tilespmem:$0x14D00] =	vst v63  }
0xde: {  	s0 =	smov.u32 s30;
	s30 =	sadd.s32 $0xC00, s30;
	_ =	swait.ge [sflag:s16], $0x1000  }
0xdf: {  	p4 =	seq.s32 s0, $0x0;
	p3 =	sne.s32 s30, $0x13800;
	[sflag:s16] =	ssyncset.done $0x0  }
0xe0: {  	s18 =	simm.s32 @!p4 $0xC;
	[sflag:s16] =	ssyncadd.s32 $0xFFFFF000  }
0xe1: {  	_ =	swait.ge @!p4 [sflag:s18], $0x1000  }
0xe2: {  	s6 =	sshra.s32 s0, $0x2;
	[sflag:s18] =	ssyncset.done @!p4 $0x0  }
0xe3: {  	[sflag:s18] =	ssyncadd.s32 @!p4 $0xFFFFF000;
	s18 =	sadd.s32 $0x280, s6  }
0xe4: {  	[tilespmem:s11], [sflag:$0x6] =	stream.indirect.gather [hbm4b:s4+s9], $0x20, s18, s9, $0xb8;
	[tilespmem:$0x14D00] =	vst v63  }
0xe5: {  	s18 =	sadd.s32 $0x4E80, s6  }
0xe6: {  	[spmem:s1] =	stream.indirect.scatter.add.bf16 [tilespmem:s3], [sflag:$0x7], $0x20, s18, s9, $0xb8;
	[tilespmem:$0x14D00] =	vst v63  }
0xe7: {  	s18 =	sadd.s32 $0xFFFFFFFC, s31;
	_ =	swait.ge [sflag:s13], $0x1000  }
0xe8: {  	p4 =	sge.u32 s18, s17;
	[sflag:s13] =	ssyncset.done $0x0  }
0xe9: {  	s18 =	simm.s32 @!p4 $0x7;
	s22 =	sshra.s32 @!p4 s0, $0x2;
	[sflag:s13] =	ssyncadd.s32 $0xFFFFF000  }
0xea: {  	s22 =	sadd.s32 @!p4 $0x300, s22;
	_ =	swait.ge @!p4 [sflag:s18], $0x1000  }
0xeb: {  	[sflag:s18] =	ssyncset.done @!p4 $0x0  }
0xec: {  	s23 =	simm.s32 @!p4 $0x9D00;
	[sflag:s18] =	ssyncadd.s32 @!p4 $0xFFFFF000;
	s18 =	simm.s32 @!p4 $0x80  }
0xed: {  	[tilespmem:s23], [sflag:$0x1] =	stream.indirect.gather @!p4 [hbm4b:s4+s18], $0x20, s22, s18, $0xb8;
	[tilespmem:$0x14D00] =	vst v63  }
0xee: {  	s18 =	sadd.s32 $0x4F00, s6  }
0xef: {  	[spmem:s1] =	stream.indirect.scatter.add.bf16 [tilespmem:s10], [sflag:$0x8], $0x20, s18, s9, $0xb8;
	[tilespmem:$0x14D00] =	vst v63  }
0xf0: {  	s18 =	sadd.s32 $0xFFFFFFFD, s31;
	_ =	swait.ge [sflag:s8], $0x1000  }
0xf1: {  	p4 =	sge.u32 s18, s17;
	[sflag:s8] =	ssyncset.done $0x0  }
0xf2: {  	s18 =	simm.s32 @!p4 $0x8;
	s22 =	sshra.s32 @!p4 s0, $0x2;
	[sflag:s8] =	ssyncadd.s32 $0xFFFFF000  }
0xf3: {  	s22 =	sadd.s32 @!p4 $0x380, s22;
	_ =	swait.ge @!p4 [sflag:s18], $0x1000  }
0xf4: {  	[sflag:s18] =	ssyncset.done @!p4 $0x0  }
0xf5: {  	s23 =	simm.s32 @!p4 $0xAD00;
	[sflag:s18] =	ssyncadd.s32 @!p4 $0xFFFFF000;
	s18 =	simm.s32 @!p4 $0x80  }
0xf6: {  	[tilespmem:s23], [sflag:$0x2] =	stream.indirect.gather @!p4 [hbm4b:s4+s18], $0x20, s22, s18, $0xb8;
	[tilespmem:$0x14D00] =	vst v63  }
0xf7: {  	s18 =	sadd.s32 $0x4F80, s6  }
0xf8: {  	[spmem:s1] =	stream.indirect.scatter.add.bf16 [tilespmem:s12], [sflag:$0x9], $0x20, s18, s9, $0xb8;
	[tilespmem:$0x14D00] =	vst v63  }
0xf9: {  	s18 =	sadd.s32 $0xFFFFFFFE, s31;
	_ =	swait.ge [sflag:s19], $0x1000  }
0xfa: {  	p4 =	sge.u32 s18, s17;
	[sflag:s19] =	ssyncset.done $0x0  }
0xfb: {  	s18 =	simm.s32 @!p4 $0x9;
	s22 =	sshra.s32 @!p4 s0, $0x2;
	[sflag:s19] =	ssyncadd.s32 $0xFFFFF000  }
0xfc: {  	s22 =	sadd.s32 @!p4 $0x400, s22;
	_ =	swait.ge @!p4 [sflag:s18], $0x1000  }
0xfd: {  	[sflag:s18] =	ssyncset.done @!p4 $0x0  }
0xfe: {  	s23 =	simm.s32 @!p4 $0xBD00;
	[sflag:s18] =	ssyncadd.s32 @!p4 $0xFFFFF000;
	s18 =	simm.s32 @!p4 $0x80  }
0xff: {  	[tilespmem:s23], [sflag:$0x3] =	stream.indirect.gather @!p4 [hbm4b:s4+s18], $0x20, s22, s18, $0xb8;
	[tilespmem:$0x14D00] =	vst v63  }
0x100: {  	s18 =	sadd.s32 $0x5000, s6  }
0x101: {  	[spmem:s1] =	stream.indirect.scatter.add.bf16 [tilespmem:s14], [sflag:$0xA], $0x20, s18, s9, $0xb8;
	[tilespmem:$0x14D00] =	vst v63  }
0x102: {  	s18 =	sadd.s32 $0xFFFFFFFF, s31;
	_ =	swait.ge [sflag:s20], $0x1000  }
0x103: {  	p4 =	sge.u32 s18, s17;
	[sflag:s20] =	ssyncset.done $0x0  }
0x104: {  	s18 =	simm.s32 @!p4 $0xA;
	[sflag:s20] =	ssyncadd.s32 $0xFFFFF000  }
0x105: {  	_ =	swait.ge @!p4 [sflag:s18], $0x1000  }
0x106: {  	s22 =	sshra.s32 @!p4 s0, $0x2;
	s23 =	simm.s32 @!p4 $0xCD00;
	[sflag:s18] =	ssyncset.done @!p4 $0x0  }
0x107: {  	[sflag:s18] =	ssyncadd.s32 @!p4 $0xFFFFF000;
	s18 =	sadd.s32 @!p4 $0x480, s22;
	s22 =	simm.s32 @!p4 $0x80  }
0x108: {  	[tilespmem:s23], [sflag:$0x4] =	stream.indirect.gather @!p4 [hbm4b:s4+s22], $0x20, s18, s22, $0xb8;
	[tilespmem:$0x14D00] =	vst v63  }
0x109: {  	s18 =	sadd.s32 $0x5080, s6  }
0x10a: {  	[spmem:s1] =	stream.indirect.scatter.add.bf16 [tilespmem:s15], [sflag:$0xB], $0x20, s18, s9, $0xb8;
	[tilespmem:$0x14D00] =	vst v63  }
0x10b: {  	_ =	swait.ge [sflag:s21], $0x1000  }
0x10c: {  	p4 =	sge.u32 s31, s17;
	[sflag:s21] =	ssyncset.done $0x0  }
0x10d: {  	s0 =	sshra.s32 @!p4 s0, $0x2;
	s18 =	simm.s32 @!p4 $0xB;
	[sflag:s21] =	ssyncadd.s32 $0xFFFFF000  }
.Ltmp4:
0x10e: {  	s0 =	sadd.s32 @!p4 $0x500, s0;
	_ =	swait.ge @!p4 [sflag:s18], $0x1000;
	(pc) =	sbr.rel @p3 .LBB2_5-.Ltmp4, $4  }
0x10f: {  	[sflag:s18] =	ssyncset.done @!p4 $0x0  }
0x110: {  	s22 =	simm.s32 @!p4 $0xDD00;
	[sflag:s18] =	ssyncadd.s32 @!p4 $0xFFFFF000;
	s18 =	simm.s32 @!p4 $0x80  }
0x111: {  	[tilespmem:s22], [sflag:$0x5] =	stream.indirect.gather @!p4 [hbm4b:s4+s18], $0x20, s0, s18, $0xb8;
	[tilespmem:$0x14D00] =	vst v63  }
0x112: {  	s31 =	sadd.s32 $0x6, s31;
	s0 =	sadd.s32 $0x5100, s6  }
0x113: {  	[spmem:s1] =	stream.indirect.scatter.add.bf16 [tilespmem:s11], [sflag:$0xC], $0x20, s0, s9, $0xb8;
	[tilespmem:$0x14D00] =	vst v63  }
.Ltmp5:
0x114: {  	s18 =	rddreg [dreg:$0xa];
	(pc) =	sbr.rel @p0 .LBB2_10-.Ltmp5, $4  }
.Ltmp6:
0x115: {  	s31 =	rddreg [dreg:$0xb];
	(pc) =	sbr.rel @!p0 .LBB2_11-.Ltmp6, $4  }
0x116: {  	s30 =	rddreg [dreg:$0xc]  }
0x117: {  	s6 =	rddreg [dreg:$0xd]  }
0x118: {  	s0 =	rddreg [dreg:$0xe]  }
0x119: {  	_ = 	snop  }
.LBB2_7:
0x11a: {  	[tilespmem:s3], [sflag:$0x1] =	stream.indirect.gather [hbm4b:s5+s9], $0x20, s0, s9, $0xb8;
	[tilespmem:$0x14D00] =	vst v63  }
0x11b: {  	_ = 	snop  }
0x11c: {  	[tilespmem:s10], [sflag:$0x2] =	stream.indirect.gather [hbm4b:s5+s9], $0x20, s9, s9, $0xb8;
	[tilespmem:$0x14D00] =	vst v63  }
0x11d: {  	s23 =	simm.s32 $0x100  }
0x11e: {  	[tilespmem:s12], [sflag:$0x3] =	stream.indirect.gather [hbm4b:s5+s9], $0x20, s23, s9, $0xb8;
	[tilespmem:$0x14D00] =	vst v63  }
0x11f: {  	s6 =	simm.s32 $0x180  }
0x120: {  	[tilespmem:s14], [sflag:$0x4] =	stream.indirect.gather [hbm4b:s5+s9], $0x20, s6, s9, $0xb8;
	[tilespmem:$0x14D00] =	vst v63  }
0x121: {  	s18 =	simm.s32 $0x200  }
0x122: {  	[tilespmem:s15], [sflag:$0x5] =	stream.indirect.gather [hbm4b:s5+s9], $0x20, s18, s9, $0xb8;
	[tilespmem:$0x14D00] =	vst v63  }
0x123: {  	_ =	swait.ge [sflag:s16], $0x1000  }
0x124: {  	p3 =	por $0x1, $0x1;
	[sflag:s16] =	ssyncset.done $0x0  }
0x125: {  	s0 =	simm.s32 @!p3 $0xC;
	[sflag:s16] =	ssyncadd.s32 $0xFFFFF000  }
0x126: {  	_ =	swait.ge @!p3 [sflag:s0], $0x1000  }
0x127: {  	[sflag:s0] =	ssyncset.done @!p3 $0x0  }
0x128: {  	s22 =	simm.s32 $0x280;
	[sflag:s0] =	ssyncadd.s32 @!p3 $0xFFFFF000  }
0x129: {  	[tilespmem:s11], [sflag:$0x6] =	stream.indirect.gather [hbm4b:s5+s9], $0x20, s22, s9, $0xb8;
	[tilespmem:$0x14D00] =	vst v63  }
0x12a: {  	s23 =	simm.s32 $0x4E80  }
0x12b: {  	[spmem:s1] =	stream.indirect.scatter.add.bf16 [tilespmem:s3], [sflag:$0x7], $0x20, s23, s9, $0xb8;
	[tilespmem:$0x14D00] =	vst v63  }
0x12c: {  	_ =	swait.ge [sflag:s13], $0x1000  }
0x12d: {  	p3 =	sle.u32 s17, $0x6;
	[sflag:s13] =	ssyncset.done $0x0  }
0x12e: {  	s0 =	simm.s32 @!p3 $0x7;
	[sflag:s13] =	ssyncadd.s32 $0xFFFFF000  }
0x12f: {  	_ =	swait.ge @!p3 [sflag:s0], $0x1000  }
0x130: {  	s6 =	simm.s32 @!p3 $0x300;
	[sflag:s0] =	ssyncset.done @!p3 $0x0  }
0x131: {  	s18 =	simm.s32 @!p3 $0x9D00;
	[sflag:s0] =	ssyncadd.s32 @!p3 $0xFFFFF000;
	s0 =	simm.s32 @!p3 $0x80  }
0x132: {  	[tilespmem:s18], [sflag:$0x1] =	stream.indirect.gather @!p3 [hbm4b:s5+s0], $0x20, s6, s0, $0xb8;
	[tilespmem:$0x14D00] =	vst v63  }
0x133: {  	s6 =	simm.s32 $0x4F00  }
0x134: {  	[spmem:s1] =	stream.indirect.scatter.add.bf16 [tilespmem:s10], [sflag:$0x8], $0x20, s6, s9, $0xb8;
	[tilespmem:$0x14D00] =	vst v63  }
0x135: {  	_ =	swait.ge [sflag:s8], $0x1000  }
0x136: {  	p3 =	sle.u32 s17, $0x7;
	[sflag:s8] =	ssyncset.done $0x0  }
0x137: {  	s0 =	simm.s32 @!p3 $0x8;
	[sflag:s8] =	ssyncadd.s32 $0xFFFFF000  }
0x138: {  	_ =	swait.ge @!p3 [sflag:s0], $0x1000  }
0x139: {  	s18 =	simm.s32 @!p3 $0xAD00;
	[sflag:s0] =	ssyncset.done @!p3 $0x0  }
0x13a: {  	s6 =	simm.s32 @!p3 $0x380;
	[sflag:s0] =	ssyncadd.s32 @!p3 $0xFFFFF000;
	s0 =	simm.s32 @!p3 $0x80  }
0x13b: {  	[tilespmem:s18], [sflag:$0x2] =	stream.indirect.gather @!p3 [hbm4b:s5+s0], $0x20, s6, s0, $0xb8;
	[tilespmem:$0x14D00] =	vst v63  }
0x13c: {  	s18 =	simm.s32 $0x4F80  }
0x13d: {  	[spmem:s1] =	stream.indirect.scatter.add.bf16 [tilespmem:s12], [sflag:$0x9], $0x20, s18, s9, $0xb8;
	[tilespmem:$0x14D00] =	vst v63  }
0x13e: {  	_ =	swait.ge [sflag:s19], $0x1000  }
0x13f: {  	p3 =	sle.u32 s17, $0x8;
	[sflag:s19] =	ssyncset.done $0x0  }
0x140: {  	s0 =	simm.s32 @!p3 $0x9;
	[sflag:s19] =	ssyncadd.s32 $0xFFFFF000  }
0x141: {  	_ =	swait.ge @!p3 [sflag:s0], $0x1000  }
0x142: {  	s6 =	simm.s32 @!p3 $0x400;
	[sflag:s0] =	ssyncset.done @!p3 $0x0  }
0x143: {  	s18 =	simm.s32 @!p3 $0xBD00;
	[sflag:s0] =	ssyncadd.s32 @!p3 $0xFFFFF000;
	s0 =	simm.s32 @!p3 $0x80  }
0x144: {  	[tilespmem:s18], [sflag:$0x3] =	stream.indirect.gather @!p3 [hbm4b:s5+s0], $0x20, s6, s0, $0xb8;
	[tilespmem:$0x14D00] =	vst v63  }
0x145: {  	s22 =	simm.s32 $0x5000  }
0x146: {  	[spmem:s1] =	stream.indirect.scatter.add.bf16 [tilespmem:s14], [sflag:$0xA], $0x20, s22, s9, $0xb8;
	[tilespmem:$0x14D00] =	vst v63  }
0x147: {  	_ =	swait.ge [sflag:s20], $0x1000  }
0x148: {  	p3 =	sle.u32 s17, $0x9;
	[sflag:s20] =	ssyncset.done $0x0  }
0x149: {  	s0 =	simm.s32 @!p3 $0xA;
	[sflag:s20] =	ssyncadd.s32 $0xFFFFF000  }
0x14a: {  	_ =	swait.ge @!p3 [sflag:s0], $0x1000  }
0x14b: {  	s6 =	simm.s32 @!p3 $0xCD00;
	[sflag:s0] =	ssyncset.done @!p3 $0x0  }
0x14c: {  	s18 =	simm.s32 @!p3 $0x80;
	[sflag:s0] =	ssyncadd.s32 @!p3 $0xFFFFF000;
	s0 =	simm.s32 @!p3 $0x480  }
0x14d: {  	[tilespmem:s6], [sflag:$0x4] =	stream.indirect.gather @!p3 [hbm4b:s5+s18], $0x20, s0, s18, $0xb8;
	[tilespmem:$0x14D00] =	vst v63  }
0x14e: {  	s23 =	simm.s32 $0x5080  }
0x14f: {  	[spmem:s1] =	stream.indirect.scatter.add.bf16 [tilespmem:s15], [sflag:$0xB], $0x20, s23, s9, $0xb8;
	[tilespmem:$0x14D00] =	vst v63  }
0x150: {  	_ =	swait.ge [sflag:s21], $0x1000  }
0x151: {  	p3 =	sle.u32 s17, $0xA;
	[sflag:s21] =	ssyncset.done $0x0  }
0x152: {  	s0 =	simm.s32 @!p3 $0xB;
	[sflag:s21] =	ssyncadd.s32 $0xFFFFF000  }
0x153: {  	_ =	swait.ge @!p3 [sflag:s0], $0x1000  }
0x154: {  	s6 =	simm.s32 @!p3 $0x500;
	[sflag:s0] =	ssyncset.done @!p3 $0x0  }
0x155: {  	s18 =	simm.s32 @!p3 $0xDD00;
	[sflag:s0] =	ssyncadd.s32 @!p3 $0xFFFFF000;
	s0 =	simm.s32 @!p3 $0x80  }
0x156: {  	[tilespmem:s18], [sflag:$0x5] =	stream.indirect.gather @!p3 [hbm4b:s5+s0], $0x20, s6, s0, $0xb8;
	[tilespmem:$0x14D00] =	vst v63  }
0x157: {  	s30 =	simm.s32 $0xC00;
	s31 =	simm.s32 $0x10;
	s0 =	simm.s32 $0x5100  }
.LBB2_8:
0x158: {  	[spmem:s1] =	stream.indirect.scatter.add.bf16 [tilespmem:s11], [sflag:$0xC], $0x20, s0, s9, $0xb8;
	[tilespmem:$0x14D00] =	vst v63  }
0x159: {  	s0 =	smov.u32 s30;
	s30 =	sadd.s32 $0xC00, s30;
	_ =	swait.ge [sflag:s16], $0x1000  }
0x15a: {  	p4 =	seq.s32 s0, $0x0;
	p3 =	sne.s32 s30, $0x13800;
	[sflag:s16] =	ssyncset.done $0x0  }
0x15b: {  	s18 =	simm.s32 @!p4 $0xC;
	[sflag:s16] =	ssyncadd.s32 $0xFFFFF000  }
0x15c: {  	_ =	swait.ge @!p4 [sflag:s18], $0x1000  }
0x15d: {  	s6 =	sshra.s32 s0, $0x2;
	[sflag:s18] =	ssyncset.done @!p4 $0x0  }
0x15e: {  	[sflag:s18] =	ssyncadd.s32 @!p4 $0xFFFFF000;
	s18 =	sadd.s32 $0x280, s6  }
0x15f: {  	[tilespmem:s11], [sflag:$0x6] =	stream.indirect.gather [hbm4b:s5+s9], $0x20, s18, s9, $0xb8;
	[tilespmem:$0x14D00] =	vst v63  }
0x160: {  	s18 =	sadd.s32 $0x4E80, s6  }
0x161: {  	[spmem:s1] =	stream.indirect.scatter.add.bf16 [tilespmem:s3], [sflag:$0x7], $0x20, s18, s9, $0xb8;
	[tilespmem:$0x14D00] =	vst v63  }
0x162: {  	s18 =	sadd.s32 $0xFFFFFFFC, s31;
	_ =	swait.ge [sflag:s13], $0x1000  }
0x163: {  	p4 =	sge.u32 s18, s17;
	[sflag:s13] =	ssyncset.done $0x0  }
0x164: {  	s18 =	simm.s32 @!p4 $0x7;
	s22 =	sshra.s32 @!p4 s0, $0x2;
	[sflag:s13] =	ssyncadd.s32 $0xFFFFF000  }
0x165: {  	s22 =	sadd.s32 @!p4 $0x300, s22;
	_ =	swait.ge @!p4 [sflag:s18], $0x1000  }
0x166: {  	[sflag:s18] =	ssyncset.done @!p4 $0x0  }
0x167: {  	s23 =	simm.s32 @!p4 $0x9D00;
	[sflag:s18] =	ssyncadd.s32 @!p4 $0xFFFFF000;
	s18 =	simm.s32 @!p4 $0x80  }
0x168: {  	[tilespmem:s23], [sflag:$0x1] =	stream.indirect.gather @!p4 [hbm4b:s5+s18], $0x20, s22, s18, $0xb8;
	[tilespmem:$0x14D00] =	vst v63  }
0x169: {  	s18 =	sadd.s32 $0x4F00, s6  }
0x16a: {  	[spmem:s1] =	stream.indirect.scatter.add.bf16 [tilespmem:s10], [sflag:$0x8], $0x20, s18, s9, $0xb8;
	[tilespmem:$0x14D00] =	vst v63  }
0x16b: {  	s18 =	sadd.s32 $0xFFFFFFFD, s31;
	_ =	swait.ge [sflag:s8], $0x1000  }
0x16c: {  	p4 =	sge.u32 s18, s17;
	[sflag:s8] =	ssyncset.done $0x0  }
0x16d: {  	s18 =	simm.s32 @!p4 $0x8;
	s22 =	sshra.s32 @!p4 s0, $0x2;
	[sflag:s8] =	ssyncadd.s32 $0xFFFFF000  }
0x16e: {  	s22 =	sadd.s32 @!p4 $0x380, s22;
	_ =	swait.ge @!p4 [sflag:s18], $0x1000  }
0x16f: {  	[sflag:s18] =	ssyncset.done @!p4 $0x0  }
0x170: {  	s23 =	simm.s32 @!p4 $0xAD00;
	[sflag:s18] =	ssyncadd.s32 @!p4 $0xFFFFF000;
	s18 =	simm.s32 @!p4 $0x80  }
0x171: {  	[tilespmem:s23], [sflag:$0x2] =	stream.indirect.gather @!p4 [hbm4b:s5+s18], $0x20, s22, s18, $0xb8;
	[tilespmem:$0x14D00] =	vst v63  }
0x172: {  	s18 =	sadd.s32 $0x4F80, s6  }
0x173: {  	[spmem:s1] =	stream.indirect.scatter.add.bf16 [tilespmem:s12], [sflag:$0x9], $0x20, s18, s9, $0xb8;
	[tilespmem:$0x14D00] =	vst v63  }
0x174: {  	s18 =	sadd.s32 $0xFFFFFFFE, s31;
	_ =	swait.ge [sflag:s19], $0x1000  }
0x175: {  	p4 =	sge.u32 s18, s17;
	[sflag:s19] =	ssyncset.done $0x0  }
0x176: {  	s18 =	simm.s32 @!p4 $0x9;
	s22 =	sshra.s32 @!p4 s0, $0x2;
	[sflag:s19] =	ssyncadd.s32 $0xFFFFF000  }
0x177: {  	s22 =	sadd.s32 @!p4 $0x400, s22;
	_ =	swait.ge @!p4 [sflag:s18], $0x1000  }
0x178: {  	[sflag:s18] =	ssyncset.done @!p4 $0x0  }
0x179: {  	s23 =	simm.s32 @!p4 $0xBD00;
	[sflag:s18] =	ssyncadd.s32 @!p4 $0xFFFFF000;
	s18 =	simm.s32 @!p4 $0x80  }
0x17a: {  	[tilespmem:s23], [sflag:$0x3] =	stream.indirect.gather @!p4 [hbm4b:s5+s18], $0x20, s22, s18, $0xb8;
	[tilespmem:$0x14D00] =	vst v63  }
0x17b: {  	s18 =	sadd.s32 $0x5000, s6  }
0x17c: {  	[spmem:s1] =	stream.indirect.scatter.add.bf16 [tilespmem:s14], [sflag:$0xA], $0x20, s18, s9, $0xb8;
	[tilespmem:$0x14D00] =	vst v63  }
0x17d: {  	s18 =	sadd.s32 $0xFFFFFFFF, s31;
	_ =	swait.ge [sflag:s20], $0x1000  }
0x17e: {  	p4 =	sge.u32 s18, s17;
	[sflag:s20] =	ssyncset.done $0x0  }
0x17f: {  	s18 =	simm.s32 @!p4 $0xA;
	[sflag:s20] =	ssyncadd.s32 $0xFFFFF000  }
0x180: {  	_ =	swait.ge @!p4 [sflag:s18], $0x1000  }
0x181: {  	s22 =	sshra.s32 @!p4 s0, $0x2;
	s23 =	simm.s32 @!p4 $0xCD00;
	[sflag:s18] =	ssyncset.done @!p4 $0x0  }
0x182: {  	[sflag:s18] =	ssyncadd.s32 @!p4 $0xFFFFF000;
	s18 =	sadd.s32 @!p4 $0x480, s22;
	s22 =	simm.s32 @!p4 $0x80  }
0x183: {  	[tilespmem:s23], [sflag:$0x4] =	stream.indirect.gather @!p4 [hbm4b:s5+s22], $0x20, s18, s22, $0xb8;
	[tilespmem:$0x14D00] =	vst v63  }
0x184: {  	s18 =	sadd.s32 $0x5080, s6  }
0x185: {  	[spmem:s1] =	stream.indirect.scatter.add.bf16 [tilespmem:s15], [sflag:$0xB], $0x20, s18, s9, $0xb8;
	[tilespmem:$0x14D00] =	vst v63  }
0x186: {  	_ =	swait.ge [sflag:s21], $0x1000  }
0x187: {  	p4 =	sge.u32 s31, s17;
	[sflag:s21] =	ssyncset.done $0x0  }
0x188: {  	s0 =	sshra.s32 @!p4 s0, $0x2;
	s18 =	simm.s32 @!p4 $0xB;
	[sflag:s21] =	ssyncadd.s32 $0xFFFFF000  }
.Ltmp7:
0x189: {  	s0 =	sadd.s32 @!p4 $0x500, s0;
	_ =	swait.ge @!p4 [sflag:s18], $0x1000;
	(pc) =	sbr.rel @p3 .LBB2_8-.Ltmp7, $4  }
0x18a: {  	[sflag:s18] =	ssyncset.done @!p4 $0x0  }
0x18b: {  	s22 =	simm.s32 @!p4 $0xDD00;
	[sflag:s18] =	ssyncadd.s32 @!p4 $0xFFFFF000;
	s18 =	simm.s32 @!p4 $0x80  }
0x18c: {  	[tilespmem:s22], [sflag:$0x5] =	stream.indirect.gather @!p4 [hbm4b:s5+s18], $0x20, s0, s18, $0xb8;
	[tilespmem:$0x14D00] =	vst v63  }
0x18d: {  	s31 =	sadd.s32 $0x6, s31;
	s0 =	sadd.s32 $0x5100, s6  }
0x18e: {  	[spmem:s1] =	stream.indirect.scatter.add.bf16 [tilespmem:s11], [sflag:$0xC], $0x20, s0, s9, $0xb8;
	[tilespmem:$0x14D00] =	vst v63  }
.Ltmp8:
0x18f: {  	s18 =	rddreg [dreg:$0x5];
	(pc) =	sbr.rel @p2 .LBB2_11-.Ltmp8, $4  }
.Ltmp9:
0x190: {  	s31 =	rddreg [dreg:$0x6];
	(pc) =	sbr.rel @!p2 .LBB2_10-.Ltmp9, $4  }
0x191: {  	s30 =	rddreg [dreg:$0x7]  }
0x192: {  	s6 =	rddreg [dreg:$0x8]  }
0x193: {  	s0 =	rddreg [dreg:$0x9]  }
0x194: {  	_ = 	snop  }
.LBB2_12:
0x195: {  	_ =	sfence.sel $0x180000  }
0x196: {  	[bflag:$0x0] =	sbarrier.arrive $0xFFFF  }
0x197: {  	_ =	strace $0x9000004A  }
0x198: {  	s0 =	stileid.u32;
	[bflag:$0x2] =	sbarrier.arrive $0xFFFF  }
0x199: {  	p0 =	sne.s32 s0, $0x0;
	s0 =	rddreg [dreg:$0x3]  }
0x19a: {  	s0 =	sadd.s32 @!p0 $0x100000, s0  }
0x19b: {  	[sflag:s0] =	ssyncadd.tile.s32 @!p0 $0x1;
	_ =	shalt  }
.Lfunc_end2:
_tile_overlayer_lowered:
.L_overlay_start_2:
0x19c: {  	(tag) =	ssettag $0x2  }
0x19d: {  	s0 =	rddreg [dreg:$0x0];
	s2 =	stileid.u32  }
0x19e: {  	s1 =	rddreg [dreg:$0x1];
	p0 =	sne.s32 s2, $0x0  }
0x19f: {  	s3 =	rddreg [dreg:$0x2];
	[bflag:$0x3] =	sbarrier.arrive $0xFFFF;
	s2 =	simm.s32 @!p0 $0x1C0D  }
0x1a0: {  	[timem:s3], [sflag:s2] =	dma.local @!p0 [hbm:s0], s1  }
0x1a1: {  	s0 =	simm.s32 @!p0 $0xD  }
0x1a2: {  	_ =	swait.ge @!p0 [sflag:s0], s1  }
0x1a3: {  	s1 =	ssub.s32 @!p0 $0x0, s1;
	[sflag:s0] =	ssyncset.done @!p0 $0x0  }
0x1a4: {  	[sflag:s0] =	ssyncadd.s32 @!p0 s1  }
0x1a5: {  	[bflag:$0x3] =	sbarrier.arrive $0xFFFF  }
0x1a6: {  	_ =	shalt  }

</sc_bundles>
